<compile_context>
chip_gen: v7x
topology: tpu7x:2x2x1
jax: 0.10.2.dev20260603
libtpu: 0.0.44.dev20260713+nightly
codegen_flags: <defaults>
</compile_context>

<pallas_src>
import jax
import jax.numpy as jnp
from jax import lax
from jax.experimental import pallas as pl
from jax.experimental.pallas import tpu as pltpu
from jax.experimental.pallas import tpu_sc as plsc

N = 10000
E = 320000
D = 128
DE = 16

NC = 2
NS = 16
NW = NC * NS
EPW = E // NW
CH = 40
NCHUNK = EPW // CH
SUP = 10
NBLK = NCHUNK // SUP
SROW = 624
CPY = 16
TAILB = NS * SROW
TAIL = N - TAILB



def _node_pre_body(h_ref, pwh_ref, wu_ref, wv_ref, zu_ref, vp_ref):
    h = h_ref[...]
    zu_ref[:, :D] = jnp.dot(h, pwh_ref[...], preferred_element_type=jnp.float32)
    zu_ref[:, D:D + DE] = jnp.dot(h, wu_ref[...], preferred_element_type=jnp.float32)
    zu_ref[:, D + DE:] = jnp.zeros((h.shape[0], D - DE), jnp.float32)
    vp_ref[:, :DE] = jnp.dot(h, wv_ref[...], preferred_element_type=jnp.float32)
    vp_ref[:, DE:] = jnp.zeros((h.shape[0], D - DE), jnp.float32)


def _edge_pre_body(e_ref, pwe_ref, pb_ref, wwe_ref, wb_ref, me_ref, te_ref):
    ev = e_ref[...]
    me_ref[...] = jnp.dot(ev, pwe_ref[...], preferred_element_type=jnp.float32) + pb_ref[...]
    te_ref[...] = jnp.dot(ev, wwe_ref[...], preferred_element_type=jnp.float32) + wb_ref[...]


def _edge_post_body(te_ref, s_ref, o_ref):
    o_ref[...] = jnp.maximum(te_ref[...] + s_ref[...], 0.0)


def _node_post_body(h_ref, agg_ref, deg_ref, qh_ref, qa_ref, qb_ref, o_ref):
    agg = agg_ref[0] + agg_ref[1]
    deg = deg_ref[0][:, 0:1] + deg_ref[1][:, 0:1]
    aggn = agg / deg
    acc = (jnp.dot(h_ref[...], qh_ref[...], preferred_element_type=jnp.float32)
           + jnp.dot(aggn, qa_ref[...], preferred_element_type=jnp.float32)
           + qb_ref[...])
    o_ref[...] = jnp.maximum(acc, 0.0)



def _sc_body(zu_hbm, me_hbm, vp_hbm, src3_hbm, tgt3_hbm,
             zro_hbm, one_hbm,
             agg_out, deg_out, enew_out,
             sidxs, tidxs, zubufA, mebufA, vbufA,
             zubufB, mebufB, vbufB, sbuf,
             agg_sp, semGA, semLA, semGB, semLB, semD, semS, semT):
    c = lax.axis_index("c")
    s = lax.axis_index("s")
    wid = s * NC + c

    def zero_accum():
        pltpu.sync_copy(zro_hbm, agg_sp.at[pl.ds(s * SROW, SROW)])

        @pl.when(s == NS - 1)
        def _zero_tail():
            pltpu.sync_copy(zro_hbm.at[pl.ds(0, TAIL)], agg_sp.at[pl.ds(TAILB, TAIL)])

    def copy_accum_out(out_ref):
        pltpu.sync_copy(agg_sp.at[pl.ds(s * SROW, SROW)],
                        out_ref.at[c, pl.ds(s * SROW, SROW)])

        @pl.when(s == NS - 1)
        def _copy_tail():
            pltpu.sync_copy(agg_sp.at[pl.ds(TAILB, TAIL)],
                            out_ref.at[c, pl.ds(TAILB, TAIL)])

    def load_idx(b):
        pltpu.sync_copy(src3_hbm.at[wid, b], sidxs)
        pltpu.sync_copy(tgt3_hbm.at[wid, b], tidxs)

    def fire(c1, zb, mb, vb, semG, semL):
        row = lax.rem(c1, SUP)
        base = wid * EPW + c1 * CH
        pltpu.async_copy(zu_hbm.at[sidxs.at[row]], zb, semG)
        pltpu.async_copy(vp_hbm.at[tidxs.at[row]], vb, semG)
        pltpu.async_copy(me_hbm.at[pl.ds(base, CH)], mb, semL)

    def process(ci, zb, mb, vb, semG, semL, zb2, mb2, vb2, semG2, semL2):
        row = lax.rem(ci, SUP)
        base = wid * EPW + ci * CH
        c1 = ci + 1

        @pl.when(ci >= 1)
        def _drain_prev_scatter():
            pltpu.make_async_copy(mb2, agg_sp.at[tidxs.at[row]], semS).wait()

        @pl.when(jnp.logical_and(c1 < NCHUNK, lax.rem(c1, SUP) != 0))
        def _prefetch_early():
            fire(c1, zb2, mb2, vb2, semG2, semL2)

        pltpu.make_async_copy(zu_hbm.at[sidxs.at[row]], zb, semG).wait()
        pltpu.make_async_copy(vp_hbm.at[tidxs.at[row]], vb, semG).wait()
        pltpu.make_async_copy(me_hbm.at[pl.ds(base, CH)], mb, semL).wait()

        def relu_add(r, carry2):
            for j in range(D // 16):
                col = j * 16
                mv = mb[r, pl.ds(col, 16)]
                zv = zb[r, pl.ds(col, 16)]
                mb[r, pl.ds(col, 16)] = jnp.maximum(mv + zv, 0.0)
            return carry2
        lax.fori_loop(0, CH, relu_add, 0, unroll=2)

        pltpu.async_copy(mb, agg_sp.at[tidxs.at[row]], semS, add=True)

        @pl.when(ci >= 1)
        def _drain_prev_store():
            pltpu.make_async_copy(sbuf, enew_out.at[pl.ds(0, CH)], semT).wait()

        def snew(r, carry2):
            uv = zb[r, pl.ds(D, 16)]
            vv = vb[r, pl.ds(0, 16)]
            sbuf[r, pl.ds(0, 16)] = uv + vv
            return carry2
        lax.fori_loop(0, CH, snew, 0, unroll=4)
        pltpu.async_copy(sbuf, enew_out.at[pl.ds(base, CH)], semT)

        @pl.when(jnp.logical_and(c1 < NCHUNK, lax.rem(c1, SUP) == 0))
        def _prefetch_boundary():
            load_idx(c1 // SUP)
            fire(c1, zb2, mb2, vb2, semG2, semL2)

    zero_accum()
    plsc.subcore_barrier()

    load_idx(0)
    fire(0, zubufA, mebufA, vbufA, semGA, semLA)

    def pair(i2, carry):
        ci = 2 * i2
        process(ci, zubufA, mebufA, vbufA, semGA, semLA,
                zubufB, mebufB, vbufB, semGB, semLB)
        process(ci + 1, zubufB, mebufB, vbufB, semGB, semLB,
                zubufA, mebufA, vbufA, semGA, semLA)
        return carry

    lax.fori_loop(0, NCHUNK // 2, pair, 0)
    pltpu.make_async_copy(mebufB, agg_sp.at[tidxs.at[0]], semS).wait()
    pltpu.make_async_copy(sbuf, enew_out.at[pl.ds(0, CH)], semT).wait()
    plsc.subcore_barrier()
    copy_accum_out(agg_out)
    plsc.subcore_barrier()

    zero_accum()
    pltpu.sync_copy(one_hbm, mebufA)
    plsc.subcore_barrier()

    def deg_block(b, carry):
        pltpu.sync_copy(tgt3_hbm.at[wid, b], tidxs)
        for k in range(SUP):
            pltpu.async_copy(mebufA, agg_sp.at[tidxs.at[k]], semD, add=True)
        for k in range(SUP):
            pltpu.make_async_copy(mebufA, agg_sp.at[tidxs.at[k]], semD).wait()
        return carry

    lax.fori_loop(0, NBLK, deg_block, 0)
    plsc.subcore_barrier()
    copy_accum_out(deg_out)


def _sc_edge_stage(ZU, Me, Vp, src, tgt):
    zro = jnp.zeros((SROW, D), jnp.float32)
    one = jnp.ones((CH, D), jnp.float32)
    mesh = plsc.VectorSubcoreMesh(core_axis_name="c", subcore_axis_name="s")
    fn = pl.kernel(
        _sc_body,
        out_type=(
            jax.ShapeDtypeStruct((NC, N, D), jnp.float32),
            jax.ShapeDtypeStruct((NC, N, D), jnp.float32),
            jax.ShapeDtypeStruct((E, DE), jnp.float32),
        ),
        mesh=mesh,
        scratch_types=[
            pltpu.VMEM((SUP, CH), jnp.int32),
            pltpu.VMEM((SUP, CH), jnp.int32),
            pltpu.VMEM((CH, 2 * D), jnp.float32),
            pltpu.VMEM((CH, D), jnp.float32),
            pltpu.VMEM((CH, D), jnp.float32),
            pltpu.VMEM((CH, 2 * D), jnp.float32),
            pltpu.VMEM((CH, D), jnp.float32),
            pltpu.VMEM((CH, D), jnp.float32),
            pltpu.VMEM((CH, DE), jnp.float32),
            pltpu.VMEM_SHARED((N, D), jnp.float32),
            pltpu.SemaphoreType.DMA,
            pltpu.SemaphoreType.DMA,
            pltpu.SemaphoreType.DMA,
            pltpu.SemaphoreType.DMA,
            pltpu.SemaphoreType.DMA,
            pltpu.SemaphoreType.DMA,
            pltpu.SemaphoreType.DMA,
        ],
    )
    src3 = src.reshape(NW, NBLK, SUP, CH)
    tgt3 = tgt.reshape(NW, NBLK, SUP, CH)
    return fn(ZU, Me, Vp, src3, tgt3, zro, one)



def kernel(h, e, edge_index, P_w, P_b, Q_w, Q_b, W_w, W_b):
    src = edge_index[0]
    tgt = edge_index[1]

    nb = N // 1000
    ZU, Vp = pl.pallas_call(
        _node_pre_body,
        grid=(nb,),
        in_specs=[
            pl.BlockSpec((1000, D), lambda i: (i, 0)),
            pl.BlockSpec((D, D), lambda i: (0, 0)),
            pl.BlockSpec((D, DE), lambda i: (0, 0)),
            pl.BlockSpec((D, DE), lambda i: (0, 0)),
        ],
        out_specs=[
            pl.BlockSpec((1000, 2 * D), lambda i: (i, 0)),
            pl.BlockSpec((1000, D), lambda i: (i, 0)),
        ],
        out_shape=[
            jax.ShapeDtypeStruct((N, 2 * D), jnp.float32),
            jax.ShapeDtypeStruct((N, D), jnp.float32),
        ],
    )(h, P_w[:D], W_w[DE:DE + D], W_w[DE + D:])

    eb = E // 2000
    Me, Te = pl.pallas_call(
        _edge_pre_body,
        grid=(eb,),
        in_specs=[
            pl.BlockSpec((2000, DE), lambda i: (i, 0)),
            pl.BlockSpec((DE, D), lambda i: (0, 0)),
            pl.BlockSpec((1, D), lambda i: (0, 0)),
            pl.BlockSpec((DE, DE), lambda i: (0, 0)),
            pl.BlockSpec((1, DE), lambda i: (0, 0)),
        ],
        out_specs=[
            pl.BlockSpec((2000, D), lambda i: (i, 0)),
            pl.BlockSpec((2000, DE), lambda i: (i, 0)),
        ],
        out_shape=[
            jax.ShapeDtypeStruct((E, D), jnp.float32),
            jax.ShapeDtypeStruct((E, DE), jnp.float32),
        ],
    )(e, P_w[D:], P_b.reshape(1, D), W_w[:DE], W_b.reshape(1, DE))

    agg, degs, S = _sc_edge_stage(ZU, Me, Vp, src, tgt)

    e_new = pl.pallas_call(
        _edge_post_body,
        grid=(eb,),
        in_specs=[
            pl.BlockSpec((2000, DE), lambda i: (i, 0)),
            pl.BlockSpec((2000, DE), lambda i: (i, 0)),
        ],
        out_specs=pl.BlockSpec((2000, DE), lambda i: (i, 0)),
        out_shape=jax.ShapeDtypeStruct((E, DE), jnp.float32),
    )(Te, S)

    h_new = pl.pallas_call(
        _node_post_body,
        grid=(nb,),
        in_specs=[
            pl.BlockSpec((1000, D), lambda i: (i, 0)),
            pl.BlockSpec((NC, 1000, D), lambda i: (0, i, 0)),
            pl.BlockSpec((NC, 1000, D), lambda i: (0, i, 0)),
            pl.BlockSpec((D, D), lambda i: (0, 0)),
            pl.BlockSpec((D, D), lambda i: (0, 0)),
            pl.BlockSpec((1, D), lambda i: (0, 0)),
        ],
        out_specs=pl.BlockSpec((1000, D), lambda i: (i, 0)),
        out_shape=jax.ShapeDtypeStruct((N, D), jnp.float32),
    )(h, agg, degs, Q_w[:D], Q_w[D:], Q_b.reshape(1, D))

    return (h_new, e_new)

# --- scband reference (transcript-rebuilt; emitter-appended) ---
"""Pipeline reference for scband-grapelayer-31207232372751 (READ-ONLY COPY).

The authoritative reference and input builder live on the scoring server;
editing this copy changes nothing except your own understanding.
"""

import jax, jax.numpy as jnp
import numpy as np

N = 10000
E = 320000
D = 128
DE = 16

def setup_inputs(seed: int = 0) -> dict:
    key = jax.random.key(seed)
    ks = jax.random.split(key, 9)
    h = jax.random.normal(ks[0], (N, D), dtype=jnp.float32)
    e = jax.random.normal(ks[1], (E, DE), dtype=jnp.float32)
    edge_index = jax.random.randint(ks[2], (2, E), 0, N, dtype=jnp.int32)
    # Linear P: in = node_dim + edge_dim = 144, out = node_dim = 128
    P_w = jax.random.normal(ks[3], (D + DE, D), dtype=jnp.float32) * 0.05
    P_b = jax.random.normal(ks[4], (D,), dtype=jnp.float32) * 0.05
    # Linear Q: in = 2*node_dim = 256, out = node_dim = 128
    Q_w = jax.random.normal(ks[5], (2 * D, D), dtype=jnp.float32) * 0.05
    Q_b = jax.random.normal(ks[6], (D,), dtype=jnp.float32) * 0.05
    # Linear W: in = 2*node_dim + edge_dim = 272, out = edge_dim = 16
    W_w = jax.random.normal(ks[7], (2 * D + DE, DE), dtype=jnp.float32) * 0.05
    W_b = jax.random.normal(ks[8], (DE,), dtype=jnp.float32) * 0.05
    return {"h": h, "e": e, "edge_index": edge_index,
            "P_w": P_w, "P_b": P_b, "Q_w": Q_w, "Q_b": Q_b,
            "W_w": W_w, "W_b": W_b}

def reference(h, e, edge_index, P_w, P_b, Q_w, Q_b, W_w, W_b):
    source = edge_index[0]
    target = edge_index[1]
    h_u = jnp.take(h, source, axis=0)
    h_v = jnp.take(h, target, axis=0)
    message_input = jnp.concatenate([h_u, e], axis=-1)
    messages = jax.nn.relu(message_input @ P_w + P_b)
    aggregated = jnp.zeros_like(h).at[target].add(messages)
    deg = jnp.bincount(target, length=h.shape[0])[:, None]
    aggregated = aggregated / deg
    node_input = jnp.concatenate([h, aggregated], axis=-1)
    h_new = jax.nn.relu(node_input @ Q_w + Q_b)
    edge_input = jnp.concatenate([e, h_u, h_v], axis=-1)
    e_new = jax.nn.relu(edge_input @ W_w + W_b)
    return (h_new, e_new)

if __name__ == "__main__":
    import jax
    _d = setup_inputs()
    print(jax.jit(kernel)(*tuple(_d.values())))

</pallas_src>

<mosaic_0001>
#map = affine_map<(d0, d1) -> (0, 0)>
#map1 = affine_map<(d0, d1) -> (0, 0, 0, 0)>
#map2 = affine_map<(d0, d1) -> (0, 0, 0)>
module attributes {stable_mosaic.version = 14 : i64} {
  func.func @_sc_body(%arg0: i32, %arg1: i32, %arg2: memref<10000x256xf32, #tpu.memory_space<hbm>>, %arg3: memref<320000x128xf32, #tpu.memory_space<hbm>>, %arg4: memref<10000x128xf32, #tpu.memory_space<hbm>>, %arg5: memref<32x25x10x40xi32, #tpu.memory_space<hbm>>, %arg6: memref<32x25x10x40xi32, #tpu.memory_space<hbm>>, %arg7: memref<624x128xf32, #tpu.memory_space<hbm>>, %arg8: memref<40x128xf32, #tpu.memory_space<hbm>>, %arg9: memref<2x10000x128xf32, #tpu.memory_space<hbm>>, %arg10: memref<2x10000x128xf32, #tpu.memory_space<hbm>>, %arg11: memref<320000x16xf32, #tpu.memory_space<hbm>>, %arg12: memref<10x40xi32, #tpu.memory_space<vmem>>, %arg13: memref<10x40xi32, #tpu.memory_space<vmem>>, %arg14: memref<40x256xf32, #tpu.memory_space<vmem>>, %arg15: memref<40x128xf32, #tpu.memory_space<vmem>>, %arg16: memref<40x128xf32, #tpu.memory_space<vmem>>, %arg17: memref<40x256xf32, #tpu.memory_space<vmem>>, %arg18: memref<40x128xf32, #tpu.memory_space<vmem>>, %arg19: memref<40x128xf32, #tpu.memory_space<vmem>>, %arg20: memref<40x16xf32, #tpu.memory_space<vmem>>, %arg21: memref<10000x128xf32, #tpu.memory_space<vmem_shared>>, %arg22: memref<!tpu.dma_semaphore, #tpu.memory_space<semaphore_mem>>, %arg23: memref<!tpu.dma_semaphore, #tpu.memory_space<semaphore_mem>>, %arg24: memref<!tpu.dma_semaphore, #tpu.memory_space<semaphore_mem>>, %arg25: memref<!tpu.dma_semaphore, #tpu.memory_space<semaphore_mem>>, %arg26: memref<!tpu.dma_semaphore, #tpu.memory_space<semaphore_mem>>, %arg27: memref<!tpu.dma_semaphore, #tpu.memory_space<semaphore_mem>>, %arg28: memref<!tpu.dma_semaphore, #tpu.memory_space<semaphore_mem>>) attributes {dimension_semantics = [#tpu.dimension_semantics<core_parallel>, #tpu.dimension_semantics<subcore_parallel>], iteration_bounds = array<i64: 2, 16>, scalar_prefetch = 0 : i64, scratch_operands = 17 : i64, tpu.core_type = #tpu.core_type<sc_vector_subcore>, window_params = [{transform_indices = #map}, {transform_indices = #map}, {transform_indices = #map}, {transform_indices = #map1}, {transform_indices = #map1}, {transform_indices = #map}, {transform_indices = #map}, {transform_indices = #map2}, {transform_indices = #map2}, {transform_indices = #map}]} {
    %mul3A = arith.constant 2 : i32
    %mul3A_0 = arith.muli %arg1, %mul3A : i32
    %add3A = arith.addi %mul3A_0, %arg0 : i32
    %mul3A_1 = arith.constant 624 : i32
    %mul3A_2 = arith.muli %arg1, %mul3A_1 : i32
    "tpu.region"() ({
      %run_scoped3A_79 = tpu.sem_alloc : memref<!tpu.dma_semaphore, #tpu.memory_space<semaphore_mem>>
      %dma_start3A_80 = arith.constant 0 : i32
      %dma_start3A_81 = tpu.memref_slice %arg21[%mul3A_2, %dma_start3A_80] : memref<10000x128xf32, #tpu.memory_space<vmem_shared>> -> memref<624x128xf32, #tpu.memory_space<vmem_shared>>
      tpu.enqueue_dma source(%arg7 : memref<624x128xf32, #tpu.memory_space<hbm>>) target(%dma_start3A_81 : memref<624x128xf32, #tpu.memory_space<vmem_shared>>) target_semaphore(%run_scoped3A_79 : memref<!tpu.dma_semaphore, #tpu.memory_space<semaphore_mem>>)
      %dma_wait3A_82 = arith.constant 0 : i32
      %dma_wait3A_83 = tpu.memref_slice %arg21[%mul3A_2, %dma_wait3A_82] : memref<10000x128xf32, #tpu.memory_space<vmem_shared>> -> memref<624x128xf32, #tpu.memory_space<vmem_shared>>
      tpu.wait_dma2 semaphore(%run_scoped3A_79 : memref<!tpu.dma_semaphore, #tpu.memory_space<semaphore_mem>>) src(%arg7 : memref<624x128xf32, #tpu.memory_space<hbm>>) dst(%dma_wait3A_83 : memref<624x128xf32, #tpu.memory_space<vmem_shared>>)
      tpu.yield
    }) : () -> ()
    %eq3A = arith.constant 15 : i32
    %eq3A_3 = arith.cmpi eq, %arg1, %eq3A : i32
    %convert_element_type3A = arith.extui %eq3A_3 : i1 to i32
    %cond3A = arith.constant 0 : i32
    %cond3A_4 = arith.cmpi ne, %convert_element_type3A, %cond3A : i32
    scf.if %cond3A_4 {
      "tpu.region"() ({
        %run_scoped3A_79 = tpu.sem_alloc : memref<!tpu.dma_semaphore, #tpu.memory_space<semaphore_mem>>
        %dma_start3A_80 = arith.constant 9984 : i32
        %dma_start3A_81 = arith.constant 0 : i32
        %dma_start3A_82 = tpu.memref_slice %arg21[%dma_start3A_80, %dma_start3A_81] : memref<10000x128xf32, #tpu.memory_space<vmem_shared>> -> memref<16x128xf32, #tpu.memory_space<vmem_shared>>
        %dma_start3A_83 = arith.constant 0 : i32
        %dma_start3A_84 = arith.constant 0 : i32
        %dma_start3A_85 = tpu.memref_slice %arg7[%dma_start3A_83, %dma_start3A_84] : memref<624x128xf32, #tpu.memory_space<hbm>> -> memref<16x128xf32, #tpu.memory_space<hbm>>
        tpu.enqueue_dma source(%dma_start3A_85 : memref<16x128xf32, #tpu.memory_space<hbm>>) target(%dma_start3A_82 : memref<16x128xf32, #tpu.memory_space<vmem_shared>>) target_semaphore(%run_scoped3A_79 : memref<!tpu.dma_semaphore, #tpu.memory_space<semaphore_mem>>)
        %dma_wait3A_86 = arith.constant 9984 : i32
        %dma_wait3A_87 = arith.constant 0 : i32
        %dma_wait3A_88 = tpu.memref_slice %arg21[%dma_wait3A_86, %dma_wait3A_87] : memref<10000x128xf32, #tpu.memory_space<vmem_shared>> -> memref<16x128xf32, #tpu.memory_space<vmem_shared>>
        %dma_wait3A_89 = arith.constant 0 : i32
        %dma_wait3A_90 = arith.constant 0 : i32
        %dma_wait3A_91 = tpu.memref_slice %arg7[%dma_wait3A_89, %dma_wait3A_90] : memref<624x128xf32, #tpu.memory_space<hbm>> -> memref<16x128xf32, #tpu.memory_space<hbm>>
        tpu.wait_dma2 semaphore(%run_scoped3A_79 : memref<!tpu.dma_semaphore, #tpu.memory_space<semaphore_mem>>) src(%dma_wait3A_91 : memref<16x128xf32, #tpu.memory_space<hbm>>) dst(%dma_wait3A_88 : memref<16x128xf32, #tpu.memory_space<vmem_shared>>)
        tpu.yield
      }) : () -> ()
    } else {
    }
    %barrier3A = arith.constant 0 : index
    tpu.barrier barrier_id(%barrier3A)
    %run_scoped3A = arith.constant 0 : i32
    "tpu.region"() ({
      %run_scoped3A_79 = tpu.sem_alloc : memref<!tpu.dma_semaphore, #tpu.memory_space<semaphore_mem>>
      %dma_start3A_80 = arith.constant 0 : i32
      %dma_start3A_81 = arith.constant 0 : i32
      %dma_start3A_82 = tpu.memref_slice %arg5[%add3A, %run_scoped3A, %dma_start3A_80, %dma_start3A_81] : memref<32x25x10x40xi32, #tpu.memory_space<hbm>> -> memref<1x1x10x40xi32, #tpu.memory_space<hbm>>
      %dma_start3A_83 = tpu.memref_squeeze %dma_start3A_82 : memref<1x1x10x40xi32, #tpu.memory_space<hbm>> -> memref<10x40xi32, #tpu.memory_space<hbm>>
      %dma_start3A_84 = arith.constant 0 : i32
      %dma_start3A_85 = arith.constant 0 : i32
      %dma_start3A_86 = tpu.memref_slice %arg5[%add3A, %run_scoped3A, %dma_start3A_84, %dma_start3A_85] : memref<32x25x10x40xi32, #tpu.memory_space<hbm>> -> memref<1x1x10x40xi32, #tpu.memory_space<hbm>>
      %dma_start3A_87 = tpu.memref_squeeze %dma_start3A_86 : memref<1x1x10x40xi32, #tpu.memory_space<hbm>> -> memref<10x40xi32, #tpu.memory_space<hbm>>
      tpu.enqueue_dma source(%dma_start3A_87 : memref<10x40xi32, #tpu.memory_space<hbm>>) target(%arg12 : memref<10x40xi32, #tpu.memory_space<vmem>>) target_semaphore(%run_scoped3A_79 : memref<!tpu.dma_semaphore, #tpu.memory_space<semaphore_mem>>)
      %dma_wait3A_88 = arith.constant 0 : i32
      %dma_wait3A_89 = arith.constant 0 : i32
      %dma_wait3A_90 = tpu.memref_slice %arg5[%add3A, %run_scoped3A, %dma_wait3A_88, %dma_wait3A_89] : memref<32x25x10x40xi32, #tpu.memory_space<hbm>> -> memref<1x1x10x40xi32, #tpu.memory_space<hbm>>
      %dma_wait3A_91 = tpu.memref_squeeze %dma_wait3A_90 : memref<1x1x10x40xi32, #tpu.memory_space<hbm>> -> memref<10x40xi32, #tpu.memory_space<hbm>>
      %dma_wait3A_92 = arith.constant 0 : i32
      %dma_wait3A_93 = arith.constant 0 : i32
      %dma_wait3A_94 = tpu.memref_slice %arg5[%add3A, %run_scoped3A, %dma_wait3A_92, %dma_wait3A_93] : memref<32x25x10x40xi32, #tpu.memory_space<hbm>> -> memref<1x1x10x40xi32, #tpu.memory_space<hbm>>
      %dma_wait3A_95 = tpu.memref_squeeze %dma_wait3A_94 : memref<1x1x10x40xi32, #tpu.memory_space<hbm>> -> memref<10x40xi32, #tpu.memory_space<hbm>>
      tpu.wait_dma2 semaphore(%run_scoped3A_79 : memref<!tpu.dma_semaphore, #tpu.memory_space<semaphore_mem>>) src(%dma_wait3A_95 : memref<10x40xi32, #tpu.memory_space<hbm>>) dst(%arg12 : memref<10x40xi32, #tpu.memory_space<vmem>>)
      tpu.yield
    }) : () -> ()
    %run_scoped3A_5 = arith.constant 0 : i32
    "tpu.region"() ({
      %run_scoped3A_79 = tpu.sem_alloc : memref<!tpu.dma_semaphore, #tpu.memory_space<semaphore_mem>>
      %dma_start3A_80 = arith.constant 0 : i32
      %dma_start3A_81 = arith.constant 0 : i32
      %dma_start3A_82 = tpu.memref_slice %arg6[%add3A, %run_scoped3A_5, %dma_start3A_80, %dma_start3A_81] : memref<32x25x10x40xi32, #tpu.memory_space<hbm>> -> memref<1x1x10x40xi32, #tpu.memory_space<hbm>>
      %dma_start3A_83 = tpu.memref_squeeze %dma_start3A_82 : memref<1x1x10x40xi32, #tpu.memory_space<hbm>> -> memref<10x40xi32, #tpu.memory_space<hbm>>
      %dma_start3A_84 = arith.constant 0 : i32
      %dma_start3A_85 = arith.constant 0 : i32
      %dma_start3A_86 = tpu.memref_slice %arg6[%add3A, %run_scoped3A_5, %dma_start3A_84, %dma_start3A_85] : memref<32x25x10x40xi32, #tpu.memory_space<hbm>> -> memref<1x1x10x40xi32, #tpu.memory_space<hbm>>
      %dma_start3A_87 = tpu.memref_squeeze %dma_start3A_86 : memref<1x1x10x40xi32, #tpu.memory_space<hbm>> -> memref<10x40xi32, #tpu.memory_space<hbm>>
      tpu.enqueue_dma source(%dma_start3A_87 : memref<10x40xi32, #tpu.memory_space<hbm>>) target(%arg13 : memref<10x40xi32, #tpu.memory_space<vmem>>) target_semaphore(%run_scoped3A_79 : memref<!tpu.dma_semaphore, #tpu.memory_space<semaphore_mem>>)
      %dma_wait3A_88 = arith.constant 0 : i32
      %dma_wait3A_89 = arith.constant 0 : i32
      %dma_wait3A_90 = tpu.memref_slice %arg6[%add3A, %run_scoped3A_5, %dma_wait3A_88, %dma_wait3A_89] : memref<32x25x10x40xi32, #tpu.memory_space<hbm>> -> memref<1x1x10x40xi32, #tpu.memory_space<hbm>>
      %dma_wait3A_91 = tpu.memref_squeeze %dma_wait3A_90 : memref<1x1x10x40xi32, #tpu.memory_space<hbm>> -> memref<10x40xi32, #tpu.memory_space<hbm>>
      %dma_wait3A_92 = arith.constant 0 : i32
      %dma_wait3A_93 = arith.constant 0 : i32
      %dma_wait3A_94 = tpu.memref_slice %arg6[%add3A, %run_scoped3A_5, %dma_wait3A_92, %dma_wait3A_93] : memref<32x25x10x40xi32, #tpu.memory_space<hbm>> -> memref<1x1x10x40xi32, #tpu.memory_space<hbm>>
      %dma_wait3A_95 = tpu.memref_squeeze %dma_wait3A_94 : memref<1x1x10x40xi32, #tpu.memory_space<hbm>> -> memref<10x40xi32, #tpu.memory_space<hbm>>
      tpu.wait_dma2 semaphore(%run_scoped3A_79 : memref<!tpu.dma_semaphore, #tpu.memory_space<semaphore_mem>>) src(%dma_wait3A_95 : memref<10x40xi32, #tpu.memory_space<hbm>>) dst(%arg13 : memref<10x40xi32, #tpu.memory_space<vmem>>)
      tpu.yield
    }) : () -> ()
    %rem3A = arith.constant 0 : i32
    %rem3A_6 = arith.constant 10 : i32
    %rem3A_7 = arith.remsi %rem3A, %rem3A_6 : i32
    %mul3A_8 = arith.constant 10000 : i32
    %mul3A_9 = arith.muli %add3A, %mul3A_8 : i32
    %add3A_10 = arith.constant 0 : i32
    %add3A_11 = arith.addi %mul3A_9, %add3A_10 : i32
    %dma_start3A = arith.constant 0 : i32
    %dma_start3A_12 = tpu.memref_slice %arg12[%rem3A_7, %dma_start3A] : memref<10x40xi32, #tpu.memory_space<vmem>> -> memref<1x40xi32, #tpu.memory_space<vmem>>
    %dma_start3A_13 = tpu.memref_squeeze %dma_start3A_12 : memref<1x40xi32, #tpu.memory_space<vmem>> -> memref<40xi32, #tpu.memory_space<vmem>>
    %dma_start3A_14 = arith.constant 0 : i32
    %dma_start3A_15 = arith.constant 0 : i32
    %dma_start3A_16 = tpu.memref_slice %arg2[%dma_start3A_14, %dma_start3A_15] : memref<10000x256xf32, #tpu.memory_space<hbm>> -> memref<10000x256xf32, #tpu.memory_space<hbm>>
    tpu.enqueue_indirect_dma source(%dma_start3A_16 : memref<10000x256xf32, #tpu.memory_space<hbm>>) target(%arg14 : memref<40x256xf32, #tpu.memory_space<vmem>>) offsets(%dma_start3A_13 : memref<40xi32, #tpu.memory_space<vmem>>) semaphore(%arg22 : memref<!tpu.dma_semaphore, #tpu.memory_space<semaphore_mem>>)
    %dma_start3A_17 = arith.constant 0 : i32
    %dma_start3A_18 = tpu.memref_slice %arg13[%rem3A_7, %dma_start3A_17] : memref<10x40xi32, #tpu.memory_space<vmem>> -> memref<1x40xi32, #tpu.memory_space<vmem>>
    %dma_start3A_19 = tpu.memref_squeeze %dma_start3A_18 : memref<1x40xi32, #tpu.memory_space<vmem>> -> memref<40xi32, #tpu.memory_space<vmem>>
    %dma_start3A_20 = arith.constant 0 : i32
    %dma_start3A_21 = arith.constant 0 : i32
    %dma_start3A_22 = tpu.memref_slice %arg4[%dma_start3A_20, %dma_start3A_21] : memref<10000x128xf32, #tpu.memory_space<hbm>> -> memref<10000x128xf32, #tpu.memory_space<hbm>>
    tpu.enqueue_indirect_dma source(%dma_start3A_22 : memref<10000x128xf32, #tpu.memory_space<hbm>>) target(%arg16 : memref<40x128xf32, #tpu.memory_space<vmem>>) offsets(%dma_start3A_19 : memref<40xi32, #tpu.memory_space<vmem>>) semaphore(%arg22 : memref<!tpu.dma_semaphore, #tpu.memory_space<semaphore_mem>>)
    %dma_start3A_23 = arith.constant 0 : i32
    %dma_start3A_24 = tpu.memref_slice %arg3[%add3A_11, %dma_start3A_23] : memref<320000x128xf32, #tpu.memory_space<hbm>> -> memref<40x128xf32, #tpu.memory_space<hbm>>
    %dma_start3A_25 = arith.constant 0 : i32
    %dma_start3A_26 = tpu.memref_slice %arg3[%add3A_11, %dma_start3A_25] : memref<320000x128xf32, #tpu.memory_space<hbm>> -> memref<40x128xf32, #tpu.memory_space<hbm>>
    tpu.enqueue_dma source(%dma_start3A_26 : memref<40x128xf32, #tpu.memory_space<hbm>>) target(%arg15 : memref<40x128xf32, #tpu.memory_space<vmem>>) target_semaphore(%arg23 : memref<!tpu.dma_semaphore, #tpu.memory_space<semaphore_mem>>)
    %scan3A = arith.constant 0 : i32
    %scan3A_27 = arith.constant 0 : i32
    %scan3A_28 = arith.constant 125 : i32
    %scan3A_29 = arith.addi %scan3A_27, %scan3A_28 : i32
    %scan3A_30 = arith.constant 1 : i32
    scf.for %scan3A_79 = %scan3A_27 to %scan3A_29 step %scan3A_30  : i32 {
      %mul3A_80 = arith.constant 2 : i32
      %mul3A_81 = arith.muli %mul3A_80, %scan3A_79 : i32
      %rem3A_82 = arith.constant 10 : i32
      %rem3A_83 = arith.remsi %mul3A_81, %rem3A_82 : i32
      %mul3A_84 = arith.constant 10000 : i32
      %mul3A_85 = arith.muli %add3A, %mul3A_84 : i32
      %mul3A_86 = arith.constant 40 : i32
      %mul3A_87 = arith.muli %mul3A_81, %mul3A_86 : i32
      %add3A_88 = arith.addi %mul3A_85, %mul3A_87 : i32
      %add3A_89 = arith.constant 1 : i32
      %add3A_90 = arith.addi %mul3A_81, %add3A_89 : i32
      %ge3A = arith.constant 1 : i32
      %ge3A_91 = arith.cmpi sge, %mul3A_81, %ge3A : i32
      %convert_element_type3A_92 = arith.extui %ge3A_91 : i1 to i32
      %cond3A_93 = arith.constant 0 : i32
      %cond3A_94 = arith.cmpi ne, %convert_element_type3A_92, %cond3A_93 : i32
      scf.if %cond3A_94 {
        %dma_wait3A_234 = arith.constant 0 : i32
        %dma_wait3A_235 = tpu.memref_slice %arg13[%rem3A_83, %dma_wait3A_234] : memref<10x40xi32, #tpu.memory_space<vmem>> -> memref<1x40xi32, #tpu.memory_space<vmem>>
        %dma_wait3A_236 = tpu.memref_squeeze %dma_wait3A_235 : memref<1x40xi32, #tpu.memory_space<vmem>> -> memref<40xi32, #tpu.memory_space<vmem>>
        %dma_wait3A_237 = arith.constant 0 : i32
        %dma_wait3A_238 = arith.constant 0 : i32
        %dma_wait3A_239 = tpu.memref_slice %arg21[%dma_wait3A_237, %dma_wait3A_238] : memref<10000x128xf32, #tpu.memory_space<vmem_shared>> -> memref<10000x128xf32, #tpu.memory_space<vmem_shared>>
        tpu.wait_indirect_dma semaphore(%arg27 : memref<!tpu.dma_semaphore, #tpu.memory_space<semaphore_mem>>) src(%arg18 : memref<40x128xf32, #tpu.memory_space<vmem>>) dst(%dma_wait3A_239 : memref<10000x128xf32, #tpu.memory_space<vmem_shared>>)
      } else {
      }
      %lt3A = arith.constant 250 : i32
      %lt3A_95 = arith.cmpi slt, %add3A_90, %lt3A : i32
      %rem3A_96 = arith.constant 10 : i32
      %rem3A_97 = arith.remsi %add3A_90, %rem3A_96 : i32
      %ne3A = arith.constant 0 : i32
      %ne3A_98 = arith.cmpi ne, %rem3A_97, %ne3A : i32
      %and3A = arith.andi %lt3A_95, %ne3A_98 : i1
      %convert_element_type3A_99 = arith.extui %and3A : i1 to i32
      %cond3A_100 = arith.constant 0 : i32
      %cond3A_101 = arith.cmpi ne, %convert_element_type3A_99, %cond3A_100 : i32
      scf.if %cond3A_101 {
        %rem3A_234 = arith.constant 10 : i32
        %rem3A_235 = arith.remsi %add3A_90, %rem3A_234 : i32
        %mul3A_236 = arith.constant 10000 : i32
        %mul3A_237 = arith.muli %add3A, %mul3A_236 : i32
        %mul3A_238 = arith.constant 40 : i32
        %mul3A_239 = arith.muli %add3A_90, %mul3A_238 : i32
        %add3A_240 = arith.addi %mul3A_237, %mul3A_239 : i32
        %dma_start3A_241 = arith.constant 0 : i32
        %dma_start3A_242 = tpu.memref_slice %arg12[%rem3A_235, %dma_start3A_241] : memref<10x40xi32, #tpu.memory_space<vmem>> -> memref<1x40xi32, #tpu.memory_space<vmem>>
        %dma_start3A_243 = tpu.memref_squeeze %dma_start3A_242 : memref<1x40xi32, #tpu.memory_space<vmem>> -> memref<40xi32, #tpu.memory_space<vmem>>
        %dma_start3A_244 = arith.constant 0 : i32
        %dma_start3A_245 = arith.constant 0 : i32
        %dma_start3A_246 = tpu.memref_slice %arg2[%dma_start3A_244, %dma_start3A_245] : memref<10000x256xf32, #tpu.memory_space<hbm>> -> memref<10000x256xf32, #tpu.memory_space<hbm>>
        tpu.enqueue_indirect_dma source(%dma_start3A_246 : memref<10000x256xf32, #tpu.memory_space<hbm>>) target(%arg17 : memref<40x256xf32, #tpu.memory_space<vmem>>) offsets(%dma_start3A_243 : memref<40xi32, #tpu.memory_space<vmem>>) semaphore(%arg24 : memref<!tpu.dma_semaphore, #tpu.memory_space<semaphore_mem>>)
        %dma_start3A_247 = arith.constant 0 : i32
        %dma_start3A_248 = tpu.memref_slice %arg13[%rem3A_235, %dma_start3A_247] : memref<10x40xi32, #tpu.memory_space<vmem>> -> memref<1x40xi32, #tpu.memory_space<vmem>>
        %dma_start3A_249 = tpu.memref_squeeze %dma_start3A_248 : memref<1x40xi32, #tpu.memory_space<vmem>> -> memref<40xi32, #tpu.memory_space<vmem>>
        %dma_start3A_250 = arith.constant 0 : i32
        %dma_start3A_251 = arith.constant 0 : i32
        %dma_start3A_252 = tpu.memref_slice %arg4[%dma_start3A_250, %dma_start3A_251] : memref<10000x128xf32, #tpu.memory_space<hbm>> -> memref<10000x128xf32, #tpu.memory_space<hbm>>
        tpu.enqueue_indirect_dma source(%dma_start3A_252 : memref<10000x128xf32, #tpu.memory_space<hbm>>) target(%arg19 : memref<40x128xf32, #tpu.memory_space<vmem>>) offsets(%dma_start3A_249 : memref<40xi32, #tpu.memory_space<vmem>>) semaphore(%arg24 : memref<!tpu.dma_semaphore, #tpu.memory_space<semaphore_mem>>)
        %dma_start3A_253 = arith.constant 0 : i32
        %dma_start3A_254 = tpu.memref_slice %arg3[%add3A_240, %dma_start3A_253] : memref<320000x128xf32, #tpu.memory_space<hbm>> -> memref<40x128xf32, #tpu.memory_space<hbm>>
        %dma_start3A_255 = arith.constant 0 : i32
        %dma_start3A_256 = tpu.memref_slice %arg3[%add3A_240, %dma_start3A_255] : memref<320000x128xf32, #tpu.memory_space<hbm>> -> memref<40x128xf32, #tpu.memory_space<hbm>>
        tpu.enqueue_dma source(%dma_start3A_256 : memref<40x128xf32, #tpu.memory_space<hbm>>) target(%arg18 : memref<40x128xf32, #tpu.memory_space<vmem>>) target_semaphore(%arg25 : memref<!tpu.dma_semaphore, #tpu.memory_space<semaphore_mem>>)
      } else {
      }
      %dma_wait3A_102 = arith.constant 0 : i32
      %dma_wait3A_103 = tpu.memref_slice %arg12[%rem3A_83, %dma_wait3A_102] : memref<10x40xi32, #tpu.memory_space<vmem>> -> memref<1x40xi32, #tpu.memory_space<vmem>>
      %dma_wait3A_104 = tpu.memref_squeeze %dma_wait3A_103 : memref<1x40xi32, #tpu.memory_space<vmem>> -> memref<40xi32, #tpu.memory_space<vmem>>
      %dma_wait3A_105 = arith.constant 0 : i32
      %dma_wait3A_106 = arith.constant 0 : i32
      %dma_wait3A_107 = tpu.memref_slice %arg2[%dma_wait3A_105, %dma_wait3A_106] : memref<10000x256xf32, #tpu.memory_space<hbm>> -> memref<10000x256xf32, #tpu.memory_space<hbm>>
      tpu.wait_indirect_dma semaphore(%arg22 : memref<!tpu.dma_semaphore, #tpu.memory_space<semaphore_mem>>) src(%dma_wait3A_107 : memref<10000x256xf32, #tpu.memory_space<hbm>>) dst(%arg14 : memref<40x256xf32, #tpu.memory_space<vmem>>)
      %dma_wait3A_108 = arith.constant 0 : i32
      %dma_wait3A_109 = tpu.memref_slice %arg13[%rem3A_83, %dma_wait3A_108] : memref<10x40xi32, #tpu.memory_space<vmem>> -> memref<1x40xi32, #tpu.memory_space<vmem>>
      %dma_wait3A_110 = tpu.memref_squeeze %dma_wait3A_109 : memref<1x40xi32, #tpu.memory_space<vmem>> -> memref<40xi32, #tpu.memory_space<vmem>>
      %dma_wait3A_111 = arith.constant 0 : i32
      %dma_wait3A_112 = arith.constant 0 : i32
      %dma_wait3A_113 = tpu.memref_slice %arg4[%dma_wait3A_111, %dma_wait3A_112] : memref<10000x128xf32, #tpu.memory_space<hbm>> -> memref<10000x128xf32, #tpu.memory_space<hbm>>
      tpu.wait_indirect_dma semaphore(%arg22 : memref<!tpu.dma_semaphore, #tpu.memory_space<semaphore_mem>>) src(%dma_wait3A_113 : memref<10000x128xf32, #tpu.memory_space<hbm>>) dst(%arg16 : memref<40x128xf32, #tpu.memory_space<vmem>>)
      %dma_wait3A_114 = arith.constant 0 : i32
      %dma_wait3A_115 = tpu.memref_slice %arg3[%add3A_88, %dma_wait3A_114] : memref<320000x128xf32, #tpu.memory_space<hbm>> -> memref<40x128xf32, #tpu.memory_space<hbm>>
      %dma_wait3A_116 = arith.constant 0 : i32
      %dma_wait3A_117 = tpu.memref_slice %arg3[%add3A_88, %dma_wait3A_116] : memref<320000x128xf32, #tpu.memory_space<hbm>> -> memref<40x128xf32, #tpu.memory_space<hbm>>
      tpu.wait_dma2 semaphore(%arg23 : memref<!tpu.dma_semaphore, #tpu.memory_space<semaphore_mem>>) src(%dma_wait3A_117 : memref<40x128xf32, #tpu.memory_space<hbm>>) dst(%arg15 : memref<40x128xf32, #tpu.memory_space<vmem>>)
      %scan3A_118 = arith.constant 0 : i32
      %scan3A_119 = arith.constant 0 : i32
      %scan3A_120 = arith.constant 40 : i32
      %scan3A_121 = arith.addi %scan3A_119, %scan3A_120 : i32
      %scan3A_122 = arith.constant 2 : i32
      scf.for %scan3A_234 = %scan3A_119 to %scan3A_121 step %scan3A_122  : i32 {
        %get3A = arith.index_cast %scan3A_234 : i32 to index
        %get3A_235 = arith.constant 0 : index
        %get3A_236 = tpu.vector_load %arg15[%get3A, %get3A_235] {strides = array<i32>} : memref<40x128xf32, #tpu.memory_space<vmem>>, vector<1x16xf32>,
        %get3A_237 = vector.shape_cast %get3A_236 : vector<1x16xf32> to vector<16xf32>
        %get3A_238 = arith.index_cast %scan3A_234 : i32 to index
        %get3A_239 = arith.constant 0 : index
        %get3A_240 = tpu.vector_load %arg14[%get3A_238, %get3A_239] {strides = array<i32>} : memref<40x256xf32, #tpu.memory_space<vmem>>, vector<1x16xf32>,
        %get3A_241 = vector.shape_cast %get3A_240 : vector<1x16xf32> to vector<16xf32>
        %add3A_242 = arith.addf %get3A_237, %get3A_241 : vector<16xf32>
        %max3A = arith.constant 0.000000e+00 : f32
        %max3A_243 = vector.broadcast %max3A : f32 to vector<16xf32>
        %max3A_244 = arith.maximumf %add3A_242, %max3A_243 : vector<16xf32>
        %swap3A = arith.index_cast %scan3A_234 : i32 to index
        %swap3A_245 = arith.constant 0 : index
        %swap3A_246 = tpu.vector_load %arg15[%swap3A, %swap3A_245] {strides = array<i32>} : memref<40x128xf32, #tpu.memory_space<vmem>>, vector<1x16xf32>,
        %swap3A_247 = vector.shape_cast %swap3A_246 : vector<1x16xf32> to vector<16xf32>
        %swap3A_248 = vector.shape_cast %max3A_244 : vector<16xf32> to vector<1x16xf32>
        tpu.vector_store %arg15[%swap3A, %swap3A_245], %swap3A_248 {strides = array<i32>} : memref<40x128xf32, #tpu.memory_space<vmem>>, vector<1x16xf32>,
        %get3A_249 = arith.index_cast %scan3A_234 : i32 to index
        %get3A_250 = arith.constant 16 : index
        %get3A_251 = tpu.vector_load %arg15[%get3A_249, %get3A_250] {strides = array<i32>} : memref<40x128xf32, #tpu.memory_space<vmem>>, vector<1x16xf32>,
        %get3A_252 = vector.shape_cast %get3A_251 : vector<1x16xf32> to vector<16xf32>
        %get3A_253 = arith.index_cast %scan3A_234 : i32 to index
        %get3A_254 = arith.constant 16 : index
        %get3A_255 = tpu.vector_load %arg14[%get3A_253, %get3A_254] {strides = array<i32>} : memref<40x256xf32, #tpu.memory_space<vmem>>, vector<1x16xf32>,
        %get3A_256 = vector.shape_cast %get3A_255 : vector<1x16xf32> to vector<16xf32>
        %add3A_257 = arith.addf %get3A_252, %get3A_256 : vector<16xf32>
        %max3A_258 = arith.constant 0.000000e+00 : f32
        %max3A_259 = vector.broadcast %max3A_258 : f32 to vector<16xf32>
        %max3A_260 = arith.maximumf %add3A_257, %max3A_259 : vector<16xf32>
        %swap3A_261 = arith.index_cast %scan3A_234 : i32 to index
        %swap3A_262 = arith.constant 16 : index
        %swap3A_263 = tpu.vector_load %arg15[%swap3A_261, %swap3A_262] {strides = array<i32>} : memref<40x128xf32, #tpu.memory_space<vmem>>, vector<1x16xf32>,
        %swap3A_264 = vector.shape_cast %swap3A_263 : vector<1x16xf32> to vector<16xf32>
        %swap3A_265 = vector.shape_cast %max3A_260 : vector<16xf32> to vector<1x16xf32>
        tpu.vector_store %arg15[%swap3A_261, %swap3A_262], %swap3A_265 {strides = array<i32>} : memref<40x128xf32, #tpu.memory_space<vmem>>, vector<1x16xf32>,
        %get3A_266 = arith.index_cast %scan3A_234 : i32 to index
        %get3A_267 = arith.constant 32 : index
        %get3A_268 = tpu.vector_load %arg15[%get3A_266, %get3A_267] {strides = array<i32>} : memref<40x128xf32, #tpu.memory_space<vmem>>, vector<1x16xf32>,
        %get3A_269 = vector.shape_cast %get3A_268 : vector<1x16xf32> to vector<16xf32>
        %get3A_270 = arith.index_cast %scan3A_234 : i32 to index
        %get3A_271 = arith.constant 32 : index
        %get3A_272 = tpu.vector_load %arg14[%get3A_270, %get3A_271] {strides = array<i32>} : memref<40x256xf32, #tpu.memory_space<vmem>>, vector<1x16xf32>,
        %get3A_273 = vector.shape_cast %get3A_272 : vector<1x16xf32> to vector<16xf32>
        %add3A_274 = arith.addf %get3A_269, %get3A_273 : vector<16xf32>
        %max3A_275 = arith.constant 0.000000e+00 : f32
        %max3A_276 = vector.broadcast %max3A_275 : f32 to vector<16xf32>
        %max3A_277 = arith.maximumf %add3A_274, %max3A_276 : vector<16xf32>
        %swap3A_278 = arith.index_cast %scan3A_234 : i32 to index
        %swap3A_279 = arith.constant 32 : index
        %swap3A_280 = tpu.vector_load %arg15[%swap3A_278, %swap3A_279] {strides = array<i32>} : memref<40x128xf32, #tpu.memory_space<vmem>>, vector<1x16xf32>,
        %swap3A_281 = vector.shape_cast %swap3A_280 : vector<1x16xf32> to vector<16xf32>
        %swap3A_282 = vector.shape_cast %max3A_277 : vector<16xf32> to vector<1x16xf32>
        tpu.vector_store %arg15[%swap3A_278, %swap3A_279], %swap3A_282 {strides = array<i32>} : memref<40x128xf32, #tpu.memory_space<vmem>>, vector<1x16xf32>,
        %get3A_283 = arith.index_cast %scan3A_234 : i32 to index
        %get3A_284 = arith.constant 48 : index
        %get3A_285 = tpu.vector_load %arg15[%get3A_283, %get3A_284] {strides = array<i32>} : memref<40x128xf32, #tpu.memory_space<vmem>>, vector<1x16xf32>,
        %get3A_286 = vector.shape_cast %get3A_285 : vector<1x16xf32> to vector<16xf32>
        %get3A_287 = arith.index_cast %scan3A_234 : i32 to index
        %get3A_288 = arith.constant 48 : index
        %get3A_289 = tpu.vector_load %arg14[%get3A_287, %get3A_288] {strides = array<i32>} : memref<40x256xf32, #tpu.memory_space<vmem>>, vector<1x16xf32>,
        %get3A_290 = vector.shape_cast %get3A_289 : vector<1x16xf32> to vector<16xf32>
        %add3A_291 = arith.addf %get3A_286, %get3A_290 : vector<16xf32>
        %max3A_292 = arith.constant 0.000000e+00 : f32
        %max3A_293 = vector.broadcast %max3A_292 : f32 to vector<16xf32>
        %max3A_294 = arith.maximumf %add3A_291, %max3A_293 : vector<16xf32>
        %swap3A_295 = arith.index_cast %scan3A_234 : i32 to index
        %swap3A_296 = arith.constant 48 : index
        %swap3A_297 = tpu.vector_load %arg15[%swap3A_295, %swap3A_296] {strides = array<i32>} : memref<40x128xf32, #tpu.memory_space<vmem>>, vector<1x16xf32>,
        %swap3A_298 = vector.shape_cast %swap3A_297 : vector<1x16xf32> to vector<16xf32>
        %swap3A_299 = vector.shape_cast %max3A_294 : vector<16xf32> to vector<1x16xf32>
        tpu.vector_store %arg15[%swap3A_295, %swap3A_296], %swap3A_299 {strides = array<i32>} : memref<40x128xf32, #tpu.memory_space<vmem>>, vector<1x16xf32>,
        %get3A_300 = arith.index_cast %scan3A_234 : i32 to index
        %get3A_301 = arith.constant 64 : index
        %get3A_302 = tpu.vector_load %arg15[%get3A_300, %get3A_301] {strides = array<i32>} : memref<40x128xf32, #tpu.memory_space<vmem>>, vector<1x16xf32>,
        %get3A_303 = vector.shape_cast %get3A_302 : vector<1x16xf32> to vector<16xf32>
        %get3A_304 = arith.index_cast %scan3A_234 : i32 to index
        %get3A_305 = arith.constant 64 : index
        %get3A_306 = tpu.vector_load %arg14[%get3A_304, %get3A_305] {strides = array<i32>} : memref<40x256xf32, #tpu.memory_space<vmem>>, vector<1x16xf32>,
        %get3A_307 = vector.shape_cast %get3A_306 : vector<1x16xf32> to vector<16xf32>
        %add3A_308 = arith.addf %get3A_303, %get3A_307 : vector<16xf32>
        %max3A_309 = arith.constant 0.000000e+00 : f32
        %max3A_310 = vector.broadcast %max3A_309 : f32 to vector<16xf32>
        %max3A_311 = arith.maximumf %add3A_308, %max3A_310 : vector<16xf32>
        %swap3A_312 = arith.index_cast %scan3A_234 : i32 to index
        %swap3A_313 = arith.constant 64 : index
        %swap3A_314 = tpu.vector_load %arg15[%swap3A_312, %swap3A_313] {strides = array<i32>} : memref<40x128xf32, #tpu.memory_space<vmem>>, vector<1x16xf32>,
        %swap3A_315 = vector.shape_cast %swap3A_314 : vector<1x16xf32> to vector<16xf32>
        %swap3A_316 = vector.shape_cast %max3A_311 : vector<16xf32> to vector<1x16xf32>
        tpu.vector_store %arg15[%swap3A_312, %swap3A_313], %swap3A_316 {strides = array<i32>} : memref<40x128xf32, #tpu.memory_space<vmem>>, vector<1x16xf32>,
        %get3A_317 = arith.index_cast %scan3A_234 : i32 to index
        %get3A_318 = arith.constant 80 : index
        %get3A_319 = tpu.vector_load %arg15[%get3A_317, %get3A_318] {strides = array<i32>} : memref<40x128xf32, #tpu.memory_space<vmem>>, vector<1x16xf32>,
        %get3A_320 = vector.shape_cast %get3A_319 : vector<1x16xf32> to vector<16xf32>
        %get3A_321 = arith.index_cast %scan3A_234 : i32 to index
        %get3A_322 = arith.constant 80 : index
        %get3A_323 = tpu.vector_load %arg14[%get3A_321, %get3A_322] {strides = array<i32>} : memref<40x256xf32, #tpu.memory_space<vmem>>, vector<1x16xf32>,
        %get3A_324 = vector.shape_cast %get3A_323 : vector<1x16xf32> to vector<16xf32>
        %add3A_325 = arith.addf %get3A_320, %get3A_324 : vector<16xf32>
        %max3A_326 = arith.constant 0.000000e+00 : f32
        %max3A_327 = vector.broadcast %max3A_326 : f32 to vector<16xf32>
        %max3A_328 = arith.maximumf %add3A_325, %max3A_327 : vector<16xf32>
        %swap3A_329 = arith.index_cast %scan3A_234 : i32 to index
        %swap3A_330 = arith.constant 80 : index
        %swap3A_331 = tpu.vector_load %arg15[%swap3A_329, %swap3A_330] {strides = array<i32>} : memref<40x128xf32, #tpu.memory_space<vmem>>, vector<1x16xf32>,
        %swap3A_332 = vector.shape_cast %swap3A_331 : vector<1x16xf32> to vector<16xf32>
        %swap3A_333 = vector.shape_cast %max3A_328 : vector<16xf32> to vector<1x16xf32>
        tpu.vector_store %arg15[%swap3A_329, %swap3A_330], %swap3A_333 {strides = array<i32>} : memref<40x128xf32, #tpu.memory_space<vmem>>, vector<1x16xf32>,
        %get3A_334 = arith.index_cast %scan3A_234 : i32 to index
        %get3A_335 = arith.constant 96 : index
        %get3A_336 = tpu.vector_load %arg15[%get3A_334, %get3A_335] {strides = array<i32>} : memref<40x128xf32, #tpu.memory_space<vmem>>, vector<1x16xf32>,
        %get3A_337 = vector.shape_cast %get3A_336 : vector<1x16xf32> to vector<16xf32>
        %get3A_338 = arith.index_cast %scan3A_234 : i32 to index
        %get3A_339 = arith.constant 96 : index
        %get3A_340 = tpu.vector_load %arg14[%get3A_338, %get3A_339] {strides = array<i32>} : memref<40x256xf32, #tpu.memory_space<vmem>>, vector<1x16xf32>,
        %get3A_341 = vector.shape_cast %get3A_340 : vector<1x16xf32> to vector<16xf32>
        %add3A_342 = arith.addf %get3A_337, %get3A_341 : vector<16xf32>
        %max3A_343 = arith.constant 0.000000e+00 : f32
        %max3A_344 = vector.broadcast %max3A_343 : f32 to vector<16xf32>
        %max3A_345 = arith.maximumf %add3A_342, %max3A_344 : vector<16xf32>
        %swap3A_346 = arith.index_cast %scan3A_234 : i32 to index
        %swap3A_347 = arith.constant 96 : index
        %swap3A_348 = tpu.vector_load %arg15[%swap3A_346, %swap3A_347] {strides = array<i32>} : memref<40x128xf32, #tpu.memory_space<vmem>>, vector<1x16xf32>,
        %swap3A_349 = vector.shape_cast %swap3A_348 : vector<1x16xf32> to vector<16xf32>
        %swap3A_350 = vector.shape_cast %max3A_345 : vector<16xf32> to vector<1x16xf32>
        tpu.vector_store %arg15[%swap3A_346, %swap3A_347], %swap3A_350 {strides = array<i32>} : memref<40x128xf32, #tpu.memory_space<vmem>>, vector<1x16xf32>,
        %get3A_351 = arith.index_cast %scan3A_234 : i32 to index
        %get3A_352 = arith.constant 112 : index
        %get3A_353 = tpu.vector_load %arg15[%get3A_351, %get3A_352] {strides = array<i32>} : memref<40x128xf32, #tpu.memory_space<vmem>>, vector<1x16xf32>,
        %get3A_354 = vector.shape_cast %get3A_353 : vector<1x16xf32> to vector<16xf32>
        %get3A_355 = arith.index_cast %scan3A_234 : i32 to index
        %get3A_356 = arith.constant 112 : index
        %get3A_357 = tpu.vector_load %arg14[%get3A_355, %get3A_356] {strides = array<i32>} : memref<40x256xf32, #tpu.memory_space<vmem>>, vector<1x16xf32>,
        %get3A_358 = vector.shape_cast %get3A_357 : vector<1x16xf32> to vector<16xf32>
        %add3A_359 = arith.addf %get3A_354, %get3A_358 : vector<16xf32>
        %max3A_360 = arith.constant 0.000000e+00 : f32
        %max3A_361 = vector.broadcast %max3A_360 : f32 to vector<16xf32>
        %max3A_362 = arith.maximumf %add3A_359, %max3A_361 : vector<16xf32>
        %swap3A_363 = arith.index_cast %scan3A_234 : i32 to index
        %swap3A_364 = arith.constant 112 : index
        %swap3A_365 = tpu.vector_load %arg15[%swap3A_363, %swap3A_364] {strides = array<i32>} : memref<40x128xf32, #tpu.memory_space<vmem>>, vector<1x16xf32>,
        %swap3A_366 = vector.shape_cast %swap3A_365 : vector<1x16xf32> to vector<16xf32>
        %swap3A_367 = vector.shape_cast %max3A_362 : vector<16xf32> to vector<1x16xf32>
        tpu.vector_store %arg15[%swap3A_363, %swap3A_364], %swap3A_367 {strides = array<i32>} : memref<40x128xf32, #tpu.memory_space<vmem>>, vector<1x16xf32>,
        %scan3A_368 = arith.constant 1 : i32
        %scan3A_369 = arith.addi %scan3A_234, %scan3A_368 : i32
        %get3A_370 = arith.index_cast %scan3A_369 : i32 to index
        %get3A_371 = arith.constant 0 : index
        %get3A_372 = tpu.vector_load %arg15[%get3A_370, %get3A_371] {strides = array<i32>} : memref<40x128xf32, #tpu.memory_space<vmem>>, vector<1x16xf32>,
        %get3A_373 = vector.shape_cast %get3A_372 : vector<1x16xf32> to vector<16xf32>
        %get3A_374 = arith.index_cast %scan3A_369 : i32 to index
        %get3A_375 = arith.constant 0 : index
        %get3A_376 = tpu.vector_load %arg14[%get3A_374, %get3A_375] {strides = array<i32>} : memref<40x256xf32, #tpu.memory_space<vmem>>, vector<1x16xf32>,
        %get3A_377 = vector.shape_cast %get3A_376 : vector<1x16xf32> to vector<16xf32>
        %add3A_378 = arith.addf %get3A_373, %get3A_377 : vector<16xf32>
        %max3A_379 = arith.constant 0.000000e+00 : f32
        %max3A_380 = vector.broadcast %max3A_379 : f32 to vector<16xf32>
        %max3A_381 = arith.maximumf %add3A_378, %max3A_380 : vector<16xf32>
        %swap3A_382 = arith.index_cast %scan3A_369 : i32 to index
        %swap3A_383 = arith.constant 0 : index
        %swap3A_384 = tpu.vector_load %arg15[%swap3A_382, %swap3A_383] {strides = array<i32>} : memref<40x128xf32, #tpu.memory_space<vmem>>, vector<1x16xf32>,
        %swap3A_385 = vector.shape_cast %swap3A_384 : vector<1x16xf32> to vector<16xf32>
        %swap3A_386 = vector.shape_cast %max3A_381 : vector<16xf32> to vector<1x16xf32>
        tpu.vector_store %arg15[%swap3A_382, %swap3A_383], %swap3A_386 {strides = array<i32>} : memref<40x128xf32, #tpu.memory_space<vmem>>, vector<1x16xf32>,
        %get3A_387 = arith.index_cast %scan3A_369 : i32 to index
        %get3A_388 = arith.constant 16 : index
        %get3A_389 = tpu.vector_load %arg15[%get3A_387, %get3A_388] {strides = array<i32>} : memref<40x128xf32, #tpu.memory_space<vmem>>, vector<1x16xf32>,
        %get3A_390 = vector.shape_cast %get3A_389 : vector<1x16xf32> to vector<16xf32>
        %get3A_391 = arith.index_cast %scan3A_369 : i32 to index
        %get3A_392 = arith.constant 16 : index
        %get3A_393 = tpu.vector_load %arg14[%get3A_391, %get3A_392] {strides = array<i32>} : memref<40x256xf32, #tpu.memory_space<vmem>>, vector<1x16xf32>,
        %get3A_394 = vector.shape_cast %get3A_393 : vector<1x16xf32> to vector<16xf32>
        %add3A_395 = arith.addf %get3A_390, %get3A_394 : vector<16xf32>
        %max3A_396 = arith.constant 0.000000e+00 : f32
        %max3A_397 = vector.broadcast %max3A_396 : f32 to vector<16xf32>
        %max3A_398 = arith.maximumf %add3A_395, %max3A_397 : vector<16xf32>
        %swap3A_399 = arith.index_cast %scan3A_369 : i32 to index
        %swap3A_400 = arith.constant 16 : index
        %swap3A_401 = tpu.vector_load %arg15[%swap3A_399, %swap3A_400] {strides = array<i32>} : memref<40x128xf32, #tpu.memory_space<vmem>>, vector<1x16xf32>,
        %swap3A_402 = vector.shape_cast %swap3A_401 : vector<1x16xf32> to vector<16xf32>
        %swap3A_403 = vector.shape_cast %max3A_398 : vector<16xf32> to vector<1x16xf32>
        tpu.vector_store %arg15[%swap3A_399, %swap3A_400], %swap3A_403 {strides = array<i32>} : memref<40x128xf32, #tpu.memory_space<vmem>>, vector<1x16xf32>,
        %get3A_404 = arith.index_cast %scan3A_369 : i32 to index
        %get3A_405 = arith.constant 32 : index
        %get3A_406 = tpu.vector_load %arg15[%get3A_404, %get3A_405] {strides = array<i32>} : memref<40x128xf32, #tpu.memory_space<vmem>>, vector<1x16xf32>,
        %get3A_407 = vector.shape_cast %get3A_406 : vector<1x16xf32> to vector<16xf32>
        %get3A_408 = arith.index_cast %scan3A_369 : i32 to index
        %get3A_409 = arith.constant 32 : index
        %get3A_410 = tpu.vector_load %arg14[%get3A_408, %get3A_409] {strides = array<i32>} : memref<40x256xf32, #tpu.memory_space<vmem>>, vector<1x16xf32>,
        %get3A_411 = vector.shape_cast %get3A_410 : vector<1x16xf32> to vector<16xf32>
        %add3A_412 = arith.addf %get3A_407, %get3A_411 : vector<16xf32>
        %max3A_413 = arith.constant 0.000000e+00 : f32
        %max3A_414 = vector.broadcast %max3A_413 : f32 to vector<16xf32>
        %max3A_415 = arith.maximumf %add3A_412, %max3A_414 : vector<16xf32>
        %swap3A_416 = arith.index_cast %scan3A_369 : i32 to index
        %swap3A_417 = arith.constant 32 : index
        %swap3A_418 = tpu.vector_load %arg15[%swap3A_416, %swap3A_417] {strides = array<i32>} : memref<40x128xf32, #tpu.memory_space<vmem>>, vector<1x16xf32>,
        %swap3A_419 = vector.shape_cast %swap3A_418 : vector<1x16xf32> to vector<16xf32>
        %swap3A_420 = vector.shape_cast %max3A_415 : vector<16xf32> to vector<1x16xf32>
        tpu.vector_store %arg15[%swap3A_416, %swap3A_417], %swap3A_420 {strides = array<i32>} : memref<40x128xf32, #tpu.memory_space<vmem>>, vector<1x16xf32>,
        %get3A_421 = arith.index_cast %scan3A_369 : i32 to index
        %get3A_422 = arith.constant 48 : index
        %get3A_423 = tpu.vector_load %arg15[%get3A_421, %get3A_422] {strides = array<i32>} : memref<40x128xf32, #tpu.memory_space<vmem>>, vector<1x16xf32>,
        %get3A_424 = vector.shape_cast %get3A_423 : vector<1x16xf32> to vector<16xf32>
        %get3A_425 = arith.index_cast %scan3A_369 : i32 to index
        %get3A_426 = arith.constant 48 : index
        %get3A_427 = tpu.vector_load %arg14[%get3A_425, %get3A_426] {strides = array<i32>} : memref<40x256xf32, #tpu.memory_space<vmem>>, vector<1x16xf32>,
        %get3A_428 = vector.shape_cast %get3A_427 : vector<1x16xf32> to vector<16xf32>
        %add3A_429 = arith.addf %get3A_424, %get3A_428 : vector<16xf32>
        %max3A_430 = arith.constant 0.000000e+00 : f32
        %max3A_431 = vector.broadcast %max3A_430 : f32 to vector<16xf32>
        %max3A_432 = arith.maximumf %add3A_429, %max3A_431 : vector<16xf32>
        %swap3A_433 = arith.index_cast %scan3A_369 : i32 to index
        %swap3A_434 = arith.constant 48 : index
        %swap3A_435 = tpu.vector_load %arg15[%swap3A_433, %swap3A_434] {strides = array<i32>} : memref<40x128xf32, #tpu.memory_space<vmem>>, vector<1x16xf32>,
        %swap3A_436 = vector.shape_cast %swap3A_435 : vector<1x16xf32> to vector<16xf32>
        %swap3A_437 = vector.shape_cast %max3A_432 : vector<16xf32> to vector<1x16xf32>
        tpu.vector_store %arg15[%swap3A_433, %swap3A_434], %swap3A_437 {strides = array<i32>} : memref<40x128xf32, #tpu.memory_space<vmem>>, vector<1x16xf32>,
        %get3A_438 = arith.index_cast %scan3A_369 : i32 to index
        %get3A_439 = arith.constant 64 : index
        %get3A_440 = tpu.vector_load %arg15[%get3A_438, %get3A_439] {strides = array<i32>} : memref<40x128xf32, #tpu.memory_space<vmem>>, vector<1x16xf32>,
        %get3A_441 = vector.shape_cast %get3A_440 : vector<1x16xf32> to vector<16xf32>
        %get3A_442 = arith.index_cast %scan3A_369 : i32 to index
        %get3A_443 = arith.constant 64 : index
        %get3A_444 = tpu.vector_load %arg14[%get3A_442, %get3A_443] {strides = array<i32>} : memref<40x256xf32, #tpu.memory_space<vmem>>, vector<1x16xf32>,
        %get3A_445 = vector.shape_cast %get3A_444 : vector<1x16xf32> to vector<16xf32>
        %add3A_446 = arith.addf %get3A_441, %get3A_445 : vector<16xf32>
        %max3A_447 = arith.constant 0.000000e+00 : f32
        %max3A_448 = vector.broadcast %max3A_447 : f32 to vector<16xf32>
        %max3A_449 = arith.maximumf %add3A_446, %max3A_448 : vector<16xf32>
        %swap3A_450 = arith.index_cast %scan3A_369 : i32 to index
        %swap3A_451 = arith.constant 64 : index
        %swap3A_452 = tpu.vector_load %arg15[%swap3A_450, %swap3A_451] {strides = array<i32>} : memref<40x128xf32, #tpu.memory_space<vmem>>, vector<1x16xf32>,
        %swap3A_453 = vector.shape_cast %swap3A_452 : vector<1x16xf32> to vector<16xf32>
        %swap3A_454 = vector.shape_cast %max3A_449 : vector<16xf32> to vector<1x16xf32>
        tpu.vector_store %arg15[%swap3A_450, %swap3A_451], %swap3A_454 {strides = array<i32>} : memref<40x128xf32, #tpu.memory_space<vmem>>, vector<1x16xf32>,
        %get3A_455 = arith.index_cast %scan3A_369 : i32 to index
        %get3A_456 = arith.constant 80 : index
        %get3A_457 = tpu.vector_load %arg15[%get3A_455, %get3A_456] {strides = array<i32>} : memref<40x128xf32, #tpu.memory_space<vmem>>, vector<1x16xf32>,
        %get3A_458 = vector.shape_cast %get3A_457 : vector<1x16xf32> to vector<16xf32>
        %get3A_459 = arith.index_cast %scan3A_369 : i32 to index
        %get3A_460 = arith.constant 80 : index
        %get3A_461 = tpu.vector_load %arg14[%get3A_459, %get3A_460] {strides = array<i32>} : memref<40x256xf32, #tpu.memory_space<vmem>>, vector<1x16xf32>,
        %get3A_462 = vector.shape_cast %get3A_461 : vector<1x16xf32> to vector<16xf32>
        %add3A_463 = arith.addf %get3A_458, %get3A_462 : vector<16xf32>
        %max3A_464 = arith.constant 0.000000e+00 : f32
        %max3A_465 = vector.broadcast %max3A_464 : f32 to vector<16xf32>
        %max3A_466 = arith.maximumf %add3A_463, %max3A_465 : vector<16xf32>
        %swap3A_467 = arith.index_cast %scan3A_369 : i32 to index
        %swap3A_468 = arith.constant 80 : index
        %swap3A_469 = tpu.vector_load %arg15[%swap3A_467, %swap3A_468] {strides = array<i32>} : memref<40x128xf32, #tpu.memory_space<vmem>>, vector<1x16xf32>,
        %swap3A_470 = vector.shape_cast %swap3A_469 : vector<1x16xf32> to vector<16xf32>
        %swap3A_471 = vector.shape_cast %max3A_466 : vector<16xf32> to vector<1x16xf32>
        tpu.vector_store %arg15[%swap3A_467, %swap3A_468], %swap3A_471 {strides = array<i32>} : memref<40x128xf32, #tpu.memory_space<vmem>>, vector<1x16xf32>,
        %get3A_472 = arith.index_cast %scan3A_369 : i32 to index
        %get3A_473 = arith.constant 96 : index
        %get3A_474 = tpu.vector_load %arg15[%get3A_472, %get3A_473] {strides = array<i32>} : memref<40x128xf32, #tpu.memory_space<vmem>>, vector<1x16xf32>,
        %get3A_475 = vector.shape_cast %get3A_474 : vector<1x16xf32> to vector<16xf32>
        %get3A_476 = arith.index_cast %scan3A_369 : i32 to index
        %get3A_477 = arith.constant 96 : index
        %get3A_478 = tpu.vector_load %arg14[%get3A_476, %get3A_477] {strides = array<i32>} : memref<40x256xf32, #tpu.memory_space<vmem>>, vector<1x16xf32>,
        %get3A_479 = vector.shape_cast %get3A_478 : vector<1x16xf32> to vector<16xf32>
        %add3A_480 = arith.addf %get3A_475, %get3A_479 : vector<16xf32>
        %max3A_481 = arith.constant 0.000000e+00 : f32
        %max3A_482 = vector.broadcast %max3A_481 : f32 to vector<16xf32>
        %max3A_483 = arith.maximumf %add3A_480, %max3A_482 : vector<16xf32>
        %swap3A_484 = arith.index_cast %scan3A_369 : i32 to index
        %swap3A_485 = arith.constant 96 : index
        %swap3A_486 = tpu.vector_load %arg15[%swap3A_484, %swap3A_485] {strides = array<i32>} : memref<40x128xf32, #tpu.memory_space<vmem>>, vector<1x16xf32>,
        %swap3A_487 = vector.shape_cast %swap3A_486 : vector<1x16xf32> to vector<16xf32>
        %swap3A_488 = vector.shape_cast %max3A_483 : vector<16xf32> to vector<1x16xf32>
        tpu.vector_store %arg15[%swap3A_484, %swap3A_485], %swap3A_488 {strides = array<i32>} : memref<40x128xf32, #tpu.memory_space<vmem>>, vector<1x16xf32>,
        %get3A_489 = arith.index_cast %scan3A_369 : i32 to index
        %get3A_490 = arith.constant 112 : index
        %get3A_491 = tpu.vector_load %arg15[%get3A_489, %get3A_490] {strides = array<i32>} : memref<40x128xf32, #tpu.memory_space<vmem>>, vector<1x16xf32>,
        %get3A_492 = vector.shape_cast %get3A_491 : vector<1x16xf32> to vector<16xf32>
        %get3A_493 = arith.index_cast %scan3A_369 : i32 to index
        %get3A_494 = arith.constant 112 : index
        %get3A_495 = tpu.vector_load %arg14[%get3A_493, %get3A_494] {strides = array<i32>} : memref<40x256xf32, #tpu.memory_space<vmem>>, vector<1x16xf32>,
        %get3A_496 = vector.shape_cast %get3A_495 : vector<1x16xf32> to vector<16xf32>
        %add3A_497 = arith.addf %get3A_492, %get3A_496 : vector<16xf32>
        %max3A_498 = arith.constant 0.000000e+00 : f32
        %max3A_499 = vector.broadcast %max3A_498 : f32 to vector<16xf32>
        %max3A_500 = arith.maximumf %add3A_497, %max3A_499 : vector<16xf32>
        %swap3A_501 = arith.index_cast %scan3A_369 : i32 to index
        %swap3A_502 = arith.constant 112 : index
        %swap3A_503 = tpu.vector_load %arg15[%swap3A_501, %swap3A_502] {strides = array<i32>} : memref<40x128xf32, #tpu.memory_space<vmem>>, vector<1x16xf32>,
        %swap3A_504 = vector.shape_cast %swap3A_503 : vector<1x16xf32> to vector<16xf32>
        %swap3A_505 = vector.shape_cast %max3A_500 : vector<16xf32> to vector<1x16xf32>
        tpu.vector_store %arg15[%swap3A_501, %swap3A_502], %swap3A_505 {strides = array<i32>} : memref<40x128xf32, #tpu.memory_space<vmem>>, vector<1x16xf32>,
      }
      %scan3A_123 = arith.constant 40 : i32
      %dma_start3A_124 = arith.constant 0 : i32
      %dma_start3A_125 = tpu.memref_slice %arg13[%rem3A_83, %dma_start3A_124] : memref<10x40xi32, #tpu.memory_space<vmem>> -> memref<1x40xi32, #tpu.memory_space<vmem>>
      %dma_start3A_126 = tpu.memref_squeeze %dma_start3A_125 : memref<1x40xi32, #tpu.memory_space<vmem>> -> memref<40xi32, #tpu.memory_space<vmem>>
      %dma_start3A_127 = arith.constant 0 : i32
      %dma_start3A_128 = arith.constant 0 : i32
      %dma_start3A_129 = tpu.memref_slice %arg21[%dma_start3A_127, %dma_start3A_128] : memref<10000x128xf32, #tpu.memory_space<vmem_shared>> -> memref<10000x128xf32, #tpu.memory_space<vmem_shared>>
      tpu.enqueue_indirect_dma source(%arg15 : memref<40x128xf32, #tpu.memory_space<vmem>>) target(%dma_start3A_129 : memref<10000x128xf32, #tpu.memory_space<vmem_shared>>) offsets(%dma_start3A_126 : memref<40xi32, #tpu.memory_space<vmem>>) semaphore(%arg27 : memref<!tpu.dma_semaphore, #tpu.memory_space<semaphore_mem>>) {add = true}
      %ge3A_130 = arith.constant 1 : i32
      %ge3A_131 = arith.cmpi sge, %mul3A_81, %ge3A_130 : i32
      %convert_element_type3A_132 = arith.extui %ge3A_131 : i1 to i32
      %cond3A_133 = arith.constant 0 : i32
      %cond3A_134 = arith.cmpi ne, %convert_element_type3A_132, %cond3A_133 : i32
      scf.if %cond3A_134 {
        %dma_wait3A_234 = arith.constant 0 : i32
        %dma_wait3A_235 = arith.constant 0 : i32
        %dma_wait3A_236 = tpu.memref_slice %arg11[%dma_wait3A_234, %dma_wait3A_235] : memref<320000x16xf32, #tpu.memory_space<hbm>> -> memref<40x16xf32, #tpu.memory_space<hbm>>
        %dma_wait3A_237 = arith.constant 0 : i32
        %dma_wait3A_238 = arith.constant 0 : i32
        %dma_wait3A_239 = tpu.memref_slice %arg11[%dma_wait3A_237, %dma_wait3A_238] : memref<320000x16xf32, #tpu.memory_space<hbm>> -> memref<40x16xf32, #tpu.memory_space<hbm>>
        tpu.wait_dma2 semaphore(%arg28 : memref<!tpu.dma_semaphore, #tpu.memory_space<semaphore_mem>>) src(%arg20 : memref<40x16xf32, #tpu.memory_space<vmem>>) dst(%dma_wait3A_239 : memref<40x16xf32, #tpu.memory_space<hbm>>)
      } else {
      }
      %scan3A_135 = arith.constant 0 : i32
      %scan3A_136 = arith.constant 0 : i32
      %scan3A_137 = arith.constant 40 : i32
      %scan3A_138 = arith.addi %scan3A_136, %scan3A_137 : i32
      %scan3A_139 = arith.constant 4 : i32
      scf.for %scan3A_234 = %scan3A_136 to %scan3A_138 step %scan3A_139  : i32 {
        %get3A = arith.index_cast %scan3A_234 : i32 to index
        %get3A_235 = arith.constant 128 : index
        %get3A_236 = tpu.vector_load %arg14[%get3A, %get3A_235] {strides = array<i32>} : memref<40x256xf32, #tpu.memory_space<vmem>>, vector<1x16xf32>,
        %get3A_237 = vector.shape_cast %get3A_236 : vector<1x16xf32> to vector<16xf32>
        %get3A_238 = arith.index_cast %scan3A_234 : i32 to index
        %get3A_239 = arith.constant 0 : index
        %get3A_240 = tpu.vector_load %arg16[%get3A_238, %get3A_239] {strides = array<i32>} : memref<40x128xf32, #tpu.memory_space<vmem>>, vector<1x16xf32>,
        %get3A_241 = vector.shape_cast %get3A_240 : vector<1x16xf32> to vector<16xf32>
        %add3A_242 = arith.addf %get3A_237, %get3A_241 : vector<16xf32>
        %swap3A = arith.index_cast %scan3A_234 : i32 to index
        %swap3A_243 = arith.constant 0 : index
        %swap3A_244 = tpu.vector_load %arg20[%swap3A, %swap3A_243] {strides = array<i32>} : memref<40x16xf32, #tpu.memory_space<vmem>>, vector<1x16xf32>,
        %swap3A_245 = vector.shape_cast %swap3A_244 : vector<1x16xf32> to vector<16xf32>
        %swap3A_246 = vector.shape_cast %add3A_242 : vector<16xf32> to vector<1x16xf32>
        tpu.vector_store %arg20[%swap3A, %swap3A_243], %swap3A_246 {strides = array<i32>} : memref<40x16xf32, #tpu.memory_space<vmem>>, vector<1x16xf32>,
        %scan3A_247 = arith.constant 1 : i32
        %scan3A_248 = arith.addi %scan3A_234, %scan3A_247 : i32
        %get3A_249 = arith.index_cast %scan3A_248 : i32 to index
        %get3A_250 = arith.constant 128 : index
        %get3A_251 = tpu.vector_load %arg14[%get3A_249, %get3A_250] {strides = array<i32>} : memref<40x256xf32, #tpu.memory_space<vmem>>, vector<1x16xf32>,
        %get3A_252 = vector.shape_cast %get3A_251 : vector<1x16xf32> to vector<16xf32>
        %get3A_253 = arith.index_cast %scan3A_248 : i32 to index
        %get3A_254 = arith.constant 0 : index
        %get3A_255 = tpu.vector_load %arg16[%get3A_253, %get3A_254] {strides = array<i32>} : memref<40x128xf32, #tpu.memory_space<vmem>>, vector<1x16xf32>,
        %get3A_256 = vector.shape_cast %get3A_255 : vector<1x16xf32> to vector<16xf32>
        %add3A_257 = arith.addf %get3A_252, %get3A_256 : vector<16xf32>
        %swap3A_258 = arith.index_cast %scan3A_248 : i32 to index
        %swap3A_259 = arith.constant 0 : index
        %swap3A_260 = tpu.vector_load %arg20[%swap3A_258, %swap3A_259] {strides = array<i32>} : memref<40x16xf32, #tpu.memory_space<vmem>>, vector<1x16xf32>,
        %swap3A_261 = vector.shape_cast %swap3A_260 : vector<1x16xf32> to vector<16xf32>
        %swap3A_262 = vector.shape_cast %add3A_257 : vector<16xf32> to vector<1x16xf32>
        tpu.vector_store %arg20[%swap3A_258, %swap3A_259], %swap3A_262 {strides = array<i32>} : memref<40x16xf32, #tpu.memory_space<vmem>>, vector<1x16xf32>,
        %scan3A_263 = arith.constant 2 : i32
        %scan3A_264 = arith.addi %scan3A_234, %scan3A_263 : i32
        %get3A_265 = arith.index_cast %scan3A_264 : i32 to index
        %get3A_266 = arith.constant 128 : index
        %get3A_267 = tpu.vector_load %arg14[%get3A_265, %get3A_266] {strides = array<i32>} : memref<40x256xf32, #tpu.memory_space<vmem>>, vector<1x16xf32>,
        %get3A_268 = vector.shape_cast %get3A_267 : vector<1x16xf32> to vector<16xf32>
        %get3A_269 = arith.index_cast %scan3A_264 : i32 to index
        %get3A_270 = arith.constant 0 : index
        %get3A_271 = tpu.vector_load %arg16[%get3A_269, %get3A_270] {strides = array<i32>} : memref<40x128xf32, #tpu.memory_space<vmem>>, vector<1x16xf32>,
        %get3A_272 = vector.shape_cast %get3A_271 : vector<1x16xf32> to vector<16xf32>
        %add3A_273 = arith.addf %get3A_268, %get3A_272 : vector<16xf32>
        %swap3A_274 = arith.index_cast %scan3A_264 : i32 to index
        %swap3A_275 = arith.constant 0 : index
        %swap3A_276 = tpu.vector_load %arg20[%swap3A_274, %swap3A_275] {strides = array<i32>} : memref<40x16xf32, #tpu.memory_space<vmem>>, vector<1x16xf32>,
        %swap3A_277 = vector.shape_cast %swap3A_276 : vector<1x16xf32> to vector<16xf32>
        %swap3A_278 = vector.shape_cast %add3A_273 : vector<16xf32> to vector<1x16xf32>
        tpu.vector_store %arg20[%swap3A_274, %swap3A_275], %swap3A_278 {strides = array<i32>} : memref<40x16xf32, #tpu.memory_space<vmem>>, vector<1x16xf32>,
        %scan3A_279 = arith.constant 3 : i32
        %scan3A_280 = arith.addi %scan3A_234, %scan3A_279 : i32
        %get3A_281 = arith.index_cast %scan3A_280 : i32 to index
        %get3A_282 = arith.constant 128 : index
        %get3A_283 = tpu.vector_load %arg14[%get3A_281, %get3A_282] {strides = array<i32>} : memref<40x256xf32, #tpu.memory_space<vmem>>, vector<1x16xf32>,
        %get3A_284 = vector.shape_cast %get3A_283 : vector<1x16xf32> to vector<16xf32>
        %get3A_285 = arith.index_cast %scan3A_280 : i32 to index
        %get3A_286 = arith.constant 0 : index
        %get3A_287 = tpu.vector_load %arg16[%get3A_285, %get3A_286] {strides = array<i32>} : memref<40x128xf32, #tpu.memory_space<vmem>>, vector<1x16xf32>,
        %get3A_288 = vector.shape_cast %get3A_287 : vector<1x16xf32> to vector<16xf32>
        %add3A_289 = arith.addf %get3A_284, %get3A_288 : vector<16xf32>
        %swap3A_290 = arith.index_cast %scan3A_280 : i32 to index
        %swap3A_291 = arith.constant 0 : index
        %swap3A_292 = tpu.vector_load %arg20[%swap3A_290, %swap3A_291] {strides = array<i32>} : memref<40x16xf32, #tpu.memory_space<vmem>>, vector<1x16xf32>,
        %swap3A_293 = vector.shape_cast %swap3A_292 : vector<1x16xf32> to vector<16xf32>
        %swap3A_294 = vector.shape_cast %add3A_289 : vector<16xf32> to vector<1x16xf32>
        tpu.vector_store %arg20[%swap3A_290, %swap3A_291], %swap3A_294 {strides = array<i32>} : memref<40x16xf32, #tpu.memory_space<vmem>>, vector<1x16xf32>,
      }
      %scan3A_140 = arith.constant 40 : i32
      %dma_start3A_141 = arith.constant 0 : i32
      %dma_start3A_142 = tpu.memref_slice %arg11[%add3A_88, %dma_start3A_141] : memref<320000x16xf32, #tpu.memory_space<hbm>> -> memref<40x16xf32, #tpu.memory_space<hbm>>
      %dma_start3A_143 = arith.constant 0 : i32
      %dma_start3A_144 = tpu.memref_slice %arg11[%add3A_88, %dma_start3A_143] : memref<320000x16xf32, #tpu.memory_space<hbm>> -> memref<40x16xf32, #tpu.memory_space<hbm>>
      tpu.enqueue_dma source(%arg20 : memref<40x16xf32, #tpu.memory_space<vmem>>) target(%dma_start3A_144 : memref<40x16xf32, #tpu.memory_space<hbm>>) target_semaphore(%arg28 : memref<!tpu.dma_semaphore, #tpu.memory_space<semaphore_mem>>)
      %lt3A_145 = arith.constant 250 : i32
      %lt3A_146 = arith.cmpi slt, %add3A_90, %lt3A_145 : i32
      %rem3A_147 = arith.constant 10 : i32
      %rem3A_148 = arith.remsi %add3A_90, %rem3A_147 : i32
      %eq3A_149 = arith.constant 0 : i32
      %eq3A_150 = arith.cmpi eq, %rem3A_148, %eq3A_149 : i32
      %and3A_151 = arith.andi %lt3A_146, %eq3A_150 : i1
      %convert_element_type3A_152 = arith.extui %and3A_151 : i1 to i32
      %cond3A_153 = arith.constant 0 : i32
      %cond3A_154 = arith.cmpi ne, %convert_element_type3A_152, %cond3A_153 : i32
      scf.if %cond3A_154 {
        %jit3A = arith.constant 10 : i32
        %div3A = arith.divsi %add3A_90, %jit3A : i32
        %sign3A = arith.constant 0 : i32
        %sign3A_234 = arith.cmpi sgt, %add3A_90, %sign3A : i32
        %sign3A_235 = arith.extui %sign3A_234 : i1 to i32
        %sign3A_236 = arith.constant 0 : i32
        %sign3A_237 = arith.cmpi slt, %add3A_90, %sign3A_236 : i32
        %sign3A_238 = arith.extui %sign3A_237 : i1 to i32
        %sign3A_239 = arith.subi %sign3A_235, %sign3A_238 : i32
        %sign3A_240 = arith.constant 0 : i32
        %sign3A_241 = arith.cmpi sgt, %jit3A, %sign3A_240 : i32
        %sign3A_242 = arith.extui %sign3A_241 : i1 to i32
        %sign3A_243 = arith.constant 0 : i32
        %sign3A_244 = arith.cmpi slt, %jit3A, %sign3A_243 : i32
        %sign3A_245 = arith.extui %sign3A_244 : i1 to i32
        %sign3A_246 = arith.subi %sign3A_242, %sign3A_245 : i32
        %ne3A_247 = arith.cmpi ne, %sign3A_239, %sign3A_246 : i32
        %rem3A_248 = arith.remsi %add3A_90, %jit3A : i32
        %ne3A_249 = arith.constant 0 : i32
        %ne3A_250 = arith.cmpi ne, %rem3A_248, %ne3A_249 : i32
        %and3A_251 = arith.andi %ne3A_247, %ne3A_250 : i1
        %sub3A = arith.constant 1 : i32
        %sub3A_252 = arith.subi %div3A, %sub3A : i32
        %select_n3A = arith.select %and3A_251, %sub3A_252, %div3A : i32
        "tpu.region"() ({
          %run_scoped3A_276 = tpu.sem_alloc : memref<!tpu.dma_semaphore, #tpu.memory_space<semaphore_mem>>
          %dma_start3A_277 = arith.constant 0 : i32
          %dma_start3A_278 = arith.constant 0 : i32
          %dma_start3A_279 = tpu.memref_slice %arg5[%add3A, %select_n3A, %dma_start3A_277, %dma_start3A_278] : memref<32x25x10x40xi32, #tpu.memory_space<hbm>> -> memref<1x1x10x40xi32, #tpu.memory_space<hbm>>
          %dma_start3A_280 = tpu.memref_squeeze %dma_start3A_279 : memref<1x1x10x40xi32, #tpu.memory_space<hbm>> -> memref<10x40xi32, #tpu.memory_space<hbm>>
          %dma_start3A_281 = arith.constant 0 : i32
          %dma_start3A_282 = arith.constant 0 : i32
          %dma_start3A_283 = tpu.memref_slice %arg5[%add3A, %select_n3A, %dma_start3A_281, %dma_start3A_282] : memref<32x25x10x40xi32, #tpu.memory_space<hbm>> -> memref<1x1x10x40xi32, #tpu.memory_space<hbm>>
          %dma_start3A_284 = tpu.memref_squeeze %dma_start3A_283 : memref<1x1x10x40xi32, #tpu.memory_space<hbm>> -> memref<10x40xi32, #tpu.memory_space<hbm>>
          tpu.enqueue_dma source(%dma_start3A_284 : memref<10x40xi32, #tpu.memory_space<hbm>>) target(%arg12 : memref<10x40xi32, #tpu.memory_space<vmem>>) target_semaphore(%run_scoped3A_276 : memref<!tpu.dma_semaphore, #tpu.memory_space<semaphore_mem>>)
          %dma_wait3A_285 = arith.constant 0 : i32
          %dma_wait3A_286 = arith.constant 0 : i32
          %dma_wait3A_287 = tpu.memref_slice %arg5[%add3A, %select_n3A, %dma_wait3A_285, %dma_wait3A_286] : memref<32x25x10x40xi32, #tpu.memory_space<hbm>> -> memref<1x1x10x40xi32, #tpu.memory_space<hbm>>
          %dma_wait3A_288 = tpu.memref_squeeze %dma_wait3A_287 : memref<1x1x10x40xi32, #tpu.memory_space<hbm>> -> memref<10x40xi32, #tpu.memory_space<hbm>>
          %dma_wait3A_289 = arith.constant 0 : i32
          %dma_wait3A_290 = arith.constant 0 : i32
          %dma_wait3A_291 = tpu.memref_slice %arg5[%add3A, %select_n3A, %dma_wait3A_289, %dma_wait3A_290] : memref<32x25x10x40xi32, #tpu.memory_space<hbm>> -> memref<1x1x10x40xi32, #tpu.memory_space<hbm>>
          %dma_wait3A_292 = tpu.memref_squeeze %dma_wait3A_291 : memref<1x1x10x40xi32, #tpu.memory_space<hbm>> -> memref<10x40xi32, #tpu.memory_space<hbm>>
          tpu.wait_dma2 semaphore(%run_scoped3A_276 : memref<!tpu.dma_semaphore, #tpu.memory_space<semaphore_mem>>) src(%dma_wait3A_292 : memref<10x40xi32, #tpu.memory_space<hbm>>) dst(%arg12 : memref<10x40xi32, #tpu.memory_space<vmem>>)
          tpu.yield
        }) : () -> ()
        "tpu.region"() ({
          %run_scoped3A_276 = tpu.sem_alloc : memref<!tpu.dma_semaphore, #tpu.memory_space<semaphore_mem>>
          %dma_start3A_277 = arith.constant 0 : i32
          %dma_start3A_278 = arith.constant 0 : i32
          %dma_start3A_279 = tpu.memref_slice %arg6[%add3A, %select_n3A, %dma_start3A_277, %dma_start3A_278] : memref<32x25x10x40xi32, #tpu.memory_space<hbm>> -> memref<1x1x10x40xi32, #tpu.memory_space<hbm>>
          %dma_start3A_280 = tpu.memref_squeeze %dma_start3A_279 : memref<1x1x10x40xi32, #tpu.memory_space<hbm>> -> memref<10x40xi32, #tpu.memory_space<hbm>>
          %dma_start3A_281 = arith.constant 0 : i32
          %dma_start3A_282 = arith.constant 0 : i32
          %dma_start3A_283 = tpu.memref_slice %arg6[%add3A, %select_n3A, %dma_start3A_281, %dma_start3A_282] : memref<32x25x10x40xi32, #tpu.memory_space<hbm>> -> memref<1x1x10x40xi32, #tpu.memory_space<hbm>>
          %dma_start3A_284 = tpu.memref_squeeze %dma_start3A_283 : memref<1x1x10x40xi32, #tpu.memory_space<hbm>> -> memref<10x40xi32, #tpu.memory_space<hbm>>
          tpu.enqueue_dma source(%dma_start3A_284 : memref<10x40xi32, #tpu.memory_space<hbm>>) target(%arg13 : memref<10x40xi32, #tpu.memory_space<vmem>>) target_semaphore(%run_scoped3A_276 : memref<!tpu.dma_semaphore, #tpu.memory_space<semaphore_mem>>)
          %dma_wait3A_285 = arith.constant 0 : i32
          %dma_wait3A_286 = arith.constant 0 : i32
          %dma_wait3A_287 = tpu.memref_slice %arg6[%add3A, %select_n3A, %dma_wait3A_285, %dma_wait3A_286] : memref<32x25x10x40xi32, #tpu.memory_space<hbm>> -> memref<1x1x10x40xi32, #tpu.memory_space<hbm>>
          %dma_wait3A_288 = tpu.memref_squeeze %dma_wait3A_287 : memref<1x1x10x40xi32, #tpu.memory_space<hbm>> -> memref<10x40xi32, #tpu.memory_space<hbm>>
          %dma_wait3A_289 = arith.constant 0 : i32
          %dma_wait3A_290 = arith.constant 0 : i32
          %dma_wait3A_291 = tpu.memref_slice %arg6[%add3A, %select_n3A, %dma_wait3A_289, %dma_wait3A_290] : memref<32x25x10x40xi32, #tpu.memory_space<hbm>> -> memref<1x1x10x40xi32, #tpu.memory_space<hbm>>
          %dma_wait3A_292 = tpu.memref_squeeze %dma_wait3A_291 : memref<1x1x10x40xi32, #tpu.memory_space<hbm>> -> memref<10x40xi32, #tpu.memory_space<hbm>>
          tpu.wait_dma2 semaphore(%run_scoped3A_276 : memref<!tpu.dma_semaphore, #tpu.memory_space<semaphore_mem>>) src(%dma_wait3A_292 : memref<10x40xi32, #tpu.memory_space<hbm>>) dst(%arg13 : memref<10x40xi32, #tpu.memory_space<vmem>>)
          tpu.yield
        }) : () -> ()
        %rem3A_253 = arith.constant 10 : i32
        %rem3A_254 = arith.remsi %add3A_90, %rem3A_253 : i32
        %mul3A_255 = arith.constant 10000 : i32
        %mul3A_256 = arith.muli %add3A, %mul3A_255 : i32
        %mul3A_257 = arith.constant 40 : i32
        %mul3A_258 = arith.muli %add3A_90, %mul3A_257 : i32
        %add3A_259 = arith.addi %mul3A_256, %mul3A_258 : i32
        %dma_start3A_260 = arith.constant 0 : i32
        %dma_start3A_261 = tpu.memref_slice %arg12[%rem3A_254, %dma_start3A_260] : memref<10x40xi32, #tpu.memory_space<vmem>> -> memref<1x40xi32, #tpu.memory_space<vmem>>
        %dma_start3A_262 = tpu.memref_squeeze %dma_start3A_261 : memref<1x40xi32, #tpu.memory_space<vmem>> -> memref<40xi32, #tpu.memory_space<vmem>>
        %dma_start3A_263 = arith.constant 0 : i32
        %dma_start3A_264 = arith.constant 0 : i32
        %dma_start3A_265 = tpu.memref_slice %arg2[%dma_start3A_263, %dma_start3A_264] : memref<10000x256xf32, #tpu.memory_space<hbm>> -> memref<10000x256xf32, #tpu.memory_space<hbm>>
        tpu.enqueue_indirect_dma source(%dma_start3A_265 : memref<10000x256xf32, #tpu.memory_space<hbm>>) target(%arg17 : memref<40x256xf32, #tpu.memory_space<vmem>>) offsets(%dma_start3A_262 : memref<40xi32, #tpu.memory_space<vmem>>) semaphore(%arg24 : memref<!tpu.dma_semaphore, #tpu.memory_space<semaphore_mem>>)
        %dma_start3A_266 = arith.constant 0 : i32
        %dma_start3A_267 = tpu.memref_slice %arg13[%rem3A_254, %dma_start3A_266] : memref<10x40xi32, #tpu.memory_space<vmem>> -> memref<1x40xi32, #tpu.memory_space<vmem>>
        %dma_start3A_268 = tpu.memref_squeeze %dma_start3A_267 : memref<1x40xi32, #tpu.memory_space<vmem>> -> memref<40xi32, #tpu.memory_space<vmem>>
        %dma_start3A_269 = arith.constant 0 : i32
        %dma_start3A_270 = arith.constant 0 : i32
        %dma_start3A_271 = tpu.memref_slice %arg4[%dma_start3A_269, %dma_start3A_270] : memref<10000x128xf32, #tpu.memory_space<hbm>> -> memref<10000x128xf32, #tpu.memory_space<hbm>>
        tpu.enqueue_indirect_dma source(%dma_start3A_271 : memref<10000x128xf32, #tpu.memory_space<hbm>>) target(%arg19 : memref<40x128xf32, #tpu.memory_space<vmem>>) offsets(%dma_start3A_268 : memref<40xi32, #tpu.memory_space<vmem>>) semaphore(%arg24 : memref<!tpu.dma_semaphore, #tpu.memory_space<semaphore_mem>>)
        %dma_start3A_272 = arith.constant 0 : i32
        %dma_start3A_273 = tpu.memref_slice %arg3[%add3A_259, %dma_start3A_272] : memref<320000x128xf32, #tpu.memory_space<hbm>> -> memref<40x128xf32, #tpu.memory_space<hbm>>
        %dma_start3A_274 = arith.constant 0 : i32
        %dma_start3A_275 = tpu.memref_slice %arg3[%add3A_259, %dma_start3A_274] : memref<320000x128xf32, #tpu.memory_space<hbm>> -> memref<40x128xf32, #tpu.memory_space<hbm>>
        tpu.enqueue_dma source(%dma_start3A_275 : memref<40x128xf32, #tpu.memory_space<hbm>>) target(%arg18 : memref<40x128xf32, #tpu.memory_space<vmem>>) target_semaphore(%arg25 : memref<!tpu.dma_semaphore, #tpu.memory_space<semaphore_mem>>)
      } else {
      }
      %add3A_155 = arith.constant 1 : i32
      %add3A_156 = arith.addi %mul3A_81, %add3A_155 : i32
      %rem3A_157 = arith.constant 10 : i32
      %rem3A_158 = arith.remsi %add3A_156, %rem3A_157 : i32
      %mul3A_159 = arith.constant 10000 : i32
      %mul3A_160 = arith.muli %add3A, %mul3A_159 : i32
      %mul3A_161 = arith.constant 40 : i32
      %mul3A_162 = arith.muli %add3A_156, %mul3A_161 : i32
      %add3A_163 = arith.addi %mul3A_160, %mul3A_162 : i32
      %add3A_164 = arith.constant 1 : i32
      %add3A_165 = arith.addi %add3A_156, %add3A_164 : i32
      %ge3A_166 = arith.constant 1 : i32
      %ge3A_167 = arith.cmpi sge, %add3A_156, %ge3A_166 : i32
      %convert_element_type3A_168 = arith.extui %ge3A_167 : i1 to i32
      %cond3A_169 = arith.constant 0 : i32
      %cond3A_170 = arith.cmpi ne, %convert_element_type3A_168, %cond3A_169 : i32
      scf.if %cond3A_170 {
        %dma_wait3A_234 = arith.constant 0 : i32
        %dma_wait3A_235 = tpu.memref_slice %arg13[%rem3A_158, %dma_wait3A_234] : memref<10x40xi32, #tpu.memory_space<vmem>> -> memref<1x40xi32, #tpu.memory_space<vmem>>
        %dma_wait3A_236 = tpu.memref_squeeze %dma_wait3A_235 : memref<1x40xi32, #tpu.memory_space<vmem>> -> memref<40xi32, #tpu.memory_space<vmem>>
        %dma_wait3A_237 = arith.constant 0 : i32
        %dma_wait3A_238 = arith.constant 0 : i32
        %dma_wait3A_239 = tpu.memref_slice %arg21[%dma_wait3A_237, %dma_wait3A_238] : memref<10000x128xf32, #tpu.memory_space<vmem_shared>> -> memref<10000x128xf32, #tpu.memory_space<vmem_shared>>
        tpu.wait_indirect_dma semaphore(%arg27 : memref<!tpu.dma_semaphore, #tpu.memory_space<semaphore_mem>>) src(%arg15 : memref<40x128xf32, #tpu.memory_space<vmem>>) dst(%dma_wait3A_239 : memref<10000x128xf32, #tpu.memory_space<vmem_shared>>)
      } else {
      }
      %lt3A_171 = arith.constant 250 : i32
      %lt3A_172 = arith.cmpi slt, %add3A_165, %lt3A_171 : i32
      %rem3A_173 = arith.constant 10 : i32
      %rem3A_174 = arith.remsi %add3A_165, %rem3A_173 : i32
      %ne3A_175 = arith.constant 0 : i32
      %ne3A_176 = arith.cmpi ne, %rem3A_174, %ne3A_175 : i32
      %and3A_177 = arith.andi %lt3A_172, %ne3A_176 : i1
      %convert_element_type3A_178 = arith.extui %and3A_177 : i1 to i32
      %cond3A_179 = arith.constant 0 : i32
      %cond3A_180 = arith.cmpi ne, %convert_element_type3A_178, %cond3A_179 : i32
      scf.if %cond3A_180 {
        %rem3A_234 = arith.constant 10 : i32
        %rem3A_235 = arith.remsi %add3A_165, %rem3A_234 : i32
        %mul3A_236 = arith.constant 10000 : i32
        %mul3A_237 = arith.muli %add3A, %mul3A_236 : i32
        %mul3A_238 = arith.constant 40 : i32
        %mul3A_239 = arith.muli %add3A_165, %mul3A_238 : i32
        %add3A_240 = arith.addi %mul3A_237, %mul3A_239 : i32
        %dma_start3A_241 = arith.constant 0 : i32
        %dma_start3A_242 = tpu.memref_slice %arg12[%rem3A_235, %dma_start3A_241] : memref<10x40xi32, #tpu.memory_space<vmem>> -> memref<1x40xi32, #tpu.memory_space<vmem>>
        %dma_start3A_243 = tpu.memref_squeeze %dma_start3A_242 : memref<1x40xi32, #tpu.memory_space<vmem>> -> memref<40xi32, #tpu.memory_space<vmem>>
        %dma_start3A_244 = arith.constant 0 : i32
        %dma_start3A_245 = arith.constant 0 : i32
        %dma_start3A_246 = tpu.memref_slice %arg2[%dma_start3A_244, %dma_start3A_245] : memref<10000x256xf32, #tpu.memory_space<hbm>> -> memref<10000x256xf32, #tpu.memory_space<hbm>>
        tpu.enqueue_indirect_dma source(%dma_start3A_246 : memref<10000x256xf32, #tpu.memory_space<hbm>>) target(%arg14 : memref<40x256xf32, #tpu.memory_space<vmem>>) offsets(%dma_start3A_243 : memref<40xi32, #tpu.memory_space<vmem>>) semaphore(%arg22 : memref<!tpu.dma_semaphore, #tpu.memory_space<semaphore_mem>>)
        %dma_start3A_247 = arith.constant 0 : i32
        %dma_start3A_248 = tpu.memref_slice %arg13[%rem3A_235, %dma_start3A_247] : memref<10x40xi32, #tpu.memory_space<vmem>> -> memref<1x40xi32, #tpu.memory_space<vmem>>
        %dma_start3A_249 = tpu.memref_squeeze %dma_start3A_248 : memref<1x40xi32, #tpu.memory_space<vmem>> -> memref<40xi32, #tpu.memory_space<vmem>>
        %dma_start3A_250 = arith.constant 0 : i32
        %dma_start3A_251 = arith.constant 0 : i32
        %dma_start3A_252 = tpu.memref_slice %arg4[%dma_start3A_250, %dma_start3A_251] : memref<10000x128xf32, #tpu.memory_space<hbm>> -> memref<10000x128xf32, #tpu.memory_space<hbm>>
        tpu.enqueue_indirect_dma source(%dma_start3A_252 : memref<10000x128xf32, #tpu.memory_space<hbm>>) target(%arg16 : memref<40x128xf32, #tpu.memory_space<vmem>>) offsets(%dma_start3A_249 : memref<40xi32, #tpu.memory_space<vmem>>) semaphore(%arg22 : memref<!tpu.dma_semaphore, #tpu.memory_space<semaphore_mem>>)
        %dma_start3A_253 = arith.constant 0 : i32
        %dma_start3A_254 = tpu.memref_slice %arg3[%add3A_240, %dma_start3A_253] : memref<320000x128xf32, #tpu.memory_space<hbm>> -> memref<40x128xf32, #tpu.memory_space<hbm>>
        %dma_start3A_255 = arith.constant 0 : i32
        %dma_start3A_256 = tpu.memref_slice %arg3[%add3A_240, %dma_start3A_255] : memref<320000x128xf32, #tpu.memory_space<hbm>> -> memref<40x128xf32, #tpu.memory_space<hbm>>
        tpu.enqueue_dma source(%dma_start3A_256 : memref<40x128xf32, #tpu.memory_space<hbm>>) target(%arg15 : memref<40x128xf32, #tpu.memory_space<vmem>>) target_semaphore(%arg23 : memref<!tpu.dma_semaphore, #tpu.memory_space<semaphore_mem>>)
      } else {
      }
      %dma_wait3A_181 = arith.constant 0 : i32
      %dma_wait3A_182 = tpu.memref_slice %arg12[%rem3A_158, %dma_wait3A_181] : memref<10x40xi32, #tpu.memory_space<vmem>> -> memref<1x40xi32, #tpu.memory_space<vmem>>
      %dma_wait3A_183 = tpu.memref_squeeze %dma_wait3A_182 : memref<1x40xi32, #tpu.memory_space<vmem>> -> memref<40xi32, #tpu.memory_space<vmem>>
      %dma_wait3A_184 = arith.constant 0 : i32
      %dma_wait3A_185 = arith.constant 0 : i32
      %dma_wait3A_186 = tpu.memref_slice %arg2[%dma_wait3A_184, %dma_wait3A_185] : memref<10000x256xf32, #tpu.memory_space<hbm>> -> memref<10000x256xf32, #tpu.memory_space<hbm>>
      tpu.wait_indirect_dma semaphore(%arg24 : memref<!tpu.dma_semaphore, #tpu.memory_space<semaphore_mem>>) src(%dma_wait3A_186 : memref<10000x256xf32, #tpu.memory_space<hbm>>) dst(%arg17 : memref<40x256xf32, #tpu.memory_space<vmem>>)
      %dma_wait3A_187 = arith.constant 0 : i32
      %dma_wait3A_188 = tpu.memref_slice %arg13[%rem3A_158, %dma_wait3A_187] : memref<10x40xi32, #tpu.memory_space<vmem>> -> memref<1x40xi32, #tpu.memory_space<vmem>>
      %dma_wait3A_189 = tpu.memref_squeeze %dma_wait3A_188 : memref<1x40xi32, #tpu.memory_space<vmem>> -> memref<40xi32, #tpu.memory_space<vmem>>
      %dma_wait3A_190 = arith.constant 0 : i32
      %dma_wait3A_191 = arith.constant 0 : i32
      %dma_wait3A_192 = tpu.memref_slice %arg4[%dma_wait3A_190, %dma_wait3A_191] : memref<10000x128xf32, #tpu.memory_space<hbm>> -> memref<10000x128xf32, #tpu.memory_space<hbm>>
      tpu.wait_indirect_dma semaphore(%arg24 : memref<!tpu.dma_semaphore, #tpu.memory_space<semaphore_mem>>) src(%dma_wait3A_192 : memref<10000x128xf32, #tpu.memory_space<hbm>>) dst(%arg19 : memref<40x128xf32, #tpu.memory_space<vmem>>)
      %dma_wait3A_193 = arith.constant 0 : i32
      %dma_wait3A_194 = tpu.memref_slice %arg3[%add3A_163, %dma_wait3A_193] : memref<320000x128xf32, #tpu.memory_space<hbm>> -> memref<40x128xf32, #tpu.memory_space<hbm>>
      %dma_wait3A_195 = arith.constant 0 : i32
      %dma_wait3A_196 = tpu.memref_slice %arg3[%add3A_163, %dma_wait3A_195] : memref<320000x128xf32, #tpu.memory_space<hbm>> -> memref<40x128xf32, #tpu.memory_space<hbm>>
      tpu.wait_dma2 semaphore(%arg25 : memref<!tpu.dma_semaphore, #tpu.memory_space<semaphore_mem>>) src(%dma_wait3A_196 : memref<40x128xf32, #tpu.memory_space<hbm>>) dst(%arg18 : memref<40x128xf32, #tpu.memory_space<vmem>>)
      %scan3A_197 = arith.constant 0 : i32
      %scan3A_198 = arith.constant 0 : i32
      %scan3A_199 = arith.constant 40 : i32
      %scan3A_200 = arith.addi %scan3A_198, %scan3A_199 : i32
      %scan3A_201 = arith.constant 2 : i32
      scf.for %scan3A_234 = %scan3A_198 to %scan3A_200 step %scan3A_201  : i32 {
        %get3A = arith.index_cast %scan3A_234 : i32 to index
        %get3A_235 = arith.constant 0 : index
        %get3A_236 = tpu.vector_load %arg18[%get3A, %get3A_235] {strides = array<i32>} : memref<40x128xf32, #tpu.memory_space<vmem>>, vector<1x16xf32>,
        %get3A_237 = vector.shape_cast %get3A_236 : vector<1x16xf32> to vector<16xf32>
        %get3A_238 = arith.index_cast %scan3A_234 : i32 to index
        %get3A_239 = arith.constant 0 : index
        %get3A_240 = tpu.vector_load %arg17[%get3A_238, %get3A_239] {strides = array<i32>} : memref<40x256xf32, #tpu.memory_space<vmem>>, vector<1x16xf32>,
        %get3A_241 = vector.shape_cast %get3A_240 : vector<1x16xf32> to vector<16xf32>
        %add3A_242 = arith.addf %get3A_237, %get3A_241 : vector<16xf32>
        %max3A = arith.constant 0.000000e+00 : f32
        %max3A_243 = vector.broadcast %max3A : f32 to vector<16xf32>
        %max3A_244 = arith.maximumf %add3A_242, %max3A_243 : vector<16xf32>
        %swap3A = arith.index_cast %scan3A_234 : i32 to index
        %swap3A_245 = arith.constant 0 : index
        %swap3A_246 = tpu.vector_load %arg18[%swap3A, %swap3A_245] {strides = array<i32>} : memref<40x128xf32, #tpu.memory_space<vmem>>, vector<1x16xf32>,
        %swap3A_247 = vector.shape_cast %swap3A_246 : vector<1x16xf32> to vector<16xf32>
        %swap3A_248 = vector.shape_cast %max3A_244 : vector<16xf32> to vector<1x16xf32>
        tpu.vector_store %arg18[%swap3A, %swap3A_245], %swap3A_248 {strides = array<i32>} : memref<40x128xf32, #tpu.memory_space<vmem>>, vector<1x16xf32>,
        %get3A_249 = arith.index_cast %scan3A_234 : i32 to index
        %get3A_250 = arith.constant 16 : index
        %get3A_251 = tpu.vector_load %arg18[%get3A_249, %get3A_250] {strides = array<i32>} : memref<40x128xf32, #tpu.memory_space<vmem>>, vector<1x16xf32>,
        %get3A_252 = vector.shape_cast %get3A_251 : vector<1x16xf32> to vector<16xf32>
        %get3A_253 = arith.index_cast %scan3A_234 : i32 to index
        %get3A_254 = arith.constant 16 : index
        %get3A_255 = tpu.vector_load %arg17[%get3A_253, %get3A_254] {strides = array<i32>} : memref<40x256xf32, #tpu.memory_space<vmem>>, vector<1x16xf32>,
        %get3A_256 = vector.shape_cast %get3A_255 : vector<1x16xf32> to vector<16xf32>
        %add3A_257 = arith.addf %get3A_252, %get3A_256 : vector<16xf32>
        %max3A_258 = arith.constant 0.000000e+00 : f32
        %max3A_259 = vector.broadcast %max3A_258 : f32 to vector<16xf32>
        %max3A_260 = arith.maximumf %add3A_257, %max3A_259 : vector<16xf32>
        %swap3A_261 = arith.index_cast %scan3A_234 : i32 to index
        %swap3A_262 = arith.constant 16 : index
        %swap3A_263 = tpu.vector_load %arg18[%swap3A_261, %swap3A_262] {strides = array<i32>} : memref<40x128xf32, #tpu.memory_space<vmem>>, vector<1x16xf32>,
        %swap3A_264 = vector.shape_cast %swap3A_263 : vector<1x16xf32> to vector<16xf32>
        %swap3A_265 = vector.shape_cast %max3A_260 : vector<16xf32> to vector<1x16xf32>
        tpu.vector_store %arg18[%swap3A_261, %swap3A_262], %swap3A_265 {strides = array<i32>} : memref<40x128xf32, #tpu.memory_space<vmem>>, vector<1x16xf32>,
        %get3A_266 = arith.index_cast %scan3A_234 : i32 to index
        %get3A_267 = arith.constant 32 : index
        %get3A_268 = tpu.vector_load %arg18[%get3A_266, %get3A_267] {strides = array<i32>} : memref<40x128xf32, #tpu.memory_space<vmem>>, vector<1x16xf32>,
        %get3A_269 = vector.shape_cast %get3A_268 : vector<1x16xf32> to vector<16xf32>
        %get3A_270 = arith.index_cast %scan3A_234 : i32 to index
        %get3A_271 = arith.constant 32 : index
        %get3A_272 = tpu.vector_load %arg17[%get3A_270, %get3A_271] {strides = array<i32>} : memref<40x256xf32, #tpu.memory_space<vmem>>, vector<1x16xf32>,
        %get3A_273 = vector.shape_cast %get3A_272 : vector<1x16xf32> to vector<16xf32>
        %add3A_274 = arith.addf %get3A_269, %get3A_273 : vector<16xf32>
        %max3A_275 = arith.constant 0.000000e+00 : f32
        %max3A_276 = vector.broadcast %max3A_275 : f32 to vector<16xf32>
        %max3A_277 = arith.maximumf %add3A_274, %max3A_276 : vector<16xf32>
        %swap3A_278 = arith.index_cast %scan3A_234 : i32 to index
        %swap3A_279 = arith.constant 32 : index
        %swap3A_280 = tpu.vector_load %arg18[%swap3A_278, %swap3A_279] {strides = array<i32>} : memref<40x128xf32, #tpu.memory_space<vmem>>, vector<1x16xf32>,
        %swap3A_281 = vector.shape_cast %swap3A_280 : vector<1x16xf32> to vector<16xf32>
        %swap3A_282 = vector.shape_cast %max3A_277 : vector<16xf32> to vector<1x16xf32>
        tpu.vector_store %arg18[%swap3A_278, %swap3A_279], %swap3A_282 {strides = array<i32>} : memref<40x128xf32, #tpu.memory_space<vmem>>, vector<1x16xf32>,
        %get3A_283 = arith.index_cast %scan3A_234 : i32 to index
        %get3A_284 = arith.constant 48 : index
        %get3A_285 = tpu.vector_load %arg18[%get3A_283, %get3A_284] {strides = array<i32>} : memref<40x128xf32, #tpu.memory_space<vmem>>, vector<1x16xf32>,
        %get3A_286 = vector.shape_cast %get3A_285 : vector<1x16xf32> to vector<16xf32>
        %get3A_287 = arith.index_cast %scan3A_234 : i32 to index
        %get3A_288 = arith.constant 48 : index
        %get3A_289 = tpu.vector_load %arg17[%get3A_287, %get3A_288] {strides = array<i32>} : memref<40x256xf32, #tpu.memory_space<vmem>>, vector<1x16xf32>,
        %get3A_290 = vector.shape_cast %get3A_289 : vector<1x16xf32> to vector<16xf32>
        %add3A_291 = arith.addf %get3A_286, %get3A_290 : vector<16xf32>
        %max3A_292 = arith.constant 0.000000e+00 : f32
        %max3A_293 = vector.broadcast %max3A_292 : f32 to vector<16xf32>
        %max3A_294 = arith.maximumf %add3A_291, %max3A_293 : vector<16xf32>
        %swap3A_295 = arith.index_cast %scan3A_234 : i32 to index
        %swap3A_296 = arith.constant 48 : index
        %swap3A_297 = tpu.vector_load %arg18[%swap3A_295, %swap3A_296] {strides = array<i32>} : memref<40x128xf32, #tpu.memory_space<vmem>>, vector<1x16xf32>,
        %swap3A_298 = vector.shape_cast %swap3A_297 : vector<1x16xf32> to vector<16xf32>
        %swap3A_299 = vector.shape_cast %max3A_294 : vector<16xf32> to vector<1x16xf32>
        tpu.vector_store %arg18[%swap3A_295, %swap3A_296], %swap3A_299 {strides = array<i32>} : memref<40x128xf32, #tpu.memory_space<vmem>>, vector<1x16xf32>,
        %get3A_300 = arith.index_cast %scan3A_234 : i32 to index
        %get3A_301 = arith.constant 64 : index
        %get3A_302 = tpu.vector_load %arg18[%get3A_300, %get3A_301] {strides = array<i32>} : memref<40x128xf32, #tpu.memory_space<vmem>>, vector<1x16xf32>,
        %get3A_303 = vector.shape_cast %get3A_302 : vector<1x16xf32> to vector<16xf32>
        %get3A_304 = arith.index_cast %scan3A_234 : i32 to index
        %get3A_305 = arith.constant 64 : index
        %get3A_306 = tpu.vector_load %arg17[%get3A_304, %get3A_305] {strides = array<i32>} : memref<40x256xf32, #tpu.memory_space<vmem>>, vector<1x16xf32>,
        %get3A_307 = vector.shape_cast %get3A_306 : vector<1x16xf32> to vector<16xf32>
        %add3A_308 = arith.addf %get3A_303, %get3A_307 : vector<16xf32>
        %max3A_309 = arith.constant 0.000000e+00 : f32
        %max3A_310 = vector.broadcast %max3A_309 : f32 to vector<16xf32>
        %max3A_311 = arith.maximumf %add3A_308, %max3A_310 : vector<16xf32>
        %swap3A_312 = arith.index_cast %scan3A_234 : i32 to index
        %swap3A_313 = arith.constant 64 : index
        %swap3A_314 = tpu.vector_load %arg18[%swap3A_312, %swap3A_313] {strides = array<i32>} : memref<40x128xf32, #tpu.memory_space<vmem>>, vector<1x16xf32>,
        %swap3A_315 = vector.shape_cast %swap3A_314 : vector<1x16xf32> to vector<16xf32>
        %swap3A_316 = vector.shape_cast %max3A_311 : vector<16xf32> to vector<1x16xf32>
        tpu.vector_store %arg18[%swap3A_312, %swap3A_313], %swap3A_316 {strides = array<i32>} : memref<40x128xf32, #tpu.memory_space<vmem>>, vector<1x16xf32>,
        %get3A_317 = arith.index_cast %scan3A_234 : i32 to index
        %get3A_318 = arith.constant 80 : index
        %get3A_319 = tpu.vector_load %arg18[%get3A_317, %get3A_318] {strides = array<i32>} : memref<40x128xf32, #tpu.memory_space<vmem>>, vector<1x16xf32>,
        %get3A_320 = vector.shape_cast %get3A_319 : vector<1x16xf32> to vector<16xf32>
        %get3A_321 = arith.index_cast %scan3A_234 : i32 to index
        %get3A_322 = arith.constant 80 : index
        %get3A_323 = tpu.vector_load %arg17[%get3A_321, %get3A_322] {strides = array<i32>} : memref<40x256xf32, #tpu.memory_space<vmem>>, vector<1x16xf32>,
        %get3A_324 = vector.shape_cast %get3A_323 : vector<1x16xf32> to vector<16xf32>
        %add3A_325 = arith.addf %get3A_320, %get3A_324 : vector<16xf32>
        %max3A_326 = arith.constant 0.000000e+00 : f32
        %max3A_327 = vector.broadcast %max3A_326 : f32 to vector<16xf32>
        %max3A_328 = arith.maximumf %add3A_325, %max3A_327 : vector<16xf32>
        %swap3A_329 = arith.index_cast %scan3A_234 : i32 to index
        %swap3A_330 = arith.constant 80 : index
        %swap3A_331 = tpu.vector_load %arg18[%swap3A_329, %swap3A_330] {strides = array<i32>} : memref<40x128xf32, #tpu.memory_space<vmem>>, vector<1x16xf32>,
        %swap3A_332 = vector.shape_cast %swap3A_331 : vector<1x16xf32> to vector<16xf32>
        %swap3A_333 = vector.shape_cast %max3A_328 : vector<16xf32> to vector<1x16xf32>
        tpu.vector_store %arg18[%swap3A_329, %swap3A_330], %swap3A_333 {strides = array<i32>} : memref<40x128xf32, #tpu.memory_space<vmem>>, vector<1x16xf32>,
        %get3A_334 = arith.index_cast %scan3A_234 : i32 to index
        %get3A_335 = arith.constant 96 : index
        %get3A_336 = tpu.vector_load %arg18[%get3A_334, %get3A_335] {strides = array<i32>} : memref<40x128xf32, #tpu.memory_space<vmem>>, vector<1x16xf32>,
        %get3A_337 = vector.shape_cast %get3A_336 : vector<1x16xf32> to vector<16xf32>
        %get3A_338 = arith.index_cast %scan3A_234 : i32 to index
        %get3A_339 = arith.constant 96 : index
        %get3A_340 = tpu.vector_load %arg17[%get3A_338, %get3A_339] {strides = array<i32>} : memref<40x256xf32, #tpu.memory_space<vmem>>, vector<1x16xf32>,
        %get3A_341 = vector.shape_cast %get3A_340 : vector<1x16xf32> to vector<16xf32>
        %add3A_342 = arith.addf %get3A_337, %get3A_341 : vector<16xf32>
        %max3A_343 = arith.constant 0.000000e+00 : f32
        %max3A_344 = vector.broadcast %max3A_343 : f32 to vector<16xf32>
        %max3A_345 = arith.maximumf %add3A_342, %max3A_344 : vector<16xf32>
        %swap3A_346 = arith.index_cast %scan3A_234 : i32 to index
        %swap3A_347 = arith.constant 96 : index
        %swap3A_348 = tpu.vector_load %arg18[%swap3A_346, %swap3A_347] {strides = array<i32>} : memref<40x128xf32, #tpu.memory_space<vmem>>, vector<1x16xf32>,
        %swap3A_349 = vector.shape_cast %swap3A_348 : vector<1x16xf32> to vector<16xf32>
        %swap3A_350 = vector.shape_cast %max3A_345 : vector<16xf32> to vector<1x16xf32>
        tpu.vector_store %arg18[%swap3A_346, %swap3A_347], %swap3A_350 {strides = array<i32>} : memref<40x128xf32, #tpu.memory_space<vmem>>, vector<1x16xf32>,
        %get3A_351 = arith.index_cast %scan3A_234 : i32 to index
        %get3A_352 = arith.constant 112 : index
        %get3A_353 = tpu.vector_load %arg18[%get3A_351, %get3A_352] {strides = array<i32>} : memref<40x128xf32, #tpu.memory_space<vmem>>, vector<1x16xf32>,
        %get3A_354 = vector.shape_cast %get3A_353 : vector<1x16xf32> to vector<16xf32>
        %get3A_355 = arith.index_cast %scan3A_234 : i32 to index
        %get3A_356 = arith.constant 112 : index
        %get3A_357 = tpu.vector_load %arg17[%get3A_355, %get3A_356] {strides = array<i32>} : memref<40x256xf32, #tpu.memory_space<vmem>>, vector<1x16xf32>,
        %get3A_358 = vector.shape_cast %get3A_357 : vector<1x16xf32> to vector<16xf32>
        %add3A_359 = arith.addf %get3A_354, %get3A_358 : vector<16xf32>
        %max3A_360 = arith.constant 0.000000e+00 : f32
        %max3A_361 = vector.broadcast %max3A_360 : f32 to vector<16xf32>
        %max3A_362 = arith.maximumf %add3A_359, %max3A_361 : vector<16xf32>
        %swap3A_363 = arith.index_cast %scan3A_234 : i32 to index
        %swap3A_364 = arith.constant 112 : index
        %swap3A_365 = tpu.vector_load %arg18[%swap3A_363, %swap3A_364] {strides = array<i32>} : memref<40x128xf32, #tpu.memory_space<vmem>>, vector<1x16xf32>,
        %swap3A_366 = vector.shape_cast %swap3A_365 : vector<1x16xf32> to vector<16xf32>
        %swap3A_367 = vector.shape_cast %max3A_362 : vector<16xf32> to vector<1x16xf32>
        tpu.vector_store %arg18[%swap3A_363, %swap3A_364], %swap3A_367 {strides = array<i32>} : memref<40x128xf32, #tpu.memory_space<vmem>>, vector<1x16xf32>,
        %scan3A_368 = arith.constant 1 : i32
        %scan3A_369 = arith.addi %scan3A_234, %scan3A_368 : i32
        %get3A_370 = arith.index_cast %scan3A_369 : i32 to index
        %get3A_371 = arith.constant 0 : index
        %get3A_372 = tpu.vector_load %arg18[%get3A_370, %get3A_371] {strides = array<i32>} : memref<40x128xf32, #tpu.memory_space<vmem>>, vector<1x16xf32>,
        %get3A_373 = vector.shape_cast %get3A_372 : vector<1x16xf32> to vector<16xf32>
        %get3A_374 = arith.index_cast %scan3A_369 : i32 to index
        %get3A_375 = arith.constant 0 : index
        %get3A_376 = tpu.vector_load %arg17[%get3A_374, %get3A_375] {strides = array<i32>} : memref<40x256xf32, #tpu.memory_space<vmem>>, vector<1x16xf32>,
        %get3A_377 = vector.shape_cast %get3A_376 : vector<1x16xf32> to vector<16xf32>
        %add3A_378 = arith.addf %get3A_373, %get3A_377 : vector<16xf32>
        %max3A_379 = arith.constant 0.000000e+00 : f32
        %max3A_380 = vector.broadcast %max3A_379 : f32 to vector<16xf32>
        %max3A_381 = arith.maximumf %add3A_378, %max3A_380 : vector<16xf32>
        %swap3A_382 = arith.index_cast %scan3A_369 : i32 to index
        %swap3A_383 = arith.constant 0 : index
        %swap3A_384 = tpu.vector_load %arg18[%swap3A_382, %swap3A_383] {strides = array<i32>} : memref<40x128xf32, #tpu.memory_space<vmem>>, vector<1x16xf32>,
        %swap3A_385 = vector.shape_cast %swap3A_384 : vector<1x16xf32> to vector<16xf32>
        %swap3A_386 = vector.shape_cast %max3A_381 : vector<16xf32> to vector<1x16xf32>
        tpu.vector_store %arg18[%swap3A_382, %swap3A_383], %swap3A_386 {strides = array<i32>} : memref<40x128xf32, #tpu.memory_space<vmem>>, vector<1x16xf32>,
        %get3A_387 = arith.index_cast %scan3A_369 : i32 to index
        %get3A_388 = arith.constant 16 : index
        %get3A_389 = tpu.vector_load %arg18[%get3A_387, %get3A_388] {strides = array<i32>} : memref<40x128xf32, #tpu.memory_space<vmem>>, vector<1x16xf32>,
        %get3A_390 = vector.shape_cast %get3A_389 : vector<1x16xf32> to vector<16xf32>
        %get3A_391 = arith.index_cast %scan3A_369 : i32 to index
        %get3A_392 = arith.constant 16 : index
        %get3A_393 = tpu.vector_load %arg17[%get3A_391, %get3A_392] {strides = array<i32>} : memref<40x256xf32, #tpu.memory_space<vmem>>, vector<1x16xf32>,
        %get3A_394 = vector.shape_cast %get3A_393 : vector<1x16xf32> to vector<16xf32>
        %add3A_395 = arith.addf %get3A_390, %get3A_394 : vector<16xf32>
        %max3A_396 = arith.constant 0.000000e+00 : f32
        %max3A_397 = vector.broadcast %max3A_396 : f32 to vector<16xf32>
        %max3A_398 = arith.maximumf %add3A_395, %max3A_397 : vector<16xf32>
        %swap3A_399 = arith.index_cast %scan3A_369 : i32 to index
        %swap3A_400 = arith.constant 16 : index
        %swap3A_401 = tpu.vector_load %arg18[%swap3A_399, %swap3A_400] {strides = array<i32>} : memref<40x128xf32, #tpu.memory_space<vmem>>, vector<1x16xf32>,
        %swap3A_402 = vector.shape_cast %swap3A_401 : vector<1x16xf32> to vector<16xf32>
        %swap3A_403 = vector.shape_cast %max3A_398 : vector<16xf32> to vector<1x16xf32>
        tpu.vector_store %arg18[%swap3A_399, %swap3A_400], %swap3A_403 {strides = array<i32>} : memref<40x128xf32, #tpu.memory_space<vmem>>, vector<1x16xf32>,
        %get3A_404 = arith.index_cast %scan3A_369 : i32 to index
        %get3A_405 = arith.constant 32 : index
        %get3A_406 = tpu.vector_load %arg18[%get3A_404, %get3A_405] {strides = array<i32>} : memref<40x128xf32, #tpu.memory_space<vmem>>, vector<1x16xf32>,
        %get3A_407 = vector.shape_cast %get3A_406 : vector<1x16xf32> to vector<16xf32>
        %get3A_408 = arith.index_cast %scan3A_369 : i32 to index
        %get3A_409 = arith.constant 32 : index
        %get3A_410 = tpu.vector_load %arg17[%get3A_408, %get3A_409] {strides = array<i32>} : memref<40x256xf32, #tpu.memory_space<vmem>>, vector<1x16xf32>,
        %get3A_411 = vector.shape_cast %get3A_410 : vector<1x16xf32> to vector<16xf32>
        %add3A_412 = arith.addf %get3A_407, %get3A_411 : vector<16xf32>
        %max3A_413 = arith.constant 0.000000e+00 : f32
        %max3A_414 = vector.broadcast %max3A_413 : f32 to vector<16xf32>
        %max3A_415 = arith.maximumf %add3A_412, %max3A_414 : vector<16xf32>
        %swap3A_416 = arith.index_cast %scan3A_369 : i32 to index
        %swap3A_417 = arith.constant 32 : index
        %swap3A_418 = tpu.vector_load %arg18[%swap3A_416, %swap3A_417] {strides = array<i32>} : memref<40x128xf32, #tpu.memory_space<vmem>>, vector<1x16xf32>,
        %swap3A_419 = vector.shape_cast %swap3A_418 : vector<1x16xf32> to vector<16xf32>
        %swap3A_420 = vector.shape_cast %max3A_415 : vector<16xf32> to vector<1x16xf32>
        tpu.vector_store %arg18[%swap3A_416, %swap3A_417], %swap3A_420 {strides = array<i32>} : memref<40x128xf32, #tpu.memory_space<vmem>>, vector<1x16xf32>,
        %get3A_421 = arith.index_cast %scan3A_369 : i32 to index
        %get3A_422 = arith.constant 48 : index
        %get3A_423 = tpu.vector_load %arg18[%get3A_421, %get3A_422] {strides = array<i32>} : memref<40x128xf32, #tpu.memory_space<vmem>>, vector<1x16xf32>,
        %get3A_424 = vector.shape_cast %get3A_423 : vector<1x16xf32> to vector<16xf32>
        %get3A_425 = arith.index_cast %scan3A_369 : i32 to index
        %get3A_426 = arith.constant 48 : index
        %get3A_427 = tpu.vector_load %arg17[%get3A_425, %get3A_426] {strides = array<i32>} : memref<40x256xf32, #tpu.memory_space<vmem>>, vector<1x16xf32>,
        %get3A_428 = vector.shape_cast %get3A_427 : vector<1x16xf32> to vector<16xf32>
        %add3A_429 = arith.addf %get3A_424, %get3A_428 : vector<16xf32>
        %max3A_430 = arith.constant 0.000000e+00 : f32
        %max3A_431 = vector.broadcast %max3A_430 : f32 to vector<16xf32>
        %max3A_432 = arith.maximumf %add3A_429, %max3A_431 : vector<16xf32>
        %swap3A_433 = arith.index_cast %scan3A_369 : i32 to index
        %swap3A_434 = arith.constant 48 : index
        %swap3A_435 = tpu.vector_load %arg18[%swap3A_433, %swap3A_434] {strides = array<i32>} : memref<40x128xf32, #tpu.memory_space<vmem>>, vector<1x16xf32>,
        %swap3A_436 = vector.shape_cast %swap3A_435 : vector<1x16xf32> to vector<16xf32>
        %swap3A_437 = vector.shape_cast %max3A_432 : vector<16xf32> to vector<1x16xf32>
        tpu.vector_store %arg18[%swap3A_433, %swap3A_434], %swap3A_437 {strides = array<i32>} : memref<40x128xf32, #tpu.memory_space<vmem>>, vector<1x16xf32>,
        %get3A_438 = arith.index_cast %scan3A_369 : i32 to index
        %get3A_439 = arith.constant 64 : index
        %get3A_440 = tpu.vector_load %arg18[%get3A_438, %get3A_439] {strides = array<i32>} : memref<40x128xf32, #tpu.memory_space<vmem>>, vector<1x16xf32>,
        %get3A_441 = vector.shape_cast %get3A_440 : vector<1x16xf32> to vector<16xf32>
        %get3A_442 = arith.index_cast %scan3A_369 : i32 to index
        %get3A_443 = arith.constant 64 : index
        %get3A_444 = tpu.vector_load %arg17[%get3A_442, %get3A_443] {strides = array<i32>} : memref<40x256xf32, #tpu.memory_space<vmem>>, vector<1x16xf32>,
        %get3A_445 = vector.shape_cast %get3A_444 : vector<1x16xf32> to vector<16xf32>
        %add3A_446 = arith.addf %get3A_441, %get3A_445 : vector<16xf32>
        %max3A_447 = arith.constant 0.000000e+00 : f32
        %max3A_448 = vector.broadcast %max3A_447 : f32 to vector<16xf32>
        %max3A_449 = arith.maximumf %add3A_446, %max3A_448 : vector<16xf32>
        %swap3A_450 = arith.index_cast %scan3A_369 : i32 to index
        %swap3A_451 = arith.constant 64 : index
        %swap3A_452 = tpu.vector_load %arg18[%swap3A_450, %swap3A_451] {strides = array<i32>} : memref<40x128xf32, #tpu.memory_space<vmem>>, vector<1x16xf32>,
        %swap3A_453 = vector.shape_cast %swap3A_452 : vector<1x16xf32> to vector<16xf32>
        %swap3A_454 = vector.shape_cast %max3A_449 : vector<16xf32> to vector<1x16xf32>
        tpu.vector_store %arg18[%swap3A_450, %swap3A_451], %swap3A_454 {strides = array<i32>} : memref<40x128xf32, #tpu.memory_space<vmem>>, vector<1x16xf32>,
        %get3A_455 = arith.index_cast %scan3A_369 : i32 to index
        %get3A_456 = arith.constant 80 : index
        %get3A_457 = tpu.vector_load %arg18[%get3A_455, %get3A_456] {strides = array<i32>} : memref<40x128xf32, #tpu.memory_space<vmem>>, vector<1x16xf32>,
        %get3A_458 = vector.shape_cast %get3A_457 : vector<1x16xf32> to vector<16xf32>
        %get3A_459 = arith.index_cast %scan3A_369 : i32 to index
        %get3A_460 = arith.constant 80 : index
        %get3A_461 = tpu.vector_load %arg17[%get3A_459, %get3A_460] {strides = array<i32>} : memref<40x256xf32, #tpu.memory_space<vmem>>, vector<1x16xf32>,
        %get3A_462 = vector.shape_cast %get3A_461 : vector<1x16xf32> to vector<16xf32>
        %add3A_463 = arith.addf %get3A_458, %get3A_462 : vector<16xf32>
        %max3A_464 = arith.constant 0.000000e+00 : f32
        %max3A_465 = vector.broadcast %max3A_464 : f32 to vector<16xf32>
        %max3A_466 = arith.maximumf %add3A_463, %max3A_465 : vector<16xf32>
        %swap3A_467 = arith.index_cast %scan3A_369 : i32 to index
        %swap3A_468 = arith.constant 80 : index
        %swap3A_469 = tpu.vector_load %arg18[%swap3A_467, %swap3A_468] {strides = array<i32>} : memref<40x128xf32, #tpu.memory_space<vmem>>, vector<1x16xf32>,
        %swap3A_470 = vector.shape_cast %swap3A_469 : vector<1x16xf32> to vector<16xf32>
        %swap3A_471 = vector.shape_cast %max3A_466 : vector<16xf32> to vector<1x16xf32>
        tpu.vector_store %arg18[%swap3A_467, %swap3A_468], %swap3A_471 {strides = array<i32>} : memref<40x128xf32, #tpu.memory_space<vmem>>, vector<1x16xf32>,
        %get3A_472 = arith.index_cast %scan3A_369 : i32 to index
        %get3A_473 = arith.constant 96 : index
        %get3A_474 = tpu.vector_load %arg18[%get3A_472, %get3A_473] {strides = array<i32>} : memref<40x128xf32, #tpu.memory_space<vmem>>, vector<1x16xf32>,
        %get3A_475 = vector.shape_cast %get3A_474 : vector<1x16xf32> to vector<16xf32>
        %get3A_476 = arith.index_cast %scan3A_369 : i32 to index
        %get3A_477 = arith.constant 96 : index
        %get3A_478 = tpu.vector_load %arg17[%get3A_476, %get3A_477] {strides = array<i32>} : memref<40x256xf32, #tpu.memory_space<vmem>>, vector<1x16xf32>,
        %get3A_479 = vector.shape_cast %get3A_478 : vector<1x16xf32> to vector<16xf32>
        %add3A_480 = arith.addf %get3A_475, %get3A_479 : vector<16xf32>
        %max3A_481 = arith.constant 0.000000e+00 : f32
        %max3A_482 = vector.broadcast %max3A_481 : f32 to vector<16xf32>
        %max3A_483 = arith.maximumf %add3A_480, %max3A_482 : vector<16xf32>
        %swap3A_484 = arith.index_cast %scan3A_369 : i32 to index
        %swap3A_485 = arith.constant 96 : index
        %swap3A_486 = tpu.vector_load %arg18[%swap3A_484, %swap3A_485] {strides = array<i32>} : memref<40x128xf32, #tpu.memory_space<vmem>>, vector<1x16xf32>,
        %swap3A_487 = vector.shape_cast %swap3A_486 : vector<1x16xf32> to vector<16xf32>
        %swap3A_488 = vector.shape_cast %max3A_483 : vector<16xf32> to vector<1x16xf32>
        tpu.vector_store %arg18[%swap3A_484, %swap3A_485], %swap3A_488 {strides = array<i32>} : memref<40x128xf32, #tpu.memory_space<vmem>>, vector<1x16xf32>,
        %get3A_489 = arith.index_cast %scan3A_369 : i32 to index
        %get3A_490 = arith.constant 112 : index
        %get3A_491 = tpu.vector_load %arg18[%get3A_489, %get3A_490] {strides = array<i32>} : memref<40x128xf32, #tpu.memory_space<vmem>>, vector<1x16xf32>,
        %get3A_492 = vector.shape_cast %get3A_491 : vector<1x16xf32> to vector<16xf32>
        %get3A_493 = arith.index_cast %scan3A_369 : i32 to index
        %get3A_494 = arith.constant 112 : index
        %get3A_495 = tpu.vector_load %arg17[%get3A_493, %get3A_494] {strides = array<i32>} : memref<40x256xf32, #tpu.memory_space<vmem>>, vector<1x16xf32>,
        %get3A_496 = vector.shape_cast %get3A_495 : vector<1x16xf32> to vector<16xf32>
        %add3A_497 = arith.addf %get3A_492, %get3A_496 : vector<16xf32>
        %max3A_498 = arith.constant 0.000000e+00 : f32
        %max3A_499 = vector.broadcast %max3A_498 : f32 to vector<16xf32>
        %max3A_500 = arith.maximumf %add3A_497, %max3A_499 : vector<16xf32>
        %swap3A_501 = arith.index_cast %scan3A_369 : i32 to index
        %swap3A_502 = arith.constant 112 : index
        %swap3A_503 = tpu.vector_load %arg18[%swap3A_501, %swap3A_502] {strides = array<i32>} : memref<40x128xf32, #tpu.memory_space<vmem>>, vector<1x16xf32>,
        %swap3A_504 = vector.shape_cast %swap3A_503 : vector<1x16xf32> to vector<16xf32>
        %swap3A_505 = vector.shape_cast %max3A_500 : vector<16xf32> to vector<1x16xf32>
        tpu.vector_store %arg18[%swap3A_501, %swap3A_502], %swap3A_505 {strides = array<i32>} : memref<40x128xf32, #tpu.memory_space<vmem>>, vector<1x16xf32>,
      }
      %scan3A_202 = arith.constant 40 : i32
      %dma_start3A_203 = arith.constant 0 : i32
      %dma_start3A_204 = tpu.memref_slice %arg13[%rem3A_158, %dma_start3A_203] : memref<10x40xi32, #tpu.memory_space<vmem>> -> memref<1x40xi32, #tpu.memory_space<vmem>>
      %dma_start3A_205 = tpu.memref_squeeze %dma_start3A_204 : memref<1x40xi32, #tpu.memory_space<vmem>> -> memref<40xi32, #tpu.memory_space<vmem>>
      %dma_start3A_206 = arith.constant 0 : i32
      %dma_start3A_207 = arith.constant 0 : i32
      %dma_start3A_208 = tpu.memref_slice %arg21[%dma_start3A_206, %dma_start3A_207] : memref<10000x128xf32, #tpu.memory_space<vmem_shared>> -> memref<10000x128xf32, #tpu.memory_space<vmem_shared>>
      tpu.enqueue_indirect_dma source(%arg18 : memref<40x128xf32, #tpu.memory_space<vmem>>) target(%dma_start3A_208 : memref<10000x128xf32, #tpu.memory_space<vmem_shared>>) offsets(%dma_start3A_205 : memref<40xi32, #tpu.memory_space<vmem>>) semaphore(%arg27 : memref<!tpu.dma_semaphore, #tpu.memory_space<semaphore_mem>>) {add = true}
      %ge3A_209 = arith.constant 1 : i32
      %ge3A_210 = arith.cmpi sge, %add3A_156, %ge3A_209 : i32
      %convert_element_type3A_211 = arith.extui %ge3A_210 : i1 to i32
      %cond3A_212 = arith.constant 0 : i32
      %cond3A_213 = arith.cmpi ne, %convert_element_type3A_211, %cond3A_212 : i32
      scf.if %cond3A_213 {
        %dma_wait3A_234 = arith.constant 0 : i32
        %dma_wait3A_235 = arith.constant 0 : i32
        %dma_wait3A_236 = tpu.memref_slice %arg11[%dma_wait3A_234, %dma_wait3A_235] : memref<320000x16xf32, #tpu.memory_space<hbm>> -> memref<40x16xf32, #tpu.memory_space<hbm>>
        %dma_wait3A_237 = arith.constant 0 : i32
        %dma_wait3A_238 = arith.constant 0 : i32
        %dma_wait3A_239 = tpu.memref_slice %arg11[%dma_wait3A_237, %dma_wait3A_238] : memref<320000x16xf32, #tpu.memory_space<hbm>> -> memref<40x16xf32, #tpu.memory_space<hbm>>
        tpu.wait_dma2 semaphore(%arg28 : memref<!tpu.dma_semaphore, #tpu.memory_space<semaphore_mem>>) src(%arg20 : memref<40x16xf32, #tpu.memory_space<vmem>>) dst(%dma_wait3A_239 : memref<40x16xf32, #tpu.memory_space<hbm>>)
      } else {
      }
      %scan3A_214 = arith.constant 0 : i32
      %scan3A_215 = arith.constant 0 : i32
      %scan3A_216 = arith.constant 40 : i32
      %scan3A_217 = arith.addi %scan3A_215, %scan3A_216 : i32
      %scan3A_218 = arith.constant 4 : i32
      scf.for %scan3A_234 = %scan3A_215 to %scan3A_217 step %scan3A_218  : i32 {
        %get3A = arith.index_cast %scan3A_234 : i32 to index
        %get3A_235 = arith.constant 128 : index
        %get3A_236 = tpu.vector_load %arg17[%get3A, %get3A_235] {strides = array<i32>} : memref<40x256xf32, #tpu.memory_space<vmem>>, vector<1x16xf32>,
        %get3A_237 = vector.shape_cast %get3A_236 : vector<1x16xf32> to vector<16xf32>
        %get3A_238 = arith.index_cast %scan3A_234 : i32 to index
        %get3A_239 = arith.constant 0 : index
        %get3A_240 = tpu.vector_load %arg19[%get3A_238, %get3A_239] {strides = array<i32>} : memref<40x128xf32, #tpu.memory_space<vmem>>, vector<1x16xf32>,
        %get3A_241 = vector.shape_cast %get3A_240 : vector<1x16xf32> to vector<16xf32>
        %add3A_242 = arith.addf %get3A_237, %get3A_241 : vector<16xf32>
        %swap3A = arith.index_cast %scan3A_234 : i32 to index
        %swap3A_243 = arith.constant 0 : index
        %swap3A_244 = tpu.vector_load %arg20[%swap3A, %swap3A_243] {strides = array<i32>} : memref<40x16xf32, #tpu.memory_space<vmem>>, vector<1x16xf32>,
        %swap3A_245 = vector.shape_cast %swap3A_244 : vector<1x16xf32> to vector<16xf32>
        %swap3A_246 = vector.shape_cast %add3A_242 : vector<16xf32> to vector<1x16xf32>
        tpu.vector_store %arg20[%swap3A, %swap3A_243], %swap3A_246 {strides = array<i32>} : memref<40x16xf32, #tpu.memory_space<vmem>>, vector<1x16xf32>,
        %scan3A_247 = arith.constant 1 : i32
        %scan3A_248 = arith.addi %scan3A_234, %scan3A_247 : i32
        %get3A_249 = arith.index_cast %scan3A_248 : i32 to index
        %get3A_250 = arith.constant 128 : index
        %get3A_251 = tpu.vector_load %arg17[%get3A_249, %get3A_250] {strides = array<i32>} : memref<40x256xf32, #tpu.memory_space<vmem>>, vector<1x16xf32>,
        %get3A_252 = vector.shape_cast %get3A_251 : vector<1x16xf32> to vector<16xf32>
        %get3A_253 = arith.index_cast %scan3A_248 : i32 to index
        %get3A_254 = arith.constant 0 : index
        %get3A_255 = tpu.vector_load %arg19[%get3A_253, %get3A_254] {strides = array<i32>} : memref<40x128xf32, #tpu.memory_space<vmem>>, vector<1x16xf32>,
        %get3A_256 = vector.shape_cast %get3A_255 : vector<1x16xf32> to vector<16xf32>
        %add3A_257 = arith.addf %get3A_252, %get3A_256 : vector<16xf32>
        %swap3A_258 = arith.index_cast %scan3A_248 : i32 to index
        %swap3A_259 = arith.constant 0 : index
        %swap3A_260 = tpu.vector_load %arg20[%swap3A_258, %swap3A_259] {strides = array<i32>} : memref<40x16xf32, #tpu.memory_space<vmem>>, vector<1x16xf32>,
        %swap3A_261 = vector.shape_cast %swap3A_260 : vector<1x16xf32> to vector<16xf32>
        %swap3A_262 = vector.shape_cast %add3A_257 : vector<16xf32> to vector<1x16xf32>
        tpu.vector_store %arg20[%swap3A_258, %swap3A_259], %swap3A_262 {strides = array<i32>} : memref<40x16xf32, #tpu.memory_space<vmem>>, vector<1x16xf32>,
        %scan3A_263 = arith.constant 2 : i32
        %scan3A_264 = arith.addi %scan3A_234, %scan3A_263 : i32
        %get3A_265 = arith.index_cast %scan3A_264 : i32 to index
        %get3A_266 = arith.constant 128 : index
        %get3A_267 = tpu.vector_load %arg17[%get3A_265, %get3A_266] {strides = array<i32>} : memref<40x256xf32, #tpu.memory_space<vmem>>, vector<1x16xf32>,
        %get3A_268 = vector.shape_cast %get3A_267 : vector<1x16xf32> to vector<16xf32>
        %get3A_269 = arith.index_cast %scan3A_264 : i32 to index
        %get3A_270 = arith.constant 0 : index
        %get3A_271 = tpu.vector_load %arg19[%get3A_269, %get3A_270] {strides = array<i32>} : memref<40x128xf32, #tpu.memory_space<vmem>>, vector<1x16xf32>,
        %get3A_272 = vector.shape_cast %get3A_271 : vector<1x16xf32> to vector<16xf32>
        %add3A_273 = arith.addf %get3A_268, %get3A_272 : vector<16xf32>
        %swap3A_274 = arith.index_cast %scan3A_264 : i32 to index
        %swap3A_275 = arith.constant 0 : index
        %swap3A_276 = tpu.vector_load %arg20[%swap3A_274, %swap3A_275] {strides = array<i32>} : memref<40x16xf32, #tpu.memory_space<vmem>>, vector<1x16xf32>,
        %swap3A_277 = vector.shape_cast %swap3A_276 : vector<1x16xf32> to vector<16xf32>
        %swap3A_278 = vector.shape_cast %add3A_273 : vector<16xf32> to vector<1x16xf32>
        tpu.vector_store %arg20[%swap3A_274, %swap3A_275], %swap3A_278 {strides = array<i32>} : memref<40x16xf32, #tpu.memory_space<vmem>>, vector<1x16xf32>,
        %scan3A_279 = arith.constant 3 : i32
        %scan3A_280 = arith.addi %scan3A_234, %scan3A_279 : i32
        %get3A_281 = arith.index_cast %scan3A_280 : i32 to index
        %get3A_282 = arith.constant 128 : index
        %get3A_283 = tpu.vector_load %arg17[%get3A_281, %get3A_282] {strides = array<i32>} : memref<40x256xf32, #tpu.memory_space<vmem>>, vector<1x16xf32>,
        %get3A_284 = vector.shape_cast %get3A_283 : vector<1x16xf32> to vector<16xf32>
        %get3A_285 = arith.index_cast %scan3A_280 : i32 to index
        %get3A_286 = arith.constant 0 : index
        %get3A_287 = tpu.vector_load %arg19[%get3A_285, %get3A_286] {strides = array<i32>} : memref<40x128xf32, #tpu.memory_space<vmem>>, vector<1x16xf32>,
        %get3A_288 = vector.shape_cast %get3A_287 : vector<1x16xf32> to vector<16xf32>
        %add3A_289 = arith.addf %get3A_284, %get3A_288 : vector<16xf32>
        %swap3A_290 = arith.index_cast %scan3A_280 : i32 to index
        %swap3A_291 = arith.constant 0 : index
        %swap3A_292 = tpu.vector_load %arg20[%swap3A_290, %swap3A_291] {strides = array<i32>} : memref<40x16xf32, #tpu.memory_space<vmem>>, vector<1x16xf32>,
        %swap3A_293 = vector.shape_cast %swap3A_292 : vector<1x16xf32> to vector<16xf32>
        %swap3A_294 = vector.shape_cast %add3A_289 : vector<16xf32> to vector<1x16xf32>
        tpu.vector_store %arg20[%swap3A_290, %swap3A_291], %swap3A_294 {strides = array<i32>} : memref<40x16xf32, #tpu.memory_space<vmem>>, vector<1x16xf32>,
      }
      %scan3A_219 = arith.constant 40 : i32
      %dma_start3A_220 = arith.constant 0 : i32
      %dma_start3A_221 = tpu.memref_slice %arg11[%add3A_163, %dma_start3A_220] : memref<320000x16xf32, #tpu.memory_space<hbm>> -> memref<40x16xf32, #tpu.memory_space<hbm>>
      %dma_start3A_222 = arith.constant 0 : i32
      %dma_start3A_223 = tpu.memref_slice %arg11[%add3A_163, %dma_start3A_222] : memref<320000x16xf32, #tpu.memory_space<hbm>> -> memref<40x16xf32, #tpu.memory_space<hbm>>
      tpu.enqueue_dma source(%arg20 : memref<40x16xf32, #tpu.memory_space<vmem>>) target(%dma_start3A_223 : memref<40x16xf32, #tpu.memory_space<hbm>>) target_semaphore(%arg28 : memref<!tpu.dma_semaphore, #tpu.memory_space<semaphore_mem>>)
      %lt3A_224 = arith.constant 250 : i32
      %lt3A_225 = arith.cmpi slt, %add3A_165, %lt3A_224 : i32
      %rem3A_226 = arith.constant 10 : i32
      %rem3A_227 = arith.remsi %add3A_165, %rem3A_226 : i32
      %eq3A_228 = arith.constant 0 : i32
      %eq3A_229 = arith.cmpi eq, %rem3A_227, %eq3A_228 : i32
      %and3A_230 = arith.andi %lt3A_225, %eq3A_229 : i1
      %convert_element_type3A_231 = arith.extui %and3A_230 : i1 to i32
      %cond3A_232 = arith.constant 0 : i32
      %cond3A_233 = arith.cmpi ne, %convert_element_type3A_231, %cond3A_232 : i32
      scf.if %cond3A_233 {
        %jit3A = arith.constant 10 : i32
        %div3A = arith.divsi %add3A_165, %jit3A : i32
        %sign3A = arith.constant 0 : i32
        %sign3A_234 = arith.cmpi sgt, %add3A_165, %sign3A : i32
        %sign3A_235 = arith.extui %sign3A_234 : i1 to i32
        %sign3A_236 = arith.constant 0 : i32
        %sign3A_237 = arith.cmpi slt, %add3A_165, %sign3A_236 : i32
        %sign3A_238 = arith.extui %sign3A_237 : i1 to i32
        %sign3A_239 = arith.subi %sign3A_235, %sign3A_238 : i32
        %sign3A_240 = arith.constant 0 : i32
        %sign3A_241 = arith.cmpi sgt, %jit3A, %sign3A_240 : i32
        %sign3A_242 = arith.extui %sign3A_241 : i1 to i32
        %sign3A_243 = arith.constant 0 : i32
        %sign3A_244 = arith.cmpi slt, %jit3A, %sign3A_243 : i32
        %sign3A_245 = arith.extui %sign3A_244 : i1 to i32
        %sign3A_246 = arith.subi %sign3A_242, %sign3A_245 : i32
        %ne3A_247 = arith.cmpi ne, %sign3A_239, %sign3A_246 : i32
        %rem3A_248 = arith.remsi %add3A_165, %jit3A : i32
        %ne3A_249 = arith.constant 0 : i32
        %ne3A_250 = arith.cmpi ne, %rem3A_248, %ne3A_249 : i32
        %and3A_251 = arith.andi %ne3A_247, %ne3A_250 : i1
        %sub3A = arith.constant 1 : i32
        %sub3A_252 = arith.subi %div3A, %sub3A : i32
        %select_n3A = arith.select %and3A_251, %sub3A_252, %div3A : i32
        "tpu.region"() ({
          %run_scoped3A_276 = tpu.sem_alloc : memref<!tpu.dma_semaphore, #tpu.memory_space<semaphore_mem>>
          %dma_start3A_277 = arith.constant 0 : i32
          %dma_start3A_278 = arith.constant 0 : i32
          %dma_start3A_279 = tpu.memref_slice %arg5[%add3A, %select_n3A, %dma_start3A_277, %dma_start3A_278] : memref<32x25x10x40xi32, #tpu.memory_space<hbm>> -> memref<1x1x10x40xi32, #tpu.memory_space<hbm>>
          %dma_start3A_280 = tpu.memref_squeeze %dma_start3A_279 : memref<1x1x10x40xi32, #tpu.memory_space<hbm>> -> memref<10x40xi32, #tpu.memory_space<hbm>>
          %dma_start3A_281 = arith.constant 0 : i32
          %dma_start3A_282 = arith.constant 0 : i32
          %dma_start3A_283 = tpu.memref_slice %arg5[%add3A, %select_n3A, %dma_start3A_281, %dma_start3A_282] : memref<32x25x10x40xi32, #tpu.memory_space<hbm>> -> memref<1x1x10x40xi32, #tpu.memory_space<hbm>>
          %dma_start3A_284 = tpu.memref_squeeze %dma_start3A_283 : memref<1x1x10x40xi32, #tpu.memory_space<hbm>> -> memref<10x40xi32, #tpu.memory_space<hbm>>
          tpu.enqueue_dma source(%dma_start3A_284 : memref<10x40xi32, #tpu.memory_space<hbm>>) target(%arg12 : memref<10x40xi32, #tpu.memory_space<vmem>>) target_semaphore(%run_scoped3A_276 : memref<!tpu.dma_semaphore, #tpu.memory_space<semaphore_mem>>)
          %dma_wait3A_285 = arith.constant 0 : i32
          %dma_wait3A_286 = arith.constant 0 : i32
          %dma_wait3A_287 = tpu.memref_slice %arg5[%add3A, %select_n3A, %dma_wait3A_285, %dma_wait3A_286] : memref<32x25x10x40xi32, #tpu.memory_space<hbm>> -> memref<1x1x10x40xi32, #tpu.memory_space<hbm>>
          %dma_wait3A_288 = tpu.memref_squeeze %dma_wait3A_287 : memref<1x1x10x40xi32, #tpu.memory_space<hbm>> -> memref<10x40xi32, #tpu.memory_space<hbm>>
          %dma_wait3A_289 = arith.constant 0 : i32
          %dma_wait3A_290 = arith.constant 0 : i32
          %dma_wait3A_291 = tpu.memref_slice %arg5[%add3A, %select_n3A, %dma_wait3A_289, %dma_wait3A_290] : memref<32x25x10x40xi32, #tpu.memory_space<hbm>> -> memref<1x1x10x40xi32, #tpu.memory_space<hbm>>
          %dma_wait3A_292 = tpu.memref_squeeze %dma_wait3A_291 : memref<1x1x10x40xi32, #tpu.memory_space<hbm>> -> memref<10x40xi32, #tpu.memory_space<hbm>>
          tpu.wait_dma2 semaphore(%run_scoped3A_276 : memref<!tpu.dma_semaphore, #tpu.memory_space<semaphore_mem>>) src(%dma_wait3A_292 : memref<10x40xi32, #tpu.memory_space<hbm>>) dst(%arg12 : memref<10x40xi32, #tpu.memory_space<vmem>>)
          tpu.yield
        }) : () -> ()
        "tpu.region"() ({
          %run_scoped3A_276 = tpu.sem_alloc : memref<!tpu.dma_semaphore, #tpu.memory_space<semaphore_mem>>
          %dma_start3A_277 = arith.constant 0 : i32
          %dma_start3A_278 = arith.constant 0 : i32
          %dma_start3A_279 = tpu.memref_slice %arg6[%add3A, %select_n3A, %dma_start3A_277, %dma_start3A_278] : memref<32x25x10x40xi32, #tpu.memory_space<hbm>> -> memref<1x1x10x40xi32, #tpu.memory_space<hbm>>
          %dma_start3A_280 = tpu.memref_squeeze %dma_start3A_279 : memref<1x1x10x40xi32, #tpu.memory_space<hbm>> -> memref<10x40xi32, #tpu.memory_space<hbm>>
          %dma_start3A_281 = arith.constant 0 : i32
          %dma_start3A_282 = arith.constant 0 : i32
          %dma_start3A_283 = tpu.memref_slice %arg6[%add3A, %select_n3A, %dma_start3A_281, %dma_start3A_282] : memref<32x25x10x40xi32, #tpu.memory_space<hbm>> -> memref<1x1x10x40xi32, #tpu.memory_space<hbm>>
          %dma_start3A_284 = tpu.memref_squeeze %dma_start3A_283 : memref<1x1x10x40xi32, #tpu.memory_space<hbm>> -> memref<10x40xi32, #tpu.memory_space<hbm>>
          tpu.enqueue_dma source(%dma_start3A_284 : memref<10x40xi32, #tpu.memory_space<hbm>>) target(%arg13 : memref<10x40xi32, #tpu.memory_space<vmem>>) target_semaphore(%run_scoped3A_276 : memref<!tpu.dma_semaphore, #tpu.memory_space<semaphore_mem>>)
          %dma_wait3A_285 = arith.constant 0 : i32
          %dma_wait3A_286 = arith.constant 0 : i32
          %dma_wait3A_287 = tpu.memref_slice %arg6[%add3A, %select_n3A, %dma_wait3A_285, %dma_wait3A_286] : memref<32x25x10x40xi32, #tpu.memory_space<hbm>> -> memref<1x1x10x40xi32, #tpu.memory_space<hbm>>
          %dma_wait3A_288 = tpu.memref_squeeze %dma_wait3A_287 : memref<1x1x10x40xi32, #tpu.memory_space<hbm>> -> memref<10x40xi32, #tpu.memory_space<hbm>>
          %dma_wait3A_289 = arith.constant 0 : i32
          %dma_wait3A_290 = arith.constant 0 : i32
          %dma_wait3A_291 = tpu.memref_slice %arg6[%add3A, %select_n3A, %dma_wait3A_289, %dma_wait3A_290] : memref<32x25x10x40xi32, #tpu.memory_space<hbm>> -> memref<1x1x10x40xi32, #tpu.memory_space<hbm>>
          %dma_wait3A_292 = tpu.memref_squeeze %dma_wait3A_291 : memref<1x1x10x40xi32, #tpu.memory_space<hbm>> -> memref<10x40xi32, #tpu.memory_space<hbm>>
          tpu.wait_dma2 semaphore(%run_scoped3A_276 : memref<!tpu.dma_semaphore, #tpu.memory_space<semaphore_mem>>) src(%dma_wait3A_292 : memref<10x40xi32, #tpu.memory_space<hbm>>) dst(%arg13 : memref<10x40xi32, #tpu.memory_space<vmem>>)
          tpu.yield
        }) : () -> ()
        %rem3A_253 = arith.constant 10 : i32
        %rem3A_254 = arith.remsi %add3A_165, %rem3A_253 : i32
        %mul3A_255 = arith.constant 10000 : i32
        %mul3A_256 = arith.muli %add3A, %mul3A_255 : i32
        %mul3A_257 = arith.constant 40 : i32
        %mul3A_258 = arith.muli %add3A_165, %mul3A_257 : i32
        %add3A_259 = arith.addi %mul3A_256, %mul3A_258 : i32
        %dma_start3A_260 = arith.constant 0 : i32
        %dma_start3A_261 = tpu.memref_slice %arg12[%rem3A_254, %dma_start3A_260] : memref<10x40xi32, #tpu.memory_space<vmem>> -> memref<1x40xi32, #tpu.memory_space<vmem>>
        %dma_start3A_262 = tpu.memref_squeeze %dma_start3A_261 : memref<1x40xi32, #tpu.memory_space<vmem>> -> memref<40xi32, #tpu.memory_space<vmem>>
        %dma_start3A_263 = arith.constant 0 : i32
        %dma_start3A_264 = arith.constant 0 : i32
        %dma_start3A_265 = tpu.memref_slice %arg2[%dma_start3A_263, %dma_start3A_264] : memref<10000x256xf32, #tpu.memory_space<hbm>> -> memref<10000x256xf32, #tpu.memory_space<hbm>>
        tpu.enqueue_indirect_dma source(%dma_start3A_265 : memref<10000x256xf32, #tpu.memory_space<hbm>>) target(%arg14 : memref<40x256xf32, #tpu.memory_space<vmem>>) offsets(%dma_start3A_262 : memref<40xi32, #tpu.memory_space<vmem>>) semaphore(%arg22 : memref<!tpu.dma_semaphore, #tpu.memory_space<semaphore_mem>>)
        %dma_start3A_266 = arith.constant 0 : i32
        %dma_start3A_267 = tpu.memref_slice %arg13[%rem3A_254, %dma_start3A_266] : memref<10x40xi32, #tpu.memory_space<vmem>> -> memref<1x40xi32, #tpu.memory_space<vmem>>
        %dma_start3A_268 = tpu.memref_squeeze %dma_start3A_267 : memref<1x40xi32, #tpu.memory_space<vmem>> -> memref<40xi32, #tpu.memory_space<vmem>>
        %dma_start3A_269 = arith.constant 0 : i32
        %dma_start3A_270 = arith.constant 0 : i32
        %dma_start3A_271 = tpu.memref_slice %arg4[%dma_start3A_269, %dma_start3A_270] : memref<10000x128xf32, #tpu.memory_space<hbm>> -> memref<10000x128xf32, #tpu.memory_space<hbm>>
        tpu.enqueue_indirect_dma source(%dma_start3A_271 : memref<10000x128xf32, #tpu.memory_space<hbm>>) target(%arg16 : memref<40x128xf32, #tpu.memory_space<vmem>>) offsets(%dma_start3A_268 : memref<40xi32, #tpu.memory_space<vmem>>) semaphore(%arg22 : memref<!tpu.dma_semaphore, #tpu.memory_space<semaphore_mem>>)
        %dma_start3A_272 = arith.constant 0 : i32
        %dma_start3A_273 = tpu.memref_slice %arg3[%add3A_259, %dma_start3A_272] : memref<320000x128xf32, #tpu.memory_space<hbm>> -> memref<40x128xf32, #tpu.memory_space<hbm>>
        %dma_start3A_274 = arith.constant 0 : i32
        %dma_start3A_275 = tpu.memref_slice %arg3[%add3A_259, %dma_start3A_274] : memref<320000x128xf32, #tpu.memory_space<hbm>> -> memref<40x128xf32, #tpu.memory_space<hbm>>
        tpu.enqueue_dma source(%dma_start3A_275 : memref<40x128xf32, #tpu.memory_space<hbm>>) target(%arg15 : memref<40x128xf32, #tpu.memory_space<vmem>>) target_semaphore(%arg23 : memref<!tpu.dma_semaphore, #tpu.memory_space<semaphore_mem>>)
      } else {
      }
    }
    %scan3A_31 = arith.constant 125 : i32
    %dma_wait3A = arith.constant 0 : i32
    %dma_wait3A_32 = arith.constant 0 : i32
    %dma_wait3A_33 = tpu.memref_slice %arg13[%dma_wait3A, %dma_wait3A_32] : memref<10x40xi32, #tpu.memory_space<vmem>> -> memref<1x40xi32, #tpu.memory_space<vmem>>
    %dma_wait3A_34 = tpu.memref_squeeze %dma_wait3A_33 : memref<1x40xi32, #tpu.memory_space<vmem>> -> memref<40xi32, #tpu.memory_space<vmem>>
    %dma_wait3A_35 = arith.constant 0 : i32
    %dma_wait3A_36 = arith.constant 0 : i32
    %dma_wait3A_37 = tpu.memref_slice %arg21[%dma_wait3A_35, %dma_wait3A_36] : memref<10000x128xf32, #tpu.memory_space<vmem_shared>> -> memref<10000x128xf32, #tpu.memory_space<vmem_shared>>
    tpu.wait_indirect_dma semaphore(%arg27 : memref<!tpu.dma_semaphore, #tpu.memory_space<semaphore_mem>>) src(%arg18 : memref<40x128xf32, #tpu.memory_space<vmem>>) dst(%dma_wait3A_37 : memref<10000x128xf32, #tpu.memory_space<vmem_shared>>)
    %dma_wait3A_38 = arith.constant 0 : i32
    %dma_wait3A_39 = arith.constant 0 : i32
    %dma_wait3A_40 = tpu.memref_slice %arg11[%dma_wait3A_38, %dma_wait3A_39] : memref<320000x16xf32, #tpu.memory_space<hbm>> -> memref<40x16xf32, #tpu.memory_space<hbm>>
    %dma_wait3A_41 = arith.constant 0 : i32
    %dma_wait3A_42 = arith.constant 0 : i32
    %dma_wait3A_43 = tpu.memref_slice %arg11[%dma_wait3A_41, %dma_wait3A_42] : memref<320000x16xf32, #tpu.memory_space<hbm>> -> memref<40x16xf32, #tpu.memory_space<hbm>>
    tpu.wait_dma2 semaphore(%arg28 : memref<!tpu.dma_semaphore, #tpu.memory_space<semaphore_mem>>) src(%arg20 : memref<40x16xf32, #tpu.memory_space<vmem>>) dst(%dma_wait3A_43 : memref<40x16xf32, #tpu.memory_space<hbm>>)
    %barrier3A_44 = arith.constant 0 : index
    tpu.barrier barrier_id(%barrier3A_44)
    %mul3A_45 = arith.constant 624 : i32
    %mul3A_46 = arith.muli %arg1, %mul3A_45 : i32
    %mul3A_47 = arith.constant 624 : i32
    %mul3A_48 = arith.muli %arg1, %mul3A_47 : i32
    "tpu.region"() ({
      %run_scoped3A_79 = tpu.sem_alloc : memref<!tpu.dma_semaphore, #tpu.memory_space<semaphore_mem>>
      %dma_start3A_80 = arith.constant 0 : i32
      %dma_start3A_81 = tpu.memref_slice %arg9[%arg0, %mul3A_48, %dma_start3A_80] : memref<2x10000x128xf32, #tpu.memory_space<hbm>> -> memref<1x624x128xf32, #tpu.memory_space<hbm>>
      %dma_start3A_82 = tpu.memref_squeeze %dma_start3A_81 : memref<1x624x128xf32, #tpu.memory_space<hbm>> -> memref<624x128xf32, #tpu.memory_space<hbm>>
      %dma_start3A_83 = arith.constant 0 : i32
      %dma_start3A_84 = tpu.memref_slice %arg21[%mul3A_46, %dma_start3A_83] : memref<10000x128xf32, #tpu.memory_space<vmem_shared>> -> memref<624x128xf32, #tpu.memory_space<vmem_shared>>
      tpu.enqueue_dma source(%dma_start3A_84 : memref<624x128xf32, #tpu.memory_space<vmem_shared>>) target(%dma_start3A_82 : memref<624x128xf32, #tpu.memory_space<hbm>>) target_semaphore(%run_scoped3A_79 : memref<!tpu.dma_semaphore, #tpu.memory_space<semaphore_mem>>)
      %dma_wait3A_85 = arith.constant 0 : i32
      %dma_wait3A_86 = tpu.memref_slice %arg9[%arg0, %mul3A_48, %dma_wait3A_85] : memref<2x10000x128xf32, #tpu.memory_space<hbm>> -> memref<1x624x128xf32, #tpu.memory_space<hbm>>
      %dma_wait3A_87 = tpu.memref_squeeze %dma_wait3A_86 : memref<1x624x128xf32, #tpu.memory_space<hbm>> -> memref<624x128xf32, #tpu.memory_space<hbm>>
      %dma_wait3A_88 = arith.constant 0 : i32
      %dma_wait3A_89 = tpu.memref_slice %arg21[%mul3A_46, %dma_wait3A_88] : memref<10000x128xf32, #tpu.memory_space<vmem_shared>> -> memref<624x128xf32, #tpu.memory_space<vmem_shared>>
      tpu.wait_dma2 semaphore(%run_scoped3A_79 : memref<!tpu.dma_semaphore, #tpu.memory_space<semaphore_mem>>) src(%dma_wait3A_89 : memref<624x128xf32, #tpu.memory_space<vmem_shared>>) dst(%dma_wait3A_87 : memref<624x128xf32, #tpu.memory_space<hbm>>)
      tpu.yield
    }) : () -> ()
    %eq3A_49 = arith.constant 15 : i32
    %eq3A_50 = arith.cmpi eq, %arg1, %eq3A_49 : i32
    %convert_element_type3A_51 = arith.extui %eq3A_50 : i1 to i32
    %cond3A_52 = arith.constant 0 : i32
    %cond3A_53 = arith.cmpi ne, %convert_element_type3A_51, %cond3A_52 : i32
    scf.if %cond3A_53 {
      "tpu.region"() ({
        %run_scoped3A_79 = tpu.sem_alloc : memref<!tpu.dma_semaphore, #tpu.memory_space<semaphore_mem>>
        %dma_start3A_80 = arith.constant 9984 : i32
        %dma_start3A_81 = arith.constant 0 : i32
        %dma_start3A_82 = tpu.memref_slice %arg9[%arg0, %dma_start3A_80, %dma_start3A_81] : memref<2x10000x128xf32, #tpu.memory_space<hbm>> -> memref<1x16x128xf32, #tpu.memory_space<hbm>>
        %dma_start3A_83 = tpu.memref_squeeze %dma_start3A_82 : memref<1x16x128xf32, #tpu.memory_space<hbm>> -> memref<16x128xf32, #tpu.memory_space<hbm>>
        %dma_start3A_84 = arith.constant 9984 : i32
        %dma_start3A_85 = arith.constant 0 : i32
        %dma_start3A_86 = tpu.memref_slice %arg21[%dma_start3A_84, %dma_start3A_85] : memref<10000x128xf32, #tpu.memory_space<vmem_shared>> -> memref<16x128xf32, #tpu.memory_space<vmem_shared>>
        tpu.enqueue_dma source(%dma_start3A_86 : memref<16x128xf32, #tpu.memory_space<vmem_shared>>) target(%dma_start3A_83 : memref<16x128xf32, #tpu.memory_space<hbm>>) target_semaphore(%run_scoped3A_79 : memref<!tpu.dma_semaphore, #tpu.memory_space<semaphore_mem>>)
        %dma_wait3A_87 = arith.constant 9984 : i32
        %dma_wait3A_88 = arith.constant 0 : i32
        %dma_wait3A_89 = tpu.memref_slice %arg9[%arg0, %dma_wait3A_87, %dma_wait3A_88] : memref<2x10000x128xf32, #tpu.memory_space<hbm>> -> memref<1x16x128xf32, #tpu.memory_space<hbm>>
        %dma_wait3A_90 = tpu.memref_squeeze %dma_wait3A_89 : memref<1x16x128xf32, #tpu.memory_space<hbm>> -> memref<16x128xf32, #tpu.memory_space<hbm>>
        %dma_wait3A_91 = arith.constant 9984 : i32
        %dma_wait3A_92 = arith.constant 0 : i32
        %dma_wait3A_93 = tpu.memref_slice %arg21[%dma_wait3A_91, %dma_wait3A_92] : memref<10000x128xf32, #tpu.memory_space<vmem_shared>> -> memref<16x128xf32, #tpu.memory_space<vmem_shared>>
        tpu.wait_dma2 semaphore(%run_scoped3A_79 : memref<!tpu.dma_semaphore, #tpu.memory_space<semaphore_mem>>) src(%dma_wait3A_93 : memref<16x128xf32, #tpu.memory_space<vmem_shared>>) dst(%dma_wait3A_90 : memref<16x128xf32, #tpu.memory_space<hbm>>)
        tpu.yield
      }) : () -> ()
    } else {
    }
    %barrier3A_54 = arith.constant 0 : index
    tpu.barrier barrier_id(%barrier3A_54)
    %mul3A_55 = arith.constant 624 : i32
    %mul3A_56 = arith.muli %arg1, %mul3A_55 : i32
    "tpu.region"() ({
      %run_scoped3A_79 = tpu.sem_alloc : memref<!tpu.dma_semaphore, #tpu.memory_space<semaphore_mem>>
      %dma_start3A_80 = arith.constant 0 : i32
      %dma_start3A_81 = tpu.memref_slice %arg21[%mul3A_56, %dma_start3A_80] : memref<10000x128xf32, #tpu.memory_space<vmem_shared>> -> memref<624x128xf32, #tpu.memory_space<vmem_shared>>
      tpu.enqueue_dma source(%arg7 : memref<624x128xf32, #tpu.memory_space<hbm>>) target(%dma_start3A_81 : memref<624x128xf32, #tpu.memory_space<vmem_shared>>) target_semaphore(%run_scoped3A_79 : memref<!tpu.dma_semaphore, #tpu.memory_space<semaphore_mem>>)
      %dma_wait3A_82 = arith.constant 0 : i32
      %dma_wait3A_83 = tpu.memref_slice %arg21[%mul3A_56, %dma_wait3A_82] : memref<10000x128xf32, #tpu.memory_space<vmem_shared>> -> memref<624x128xf32, #tpu.memory_space<vmem_shared>>
      tpu.wait_dma2 semaphore(%run_scoped3A_79 : memref<!tpu.dma_semaphore, #tpu.memory_space<semaphore_mem>>) src(%arg7 : memref<624x128xf32, #tpu.memory_space<hbm>>) dst(%dma_wait3A_83 : memref<624x128xf32, #tpu.memory_space<vmem_shared>>)
      tpu.yield
    }) : () -> ()
    %eq3A_57 = arith.constant 15 : i32
    %eq3A_58 = arith.cmpi eq, %arg1, %eq3A_57 : i32
    %convert_element_type3A_59 = arith.extui %eq3A_58 : i1 to i32
    %cond3A_60 = arith.constant 0 : i32
    %cond3A_61 = arith.cmpi ne, %convert_element_type3A_59, %cond3A_60 : i32
    scf.if %cond3A_61 {
      "tpu.region"() ({
        %run_scoped3A_79 = tpu.sem_alloc : memref<!tpu.dma_semaphore, #tpu.memory_space<semaphore_mem>>
        %dma_start3A_80 = arith.constant 9984 : i32
        %dma_start3A_81 = arith.constant 0 : i32
        %dma_start3A_82 = tpu.memref_slice %arg21[%dma_start3A_80, %dma_start3A_81] : memref<10000x128xf32, #tpu.memory_space<vmem_shared>> -> memref<16x128xf32, #tpu.memory_space<vmem_shared>>
        %dma_start3A_83 = arith.constant 0 : i32
        %dma_start3A_84 = arith.constant 0 : i32
        %dma_start3A_85 = tpu.memref_slice %arg7[%dma_start3A_83, %dma_start3A_84] : memref<624x128xf32, #tpu.memory_space<hbm>> -> memref<16x128xf32, #tpu.memory_space<hbm>>
        tpu.enqueue_dma source(%dma_start3A_85 : memref<16x128xf32, #tpu.memory_space<hbm>>) target(%dma_start3A_82 : memref<16x128xf32, #tpu.memory_space<vmem_shared>>) target_semaphore(%run_scoped3A_79 : memref<!tpu.dma_semaphore, #tpu.memory_space<semaphore_mem>>)
        %dma_wait3A_86 = arith.constant 9984 : i32
        %dma_wait3A_87 = arith.constant 0 : i32
        %dma_wait3A_88 = tpu.memref_slice %arg21[%dma_wait3A_86, %dma_wait3A_87] : memref<10000x128xf32, #tpu.memory_space<vmem_shared>> -> memref<16x128xf32, #tpu.memory_space<vmem_shared>>
        %dma_wait3A_89 = arith.constant 0 : i32
        %dma_wait3A_90 = arith.constant 0 : i32
        %dma_wait3A_91 = tpu.memref_slice %arg7[%dma_wait3A_89, %dma_wait3A_90] : memref<624x128xf32, #tpu.memory_space<hbm>> -> memref<16x128xf32, #tpu.memory_space<hbm>>
        tpu.wait_dma2 semaphore(%run_scoped3A_79 : memref<!tpu.dma_semaphore, #tpu.memory_space<semaphore_mem>>) src(%dma_wait3A_91 : memref<16x128xf32, #tpu.memory_space<hbm>>) dst(%dma_wait3A_88 : memref<16x128xf32, #tpu.memory_space<vmem_shared>>)
        tpu.yield
      }) : () -> ()
    } else {
    }
    "tpu.region"() ({
      %run_scoped3A_79 = tpu.sem_alloc : memref<!tpu.dma_semaphore, #tpu.memory_space<semaphore_mem>>
      tpu.enqueue_dma source(%arg8 : memref<40x128xf32, #tpu.memory_space<hbm>>) target(%arg15 : memref<40x128xf32, #tpu.memory_space<vmem>>) target_semaphore(%run_scoped3A_79 : memref<!tpu.dma_semaphore, #tpu.memory_space<semaphore_mem>>)
      tpu.wait_dma2 semaphore(%run_scoped3A_79 : memref<!tpu.dma_semaphore, #tpu.memory_space<semaphore_mem>>) src(%arg8 : memref<40x128xf32, #tpu.memory_space<hbm>>) dst(%arg15 : memref<40x128xf32, #tpu.memory_space<vmem>>)
      tpu.yield
    }) : () -> ()
    %barrier3A_62 = arith.constant 0 : index
    tpu.barrier barrier_id(%barrier3A_62)
    %scan3A_63 = arith.constant 0 : i32
    %scan3A_64 = arith.constant 0 : i32
    %scan3A_65 = arith.constant 25 : i32
    %scan3A_66 = arith.addi %scan3A_64, %scan3A_65 : i32
    %scan3A_67 = arith.constant 1 : i32
    scf.for %scan3A_79 = %scan3A_64 to %scan3A_66 step %scan3A_67  : i32 {
      "tpu.region"() ({
        %run_scoped3A_220 = tpu.sem_alloc : memref<!tpu.dma_semaphore, #tpu.memory_space<semaphore_mem>>
        %dma_start3A_221 = arith.constant 0 : i32
        %dma_start3A_222 = arith.constant 0 : i32
        %dma_start3A_223 = tpu.memref_slice %arg6[%add3A, %scan3A_79, %dma_start3A_221, %dma_start3A_222] : memref<32x25x10x40xi32, #tpu.memory_space<hbm>> -> memref<1x1x10x40xi32, #tpu.memory_space<hbm>>
        %dma_start3A_224 = tpu.memref_squeeze %dma_start3A_223 : memref<1x1x10x40xi32, #tpu.memory_space<hbm>> -> memref<10x40xi32, #tpu.memory_space<hbm>>
        %dma_start3A_225 = arith.constant 0 : i32
        %dma_start3A_226 = arith.constant 0 : i32
        %dma_start3A_227 = tpu.memref_slice %arg6[%add3A, %scan3A_79, %dma_start3A_225, %dma_start3A_226] : memref<32x25x10x40xi32, #tpu.memory_space<hbm>> -> memref<1x1x10x40xi32, #tpu.memory_space<hbm>>
        %dma_start3A_228 = tpu.memref_squeeze %dma_start3A_227 : memref<1x1x10x40xi32, #tpu.memory_space<hbm>> -> memref<10x40xi32, #tpu.memory_space<hbm>>
        tpu.enqueue_dma source(%dma_start3A_228 : memref<10x40xi32, #tpu.memory_space<hbm>>) target(%arg13 : memref<10x40xi32, #tpu.memory_space<vmem>>) target_semaphore(%run_scoped3A_220 : memref<!tpu.dma_semaphore, #tpu.memory_space<semaphore_mem>>)
        %dma_wait3A_229 = arith.constant 0 : i32
        %dma_wait3A_230 = arith.constant 0 : i32
        %dma_wait3A_231 = tpu.memref_slice %arg6[%add3A, %scan3A_79, %dma_wait3A_229, %dma_wait3A_230] : memref<32x25x10x40xi32, #tpu.memory_space<hbm>> -> memref<1x1x10x40xi32, #tpu.memory_space<hbm>>
        %dma_wait3A_232 = tpu.memref_squeeze %dma_wait3A_231 : memref<1x1x10x40xi32, #tpu.memory_space<hbm>> -> memref<10x40xi32, #tpu.memory_space<hbm>>
        %dma_wait3A_233 = arith.constant 0 : i32
        %dma_wait3A_234 = arith.constant 0 : i32
        %dma_wait3A_235 = tpu.memref_slice %arg6[%add3A, %scan3A_79, %dma_wait3A_233, %dma_wait3A_234] : memref<32x25x10x40xi32, #tpu.memory_space<hbm>> -> memref<1x1x10x40xi32, #tpu.memory_space<hbm>>
        %dma_wait3A_236 = tpu.memref_squeeze %dma_wait3A_235 : memref<1x1x10x40xi32, #tpu.memory_space<hbm>> -> memref<10x40xi32, #tpu.memory_space<hbm>>
        tpu.wait_dma2 semaphore(%run_scoped3A_220 : memref<!tpu.dma_semaphore, #tpu.memory_space<semaphore_mem>>) src(%dma_wait3A_236 : memref<10x40xi32, #tpu.memory_space<hbm>>) dst(%arg13 : memref<10x40xi32, #tpu.memory_space<vmem>>)
        tpu.yield
      }) : () -> ()
      %dma_start3A_80 = arith.constant 0 : i32
      %dma_start3A_81 = arith.constant 0 : i32
      %dma_start3A_82 = tpu.memref_slice %arg13[%dma_start3A_80, %dma_start3A_81] : memref<10x40xi32, #tpu.memory_space<vmem>> -> memref<1x40xi32, #tpu.memory_space<vmem>>
      %dma_start3A_83 = tpu.memref_squeeze %dma_start3A_82 : memref<1x40xi32, #tpu.memory_space<vmem>> -> memref<40xi32, #tpu.memory_space<vmem>>
      %dma_start3A_84 = arith.constant 0 : i32
      %dma_start3A_85 = arith.constant 0 : i32
      %dma_start3A_86 = tpu.memref_slice %arg21[%dma_start3A_84, %dma_start3A_85] : memref<10000x128xf32, #tpu.memory_space<vmem_shared>> -> memref<10000x128xf32, #tpu.memory_space<vmem_shared>>
      tpu.enqueue_indirect_dma source(%arg15 : memref<40x128xf32, #tpu.memory_space<vmem>>) target(%dma_start3A_86 : memref<10000x128xf32, #tpu.memory_space<vmem_shared>>) offsets(%dma_start3A_83 : memref<40xi32, #tpu.memory_space<vmem>>) semaphore(%arg26 : memref<!tpu.dma_semaphore, #tpu.memory_space<semaphore_mem>>) {add = true}
      %dma_start3A_87 = arith.constant 1 : i32
      %dma_start3A_88 = arith.constant 0 : i32
      %dma_start3A_89 = tpu.memref_slice %arg13[%dma_start3A_87, %dma_start3A_88] : memref<10x40xi32, #tpu.memory_space<vmem>> -> memref<1x40xi32, #tpu.memory_space<vmem>>
      %dma_start3A_90 = tpu.memref_squeeze %dma_start3A_89 : memref<1x40xi32, #tpu.memory_space<vmem>> -> memref<40xi32, #tpu.memory_space<vmem>>
      %dma_start3A_91 = arith.constant 0 : i32
      %dma_start3A_92 = arith.constant 0 : i32
      %dma_start3A_93 = tpu.memref_slice %arg21[%dma_start3A_91, %dma_start3A_92] : memref<10000x128xf32, #tpu.memory_space<vmem_shared>> -> memref<10000x128xf32, #tpu.memory_space<vmem_shared>>
      tpu.enqueue_indirect_dma source(%arg15 : memref<40x128xf32, #tpu.memory_space<vmem>>) target(%dma_start3A_93 : memref<10000x128xf32, #tpu.memory_space<vmem_shared>>) offsets(%dma_start3A_90 : memref<40xi32, #tpu.memory_space<vmem>>) semaphore(%arg26 : memref<!tpu.dma_semaphore, #tpu.memory_space<semaphore_mem>>) {add = true}
      %dma_start3A_94 = arith.constant 2 : i32
      %dma_start3A_95 = arith.constant 0 : i32
      %dma_start3A_96 = tpu.memref_slice %arg13[%dma_start3A_94, %dma_start3A_95] : memref<10x40xi32, #tpu.memory_space<vmem>> -> memref<1x40xi32, #tpu.memory_space<vmem>>
      %dma_start3A_97 = tpu.memref_squeeze %dma_start3A_96 : memref<1x40xi32, #tpu.memory_space<vmem>> -> memref<40xi32, #tpu.memory_space<vmem>>
      %dma_start3A_98 = arith.constant 0 : i32
      %dma_start3A_99 = arith.constant 0 : i32
      %dma_start3A_100 = tpu.memref_slice %arg21[%dma_start3A_98, %dma_start3A_99] : memref<10000x128xf32, #tpu.memory_space<vmem_shared>> -> memref<10000x128xf32, #tpu.memory_space<vmem_shared>>
      tpu.enqueue_indirect_dma source(%arg15 : memref<40x128xf32, #tpu.memory_space<vmem>>) target(%dma_start3A_100 : memref<10000x128xf32, #tpu.memory_space<vmem_shared>>) offsets(%dma_start3A_97 : memref<40xi32, #tpu.memory_space<vmem>>) semaphore(%arg26 : memref<!tpu.dma_semaphore, #tpu.memory_space<semaphore_mem>>) {add = true}
      %dma_start3A_101 = arith.constant 3 : i32
      %dma_start3A_102 = arith.constant 0 : i32
      %dma_start3A_103 = tpu.memref_slice %arg13[%dma_start3A_101, %dma_start3A_102] : memref<10x40xi32, #tpu.memory_space<vmem>> -> memref<1x40xi32, #tpu.memory_space<vmem>>
      %dma_start3A_104 = tpu.memref_squeeze %dma_start3A_103 : memref<1x40xi32, #tpu.memory_space<vmem>> -> memref<40xi32, #tpu.memory_space<vmem>>
      %dma_start3A_105 = arith.constant 0 : i32
      %dma_start3A_106 = arith.constant 0 : i32
      %dma_start3A_107 = tpu.memref_slice %arg21[%dma_start3A_105, %dma_start3A_106] : memref<10000x128xf32, #tpu.memory_space<vmem_shared>> -> memref<10000x128xf32, #tpu.memory_space<vmem_shared>>
      tpu.enqueue_indirect_dma source(%arg15 : memref<40x128xf32, #tpu.memory_space<vmem>>) target(%dma_start3A_107 : memref<10000x128xf32, #tpu.memory_space<vmem_shared>>) offsets(%dma_start3A_104 : memref<40xi32, #tpu.memory_space<vmem>>) semaphore(%arg26 : memref<!tpu.dma_semaphore, #tpu.memory_space<semaphore_mem>>) {add = true}
      %dma_start3A_108 = arith.constant 4 : i32
      %dma_start3A_109 = arith.constant 0 : i32
      %dma_start3A_110 = tpu.memref_slice %arg13[%dma_start3A_108, %dma_start3A_109] : memref<10x40xi32, #tpu.memory_space<vmem>> -> memref<1x40xi32, #tpu.memory_space<vmem>>
      %dma_start3A_111 = tpu.memref_squeeze %dma_start3A_110 : memref<1x40xi32, #tpu.memory_space<vmem>> -> memref<40xi32, #tpu.memory_space<vmem>>
      %dma_start3A_112 = arith.constant 0 : i32
      %dma_start3A_113 = arith.constant 0 : i32
      %dma_start3A_114 = tpu.memref_slice %arg21[%dma_start3A_112, %dma_start3A_113] : memref<10000x128xf32, #tpu.memory_space<vmem_shared>> -> memref<10000x128xf32, #tpu.memory_space<vmem_shared>>
      tpu.enqueue_indirect_dma source(%arg15 : memref<40x128xf32, #tpu.memory_space<vmem>>) target(%dma_start3A_114 : memref<10000x128xf32, #tpu.memory_space<vmem_shared>>) offsets(%dma_start3A_111 : memref<40xi32, #tpu.memory_space<vmem>>) semaphore(%arg26 : memref<!tpu.dma_semaphore, #tpu.memory_space<semaphore_mem>>) {add = true}
      %dma_start3A_115 = arith.constant 5 : i32
      %dma_start3A_116 = arith.constant 0 : i32
      %dma_start3A_117 = tpu.memref_slice %arg13[%dma_start3A_115, %dma_start3A_116] : memref<10x40xi32, #tpu.memory_space<vmem>> -> memref<1x40xi32, #tpu.memory_space<vmem>>
      %dma_start3A_118 = tpu.memref_squeeze %dma_start3A_117 : memref<1x40xi32, #tpu.memory_space<vmem>> -> memref<40xi32, #tpu.memory_space<vmem>>
      %dma_start3A_119 = arith.constant 0 : i32
      %dma_start3A_120 = arith.constant 0 : i32
      %dma_start3A_121 = tpu.memref_slice %arg21[%dma_start3A_119, %dma_start3A_120] : memref<10000x128xf32, #tpu.memory_space<vmem_shared>> -> memref<10000x128xf32, #tpu.memory_space<vmem_shared>>
      tpu.enqueue_indirect_dma source(%arg15 : memref<40x128xf32, #tpu.memory_space<vmem>>) target(%dma_start3A_121 : memref<10000x128xf32, #tpu.memory_space<vmem_shared>>) offsets(%dma_start3A_118 : memref<40xi32, #tpu.memory_space<vmem>>) semaphore(%arg26 : memref<!tpu.dma_semaphore, #tpu.memory_space<semaphore_mem>>) {add = true}
      %dma_start3A_122 = arith.constant 6 : i32
      %dma_start3A_123 = arith.constant 0 : i32
      %dma_start3A_124 = tpu.memref_slice %arg13[%dma_start3A_122, %dma_start3A_123] : memref<10x40xi32, #tpu.memory_space<vmem>> -> memref<1x40xi32, #tpu.memory_space<vmem>>
      %dma_start3A_125 = tpu.memref_squeeze %dma_start3A_124 : memref<1x40xi32, #tpu.memory_space<vmem>> -> memref<40xi32, #tpu.memory_space<vmem>>
      %dma_start3A_126 = arith.constant 0 : i32
      %dma_start3A_127 = arith.constant 0 : i32
      %dma_start3A_128 = tpu.memref_slice %arg21[%dma_start3A_126, %dma_start3A_127] : memref<10000x128xf32, #tpu.memory_space<vmem_shared>> -> memref<10000x128xf32, #tpu.memory_space<vmem_shared>>
      tpu.enqueue_indirect_dma source(%arg15 : memref<40x128xf32, #tpu.memory_space<vmem>>) target(%dma_start3A_128 : memref<10000x128xf32, #tpu.memory_space<vmem_shared>>) offsets(%dma_start3A_125 : memref<40xi32, #tpu.memory_space<vmem>>) semaphore(%arg26 : memref<!tpu.dma_semaphore, #tpu.memory_space<semaphore_mem>>) {add = true}
      %dma_start3A_129 = arith.constant 7 : i32
      %dma_start3A_130 = arith.constant 0 : i32
      %dma_start3A_131 = tpu.memref_slice %arg13[%dma_start3A_129, %dma_start3A_130] : memref<10x40xi32, #tpu.memory_space<vmem>> -> memref<1x40xi32, #tpu.memory_space<vmem>>
      %dma_start3A_132 = tpu.memref_squeeze %dma_start3A_131 : memref<1x40xi32, #tpu.memory_space<vmem>> -> memref<40xi32, #tpu.memory_space<vmem>>
      %dma_start3A_133 = arith.constant 0 : i32
      %dma_start3A_134 = arith.constant 0 : i32
      %dma_start3A_135 = tpu.memref_slice %arg21[%dma_start3A_133, %dma_start3A_134] : memref<10000x128xf32, #tpu.memory_space<vmem_shared>> -> memref<10000x128xf32, #tpu.memory_space<vmem_shared>>
      tpu.enqueue_indirect_dma source(%arg15 : memref<40x128xf32, #tpu.memory_space<vmem>>) target(%dma_start3A_135 : memref<10000x128xf32, #tpu.memory_space<vmem_shared>>) offsets(%dma_start3A_132 : memref<40xi32, #tpu.memory_space<vmem>>) semaphore(%arg26 : memref<!tpu.dma_semaphore, #tpu.memory_space<semaphore_mem>>) {add = true}
      %dma_start3A_136 = arith.constant 8 : i32
      %dma_start3A_137 = arith.constant 0 : i32
      %dma_start3A_138 = tpu.memref_slice %arg13[%dma_start3A_136, %dma_start3A_137] : memref<10x40xi32, #tpu.memory_space<vmem>> -> memref<1x40xi32, #tpu.memory_space<vmem>>
      %dma_start3A_139 = tpu.memref_squeeze %dma_start3A_138 : memref<1x40xi32, #tpu.memory_space<vmem>> -> memref<40xi32, #tpu.memory_space<vmem>>
      %dma_start3A_140 = arith.constant 0 : i32
      %dma_start3A_141 = arith.constant 0 : i32
      %dma_start3A_142 = tpu.memref_slice %arg21[%dma_start3A_140, %dma_start3A_141] : memref<10000x128xf32, #tpu.memory_space<vmem_shared>> -> memref<10000x128xf32, #tpu.memory_space<vmem_shared>>
      tpu.enqueue_indirect_dma source(%arg15 : memref<40x128xf32, #tpu.memory_space<vmem>>) target(%dma_start3A_142 : memref<10000x128xf32, #tpu.memory_space<vmem_shared>>) offsets(%dma_start3A_139 : memref<40xi32, #tpu.memory_space<vmem>>) semaphore(%arg26 : memref<!tpu.dma_semaphore, #tpu.memory_space<semaphore_mem>>) {add = true}
      %dma_start3A_143 = arith.constant 9 : i32
      %dma_start3A_144 = arith.constant 0 : i32
      %dma_start3A_145 = tpu.memref_slice %arg13[%dma_start3A_143, %dma_start3A_144] : memref<10x40xi32, #tpu.memory_space<vmem>> -> memref<1x40xi32, #tpu.memory_space<vmem>>
      %dma_start3A_146 = tpu.memref_squeeze %dma_start3A_145 : memref<1x40xi32, #tpu.memory_space<vmem>> -> memref<40xi32, #tpu.memory_space<vmem>>
      %dma_start3A_147 = arith.constant 0 : i32
      %dma_start3A_148 = arith.constant 0 : i32
      %dma_start3A_149 = tpu.memref_slice %arg21[%dma_start3A_147, %dma_start3A_148] : memref<10000x128xf32, #tpu.memory_space<vmem_shared>> -> memref<10000x128xf32, #tpu.memory_space<vmem_shared>>
      tpu.enqueue_indirect_dma source(%arg15 : memref<40x128xf32, #tpu.memory_space<vmem>>) target(%dma_start3A_149 : memref<10000x128xf32, #tpu.memory_space<vmem_shared>>) offsets(%dma_start3A_146 : memref<40xi32, #tpu.memory_space<vmem>>) semaphore(%arg26 : memref<!tpu.dma_semaphore, #tpu.memory_space<semaphore_mem>>) {add = true}
      %dma_wait3A_150 = arith.constant 0 : i32
      %dma_wait3A_151 = arith.constant 0 : i32
      %dma_wait3A_152 = tpu.memref_slice %arg13[%dma_wait3A_150, %dma_wait3A_151] : memref<10x40xi32, #tpu.memory_space<vmem>> -> memref<1x40xi32, #tpu.memory_space<vmem>>
      %dma_wait3A_153 = tpu.memref_squeeze %dma_wait3A_152 : memref<1x40xi32, #tpu.memory_space<vmem>> -> memref<40xi32, #tpu.memory_space<vmem>>
      %dma_wait3A_154 = arith.constant 0 : i32
      %dma_wait3A_155 = arith.constant 0 : i32
      %dma_wait3A_156 = tpu.memref_slice %arg21[%dma_wait3A_154, %dma_wait3A_155] : memref<10000x128xf32, #tpu.memory_space<vmem_shared>> -> memref<10000x128xf32, #tpu.memory_space<vmem_shared>>
      tpu.wait_indirect_dma semaphore(%arg26 : memref<!tpu.dma_semaphore, #tpu.memory_space<semaphore_mem>>) src(%arg15 : memref<40x128xf32, #tpu.memory_space<vmem>>) dst(%dma_wait3A_156 : memref<10000x128xf32, #tpu.memory_space<vmem_shared>>)
      %dma_wait3A_157 = arith.constant 1 : i32
      %dma_wait3A_158 = arith.constant 0 : i32
      %dma_wait3A_159 = tpu.memref_slice %arg13[%dma_wait3A_157, %dma_wait3A_158] : memref<10x40xi32, #tpu.memory_space<vmem>> -> memref<1x40xi32, #tpu.memory_space<vmem>>
      %dma_wait3A_160 = tpu.memref_squeeze %dma_wait3A_159 : memref<1x40xi32, #tpu.memory_space<vmem>> -> memref<40xi32, #tpu.memory_space<vmem>>
      %dma_wait3A_161 = arith.constant 0 : i32
      %dma_wait3A_162 = arith.constant 0 : i32
      %dma_wait3A_163 = tpu.memref_slice %arg21[%dma_wait3A_161, %dma_wait3A_162] : memref<10000x128xf32, #tpu.memory_space<vmem_shared>> -> memref<10000x128xf32, #tpu.memory_space<vmem_shared>>
      tpu.wait_indirect_dma semaphore(%arg26 : memref<!tpu.dma_semaphore, #tpu.memory_space<semaphore_mem>>) src(%arg15 : memref<40x128xf32, #tpu.memory_space<vmem>>) dst(%dma_wait3A_163 : memref<10000x128xf32, #tpu.memory_space<vmem_shared>>)
      %dma_wait3A_164 = arith.constant 2 : i32
      %dma_wait3A_165 = arith.constant 0 : i32
      %dma_wait3A_166 = tpu.memref_slice %arg13[%dma_wait3A_164, %dma_wait3A_165] : memref<10x40xi32, #tpu.memory_space<vmem>> -> memref<1x40xi32, #tpu.memory_space<vmem>>
      %dma_wait3A_167 = tpu.memref_squeeze %dma_wait3A_166 : memref<1x40xi32, #tpu.memory_space<vmem>> -> memref<40xi32, #tpu.memory_space<vmem>>
      %dma_wait3A_168 = arith.constant 0 : i32
      %dma_wait3A_169 = arith.constant 0 : i32
      %dma_wait3A_170 = tpu.memref_slice %arg21[%dma_wait3A_168, %dma_wait3A_169] : memref<10000x128xf32, #tpu.memory_space<vmem_shared>> -> memref<10000x128xf32, #tpu.memory_space<vmem_shared>>
      tpu.wait_indirect_dma semaphore(%arg26 : memref<!tpu.dma_semaphore, #tpu.memory_space<semaphore_mem>>) src(%arg15 : memref<40x128xf32, #tpu.memory_space<vmem>>) dst(%dma_wait3A_170 : memref<10000x128xf32, #tpu.memory_space<vmem_shared>>)
      %dma_wait3A_171 = arith.constant 3 : i32
      %dma_wait3A_172 = arith.constant 0 : i32
      %dma_wait3A_173 = tpu.memref_slice %arg13[%dma_wait3A_171, %dma_wait3A_172] : memref<10x40xi32, #tpu.memory_space<vmem>> -> memref<1x40xi32, #tpu.memory_space<vmem>>
      %dma_wait3A_174 = tpu.memref_squeeze %dma_wait3A_173 : memref<1x40xi32, #tpu.memory_space<vmem>> -> memref<40xi32, #tpu.memory_space<vmem>>
      %dma_wait3A_175 = arith.constant 0 : i32
      %dma_wait3A_176 = arith.constant 0 : i32
      %dma_wait3A_177 = tpu.memref_slice %arg21[%dma_wait3A_175, %dma_wait3A_176] : memref<10000x128xf32, #tpu.memory_space<vmem_shared>> -> memref<10000x128xf32, #tpu.memory_space<vmem_shared>>
      tpu.wait_indirect_dma semaphore(%arg26 : memref<!tpu.dma_semaphore, #tpu.memory_space<semaphore_mem>>) src(%arg15 : memref<40x128xf32, #tpu.memory_space<vmem>>) dst(%dma_wait3A_177 : memref<10000x128xf32, #tpu.memory_space<vmem_shared>>)
      %dma_wait3A_178 = arith.constant 4 : i32
      %dma_wait3A_179 = arith.constant 0 : i32
      %dma_wait3A_180 = tpu.memref_slice %arg13[%dma_wait3A_178, %dma_wait3A_179] : memref<10x40xi32, #tpu.memory_space<vmem>> -> memref<1x40xi32, #tpu.memory_space<vmem>>
      %dma_wait3A_181 = tpu.memref_squeeze %dma_wait3A_180 : memref<1x40xi32, #tpu.memory_space<vmem>> -> memref<40xi32, #tpu.memory_space<vmem>>
      %dma_wait3A_182 = arith.constant 0 : i32
      %dma_wait3A_183 = arith.constant 0 : i32
      %dma_wait3A_184 = tpu.memref_slice %arg21[%dma_wait3A_182, %dma_wait3A_183] : memref<10000x128xf32, #tpu.memory_space<vmem_shared>> -> memref<10000x128xf32, #tpu.memory_space<vmem_shared>>
      tpu.wait_indirect_dma semaphore(%arg26 : memref<!tpu.dma_semaphore, #tpu.memory_space<semaphore_mem>>) src(%arg15 : memref<40x128xf32, #tpu.memory_space<vmem>>) dst(%dma_wait3A_184 : memref<10000x128xf32, #tpu.memory_space<vmem_shared>>)
      %dma_wait3A_185 = arith.constant 5 : i32
      %dma_wait3A_186 = arith.constant 0 : i32
      %dma_wait3A_187 = tpu.memref_slice %arg13[%dma_wait3A_185, %dma_wait3A_186] : memref<10x40xi32, #tpu.memory_space<vmem>> -> memref<1x40xi32, #tpu.memory_space<vmem>>
      %dma_wait3A_188 = tpu.memref_squeeze %dma_wait3A_187 : memref<1x40xi32, #tpu.memory_space<vmem>> -> memref<40xi32, #tpu.memory_space<vmem>>
      %dma_wait3A_189 = arith.constant 0 : i32
      %dma_wait3A_190 = arith.constant 0 : i32
      %dma_wait3A_191 = tpu.memref_slice %arg21[%dma_wait3A_189, %dma_wait3A_190] : memref<10000x128xf32, #tpu.memory_space<vmem_shared>> -> memref<10000x128xf32, #tpu.memory_space<vmem_shared>>
      tpu.wait_indirect_dma semaphore(%arg26 : memref<!tpu.dma_semaphore, #tpu.memory_space<semaphore_mem>>) src(%arg15 : memref<40x128xf32, #tpu.memory_space<vmem>>) dst(%dma_wait3A_191 : memref<10000x128xf32, #tpu.memory_space<vmem_shared>>)
      %dma_wait3A_192 = arith.constant 6 : i32
      %dma_wait3A_193 = arith.constant 0 : i32
      %dma_wait3A_194 = tpu.memref_slice %arg13[%dma_wait3A_192, %dma_wait3A_193] : memref<10x40xi32, #tpu.memory_space<vmem>> -> memref<1x40xi32, #tpu.memory_space<vmem>>
      %dma_wait3A_195 = tpu.memref_squeeze %dma_wait3A_194 : memref<1x40xi32, #tpu.memory_space<vmem>> -> memref<40xi32, #tpu.memory_space<vmem>>
      %dma_wait3A_196 = arith.constant 0 : i32
      %dma_wait3A_197 = arith.constant 0 : i32
      %dma_wait3A_198 = tpu.memref_slice %arg21[%dma_wait3A_196, %dma_wait3A_197] : memref<10000x128xf32, #tpu.memory_space<vmem_shared>> -> memref<10000x128xf32, #tpu.memory_space<vmem_shared>>
      tpu.wait_indirect_dma semaphore(%arg26 : memref<!tpu.dma_semaphore, #tpu.memory_space<semaphore_mem>>) src(%arg15 : memref<40x128xf32, #tpu.memory_space<vmem>>) dst(%dma_wait3A_198 : memref<10000x128xf32, #tpu.memory_space<vmem_shared>>)
      %dma_wait3A_199 = arith.constant 7 : i32
      %dma_wait3A_200 = arith.constant 0 : i32
      %dma_wait3A_201 = tpu.memref_slice %arg13[%dma_wait3A_199, %dma_wait3A_200] : memref<10x40xi32, #tpu.memory_space<vmem>> -> memref<1x40xi32, #tpu.memory_space<vmem>>
      %dma_wait3A_202 = tpu.memref_squeeze %dma_wait3A_201 : memref<1x40xi32, #tpu.memory_space<vmem>> -> memref<40xi32, #tpu.memory_space<vmem>>
      %dma_wait3A_203 = arith.constant 0 : i32
      %dma_wait3A_204 = arith.constant 0 : i32
      %dma_wait3A_205 = tpu.memref_slice %arg21[%dma_wait3A_203, %dma_wait3A_204] : memref<10000x128xf32, #tpu.memory_space<vmem_shared>> -> memref<10000x128xf32, #tpu.memory_space<vmem_shared>>
      tpu.wait_indirect_dma semaphore(%arg26 : memref<!tpu.dma_semaphore, #tpu.memory_space<semaphore_mem>>) src(%arg15 : memref<40x128xf32, #tpu.memory_space<vmem>>) dst(%dma_wait3A_205 : memref<10000x128xf32, #tpu.memory_space<vmem_shared>>)
      %dma_wait3A_206 = arith.constant 8 : i32
      %dma_wait3A_207 = arith.constant 0 : i32
      %dma_wait3A_208 = tpu.memref_slice %arg13[%dma_wait3A_206, %dma_wait3A_207] : memref<10x40xi32, #tpu.memory_space<vmem>> -> memref<1x40xi32, #tpu.memory_space<vmem>>
      %dma_wait3A_209 = tpu.memref_squeeze %dma_wait3A_208 : memref<1x40xi32, #tpu.memory_space<vmem>> -> memref<40xi32, #tpu.memory_space<vmem>>
      %dma_wait3A_210 = arith.constant 0 : i32
      %dma_wait3A_211 = arith.constant 0 : i32
      %dma_wait3A_212 = tpu.memref_slice %arg21[%dma_wait3A_210, %dma_wait3A_211] : memref<10000x128xf32, #tpu.memory_space<vmem_shared>> -> memref<10000x128xf32, #tpu.memory_space<vmem_shared>>
      tpu.wait_indirect_dma semaphore(%arg26 : memref<!tpu.dma_semaphore, #tpu.memory_space<semaphore_mem>>) src(%arg15 : memref<40x128xf32, #tpu.memory_space<vmem>>) dst(%dma_wait3A_212 : memref<10000x128xf32, #tpu.memory_space<vmem_shared>>)
      %dma_wait3A_213 = arith.constant 9 : i32
      %dma_wait3A_214 = arith.constant 0 : i32
      %dma_wait3A_215 = tpu.memref_slice %arg13[%dma_wait3A_213, %dma_wait3A_214] : memref<10x40xi32, #tpu.memory_space<vmem>> -> memref<1x40xi32, #tpu.memory_space<vmem>>
      %dma_wait3A_216 = tpu.memref_squeeze %dma_wait3A_215 : memref<1x40xi32, #tpu.memory_space<vmem>> -> memref<40xi32, #tpu.memory_space<vmem>>
      %dma_wait3A_217 = arith.constant 0 : i32
      %dma_wait3A_218 = arith.constant 0 : i32
      %dma_wait3A_219 = tpu.memref_slice %arg21[%dma_wait3A_217, %dma_wait3A_218] : memref<10000x128xf32, #tpu.memory_space<vmem_shared>> -> memref<10000x128xf32, #tpu.memory_space<vmem_shared>>
      tpu.wait_indirect_dma semaphore(%arg26 : memref<!tpu.dma_semaphore, #tpu.memory_space<semaphore_mem>>) src(%arg15 : memref<40x128xf32, #tpu.memory_space<vmem>>) dst(%dma_wait3A_219 : memref<10000x128xf32, #tpu.memory_space<vmem_shared>>)
    }
    %scan3A_68 = arith.constant 25 : i32
    %barrier3A_69 = arith.constant 0 : index
    tpu.barrier barrier_id(%barrier3A_69)
    %mul3A_70 = arith.constant 624 : i32
    %mul3A_71 = arith.muli %arg1, %mul3A_70 : i32
    %mul3A_72 = arith.constant 624 : i32
    %mul3A_73 = arith.muli %arg1, %mul3A_72 : i32
    "tpu.region"() ({
      %run_scoped3A_79 = tpu.sem_alloc : memref<!tpu.dma_semaphore, #tpu.memory_space<semaphore_mem>>
      %dma_start3A_80 = arith.constant 0 : i32
      %dma_start3A_81 = tpu.memref_slice %arg10[%arg0, %mul3A_73, %dma_start3A_80] : memref<2x10000x128xf32, #tpu.memory_space<hbm>> -> memref<1x624x128xf32, #tpu.memory_space<hbm>>
      %dma_start3A_82 = tpu.memref_squeeze %dma_start3A_81 : memref<1x624x128xf32, #tpu.memory_space<hbm>> -> memref<624x128xf32, #tpu.memory_space<hbm>>
      %dma_start3A_83 = arith.constant 0 : i32
      %dma_start3A_84 = tpu.memref_slice %arg21[%mul3A_71, %dma_start3A_83] : memref<10000x128xf32, #tpu.memory_space<vmem_shared>> -> memref<624x128xf32, #tpu.memory_space<vmem_shared>>
      tpu.enqueue_dma source(%dma_start3A_84 : memref<624x128xf32, #tpu.memory_space<vmem_shared>>) target(%dma_start3A_82 : memref<624x128xf32, #tpu.memory_space<hbm>>) target_semaphore(%run_scoped3A_79 : memref<!tpu.dma_semaphore, #tpu.memory_space<semaphore_mem>>)
      %dma_wait3A_85 = arith.constant 0 : i32
      %dma_wait3A_86 = tpu.memref_slice %arg10[%arg0, %mul3A_73, %dma_wait3A_85] : memref<2x10000x128xf32, #tpu.memory_space<hbm>> -> memref<1x624x128xf32, #tpu.memory_space<hbm>>
      %dma_wait3A_87 = tpu.memref_squeeze %dma_wait3A_86 : memref<1x624x128xf32, #tpu.memory_space<hbm>> -> memref<624x128xf32, #tpu.memory_space<hbm>>
      %dma_wait3A_88 = arith.constant 0 : i32
      %dma_wait3A_89 = tpu.memref_slice %arg21[%mul3A_71, %dma_wait3A_88] : memref<10000x128xf32, #tpu.memory_space<vmem_shared>> -> memref<624x128xf32, #tpu.memory_space<vmem_shared>>
      tpu.wait_dma2 semaphore(%run_scoped3A_79 : memref<!tpu.dma_semaphore, #tpu.memory_space<semaphore_mem>>) src(%dma_wait3A_89 : memref<624x128xf32, #tpu.memory_space<vmem_shared>>) dst(%dma_wait3A_87 : memref<624x128xf32, #tpu.memory_space<hbm>>)
      tpu.yield
    }) : () -> ()
    %eq3A_74 = arith.constant 15 : i32
    %eq3A_75 = arith.cmpi eq, %arg1, %eq3A_74 : i32
    %convert_element_type3A_76 = arith.extui %eq3A_75 : i1 to i32
    %cond3A_77 = arith.constant 0 : i32
    %cond3A_78 = arith.cmpi ne, %convert_element_type3A_76, %cond3A_77 : i32
    scf.if %cond3A_78 {
      "tpu.region"() ({
        %run_scoped3A_79 = tpu.sem_alloc : memref<!tpu.dma_semaphore, #tpu.memory_space<semaphore_mem>>
        %dma_start3A_80 = arith.constant 9984 : i32
        %dma_start3A_81 = arith.constant 0 : i32
        %dma_start3A_82 = tpu.memref_slice %arg10[%arg0, %dma_start3A_80, %dma_start3A_81] : memref<2x10000x128xf32, #tpu.memory_space<hbm>> -> memref<1x16x128xf32, #tpu.memory_space<hbm>>
        %dma_start3A_83 = tpu.memref_squeeze %dma_start3A_82 : memref<1x16x128xf32, #tpu.memory_space<hbm>> -> memref<16x128xf32, #tpu.memory_space<hbm>>
        %dma_start3A_84 = arith.constant 9984 : i32
        %dma_start3A_85 = arith.constant 0 : i32
        %dma_start3A_86 = tpu.memref_slice %arg21[%dma_start3A_84, %dma_start3A_85] : memref<10000x128xf32, #tpu.memory_space<vmem_shared>> -> memref<16x128xf32, #tpu.memory_space<vmem_shared>>
        tpu.enqueue_dma source(%dma_start3A_86 : memref<16x128xf32, #tpu.memory_space<vmem_shared>>) target(%dma_start3A_83 : memref<16x128xf32, #tpu.memory_space<hbm>>) target_semaphore(%run_scoped3A_79 : memref<!tpu.dma_semaphore, #tpu.memory_space<semaphore_mem>>)
        %dma_wait3A_87 = arith.constant 9984 : i32
        %dma_wait3A_88 = arith.constant 0 : i32
        %dma_wait3A_89 = tpu.memref_slice %arg10[%arg0, %dma_wait3A_87, %dma_wait3A_88] : memref<2x10000x128xf32, #tpu.memory_space<hbm>> -> memref<1x16x128xf32, #tpu.memory_space<hbm>>
        %dma_wait3A_90 = tpu.memref_squeeze %dma_wait3A_89 : memref<1x16x128xf32, #tpu.memory_space<hbm>> -> memref<16x128xf32, #tpu.memory_space<hbm>>
        %dma_wait3A_91 = arith.constant 9984 : i32
        %dma_wait3A_92 = arith.constant 0 : i32
        %dma_wait3A_93 = tpu.memref_slice %arg21[%dma_wait3A_91, %dma_wait3A_92] : memref<10000x128xf32, #tpu.memory_space<vmem_shared>> -> memref<16x128xf32, #tpu.memory_space<vmem_shared>>
        tpu.wait_dma2 semaphore(%run_scoped3A_79 : memref<!tpu.dma_semaphore, #tpu.memory_space<semaphore_mem>>) src(%dma_wait3A_93 : memref<16x128xf32, #tpu.memory_space<vmem_shared>>) dst(%dma_wait3A_90 : memref<16x128xf32, #tpu.memory_space<hbm>>)
        tpu.yield
      }) : () -> ()
    } else {
    }
    return
  }
}

module attributes {stable_mosaic.version = 14 : i64} {
  func.func @_node_pre_body(%arg0: i32, %arg1: memref<1000x128xf32, #tpu.memory_space<vmem>>, %arg2: memref<128x128xf32, #tpu.memory_space<vmem>>, %arg3: memref<128x16xf32, #tpu.memory_space<vmem>>, %arg4: memref<128x16xf32, #tpu.memory_space<vmem>>, %arg5: memref<1000x256xf32, #tpu.memory_space<vmem>>, %arg6: memref<1000x128xf32, #tpu.memory_space<vmem>>) attributes {dimension_semantics = [#tpu.dimension_semantics<arbitrary>], iteration_bounds = array<i64: 10>, scalar_prefetch = 0 : i64, scratch_operands = 0 : i64, tpu.core_type = #tpu.core_type<tc>, window_params = [{transform_indices = @transform_0, window_bounds = array<i64: 1000, 128>}, {pipeline_mode = #tpu.pipeline_mode<synchronous>, transform_indices = @transform_1, window_bounds = array<i64: 128, 128>}, {pipeline_mode = #tpu.pipeline_mode<synchronous>, transform_indices = @transform_2, window_bounds = array<i64: 128, 16>}, {pipeline_mode = #tpu.pipeline_mode<synchronous>, transform_indices = @transform_3, window_bounds = array<i64: 128, 16>}, {transform_indices = @transform_4, window_bounds = array<i64: 1000, 256>}, {transform_indices = @transform_5, window_bounds = array<i64: 1000, 128>}]} {
    %get3A = arith.constant 0 : index
    %get3A_0 = arith.constant 0 : index
    %get3A_1 = vector.load %arg1[%get3A, %get3A_0] : memref<1000x128xf32, #tpu.memory_space<vmem>>, vector<1000x128xf32>
    %get3A_2 = arith.constant 0 : index
    %get3A_3 = arith.constant 0 : index
    %get3A_4 = vector.load %arg2[%get3A_2, %get3A_3] : memref<128x128xf32, #tpu.memory_space<vmem>>, vector<128x128xf32>
    %dot_general3A = arith.constant dense<0.000000e+00> : vector<1000x128xf32>
    %dot_general3A_5 = tpu.matmul %get3A_1, %get3A_4, %dot_general3A {dimension_numbers = #tpu.dot_dimension_numbers<[1], [0], [0], [1], [0, 0, 1, 1], [], []>, transpose_lhs_hint = false} : vector<1000x128xf32>, vector<128x128xf32>, vector<1000x128xf32> -> vector<1000x128xf32>
    %swap3A = arith.constant 0 : index
    %swap3A_6 = arith.constant 0 : index
    %swap3A_7 = vector.load %arg5[%swap3A, %swap3A_6] : memref<1000x256xf32, #tpu.memory_space<vmem>>, vector<1000x128xf32>
    tpu.vector_store %arg5[%swap3A, %swap3A_6], %dot_general3A_5 {strides = array<i32>} : memref<1000x256xf32, #tpu.memory_space<vmem>>, vector<1000x128xf32>,
    %get3A_8 = arith.constant 0 : index
    %get3A_9 = arith.constant 0 : index
    %get3A_10 = vector.load %arg3[%get3A_8, %get3A_9] : memref<128x16xf32, #tpu.memory_space<vmem>>, vector<128x16xf32>
    %dot_general3A_11 = arith.constant dense<0.000000e+00> : vector<1000x16xf32>
    %dot_general3A_12 = tpu.matmul %get3A_1, %get3A_10, %dot_general3A_11 {dimension_numbers = #tpu.dot_dimension_numbers<[1], [0], [0], [1], [0, 0, 1, 1], [], []>, transpose_lhs_hint = false} : vector<1000x128xf32>, vector<128x16xf32>, vector<1000x16xf32> -> vector<1000x16xf32>
    %swap3A_13 = arith.constant 0 : index
    %swap3A_14 = arith.constant 128 : index
    %swap3A_15 = vector.load %arg5[%swap3A_13, %swap3A_14] : memref<1000x256xf32, #tpu.memory_space<vmem>>, vector<1000x16xf32>
    tpu.vector_store %arg5[%swap3A_13, %swap3A_14], %dot_general3A_12 {strides = array<i32>} : memref<1000x256xf32, #tpu.memory_space<vmem>>, vector<1000x16xf32>,
    %broadcast_in_dim3A = arith.constant 0.000000e+00 : f32
    %broadcast_in_dim3A_16 = vector.broadcast %broadcast_in_dim3A : f32 to vector<1000x112xf32>
    %swap3A_17 = arith.constant 0 : index
    %swap3A_18 = arith.constant 144 : index
    %swap3A_19 = vector.load %arg5[%swap3A_17, %swap3A_18] : memref<1000x256xf32, #tpu.memory_space<vmem>>, vector<1000x112xf32>
    tpu.vector_store %arg5[%swap3A_17, %swap3A_18], %broadcast_in_dim3A_16 {strides = array<i32>} : memref<1000x256xf32, #tpu.memory_space<vmem>>, vector<1000x112xf32>,
    %get3A_20 = arith.constant 0 : index
    %get3A_21 = arith.constant 0 : index
    %get3A_22 = vector.load %arg4[%get3A_20, %get3A_21] : memref<128x16xf32, #tpu.memory_space<vmem>>, vector<128x16xf32>
    %dot_general3A_23 = arith.constant dense<0.000000e+00> : vector<1000x16xf32>
    %dot_general3A_24 = tpu.matmul %get3A_1, %get3A_22, %dot_general3A_23 {dimension_numbers = #tpu.dot_dimension_numbers<[1], [0], [0], [1], [0, 0, 1, 1], [], []>, transpose_lhs_hint = false} : vector<1000x128xf32>, vector<128x16xf32>, vector<1000x16xf32> -> vector<1000x16xf32>
    %swap3A_25 = arith.constant 0 : index
    %swap3A_26 = arith.constant 0 : index
    %swap3A_27 = vector.load %arg6[%swap3A_25, %swap3A_26] : memref<1000x128xf32, #tpu.memory_space<vmem>>, vector<1000x16xf32>
    tpu.vector_store %arg6[%swap3A_25, %swap3A_26], %dot_general3A_24 {strides = array<i32>} : memref<1000x128xf32, #tpu.memory_space<vmem>>, vector<1000x16xf32>,
    %broadcast_in_dim3A_28 = arith.constant 0.000000e+00 : f32
    %broadcast_in_dim3A_29 = vector.broadcast %broadcast_in_dim3A_28 : f32 to vector<1000x112xf32>
    %swap3A_30 = arith.constant 0 : index
    %swap3A_31 = arith.constant 16 : index
    %swap3A_32 = vector.load %arg6[%swap3A_30, %swap3A_31] : memref<1000x128xf32, #tpu.memory_space<vmem>>, vector<1000x112xf32>
    tpu.vector_store %arg6[%swap3A_30, %swap3A_31], %broadcast_in_dim3A_29 {strides = array<i32>} : memref<1000x128xf32, #tpu.memory_space<vmem>>, vector<1000x112xf32>,
    return
  }
  func.func @transform_0(%arg0: i32) -> (i32, i32) {
    %c0_i32 = arith.constant 0 : i32
    %c0_i32_0 = arith.constant 0 : i32
    return %arg0, %c0_i32 : i32, i32
  }
  func.func @transform_1(%arg0: i32) -> (i32, i32) {
    %c0_i32 = arith.constant 0 : i32
    %c0_i32_0 = arith.constant 0 : i32
    %c0_i32_1 = arith.constant 0 : i32
    return %c0_i32, %c0_i32_0 : i32, i32
  }
  func.func @transform_2(%arg0: i32) -> (i32, i32) {
    %c0_i32 = arith.constant 0 : i32
    %c0_i32_0 = arith.constant 0 : i32
    %c0_i32_1 = arith.constant 0 : i32
    return %c0_i32, %c0_i32_0 : i32, i32
  }
  func.func @transform_3(%arg0: i32) -> (i32, i32) {
    %c0_i32 = arith.constant 0 : i32
    %c0_i32_0 = arith.constant 0 : i32
    %c0_i32_1 = arith.constant 0 : i32
    return %c0_i32, %c0_i32_0 : i32, i32
  }
  func.func @transform_4(%arg0: i32) -> (i32, i32) {
    %c0_i32 = arith.constant 0 : i32
    %c0_i32_0 = arith.constant 0 : i32
    return %arg0, %c0_i32 : i32, i32
  }
  func.func @transform_5(%arg0: i32) -> (i32, i32) {
    %c0_i32 = arith.constant 0 : i32
    %c0_i32_0 = arith.constant 0 : i32
    return %arg0, %c0_i32 : i32, i32
  }
}

module attributes {stable_mosaic.version = 14 : i64} {
  func.func @_edge_pre_body(%arg0: i32, %arg1: memref<2000x16xf32, #tpu.memory_space<vmem>>, %arg2: memref<16x128xf32, #tpu.memory_space<vmem>>, %arg3: memref<1x128xf32, #tpu.memory_space<vmem>>, %arg4: memref<16x16xf32, #tpu.memory_space<vmem>>, %arg5: memref<1x16xf32, #tpu.memory_space<vmem>>, %arg6: memref<2000x128xf32, #tpu.memory_space<vmem>>, %arg7: memref<2000x16xf32, #tpu.memory_space<vmem>>) attributes {dimension_semantics = [#tpu.dimension_semantics<arbitrary>], iteration_bounds = array<i64: 160>, scalar_prefetch = 0 : i64, scratch_operands = 0 : i64, tpu.core_type = #tpu.core_type<tc>, window_params = [{transform_indices = @transform_0, window_bounds = array<i64: 2000, 16>}, {pipeline_mode = #tpu.pipeline_mode<synchronous>, transform_indices = @transform_1, window_bounds = array<i64: 16, 128>}, {pipeline_mode = #tpu.pipeline_mode<synchronous>, transform_indices = @transform_2, window_bounds = array<i64: 1, 128>}, {pipeline_mode = #tpu.pipeline_mode<synchronous>, transform_indices = @transform_3, window_bounds = array<i64: 16, 16>}, {pipeline_mode = #tpu.pipeline_mode<synchronous>, transform_indices = @transform_4, window_bounds = array<i64: 1, 16>}, {transform_indices = @transform_5, window_bounds = array<i64: 2000, 128>}, {transform_indices = @transform_6, window_bounds = array<i64: 2000, 16>}]} {
    %get3A = arith.constant 0 : index
    %get3A_0 = arith.constant 0 : index
    %get3A_1 = vector.load %arg1[%get3A, %get3A_0] : memref<2000x16xf32, #tpu.memory_space<vmem>>, vector<2000x16xf32>
    %get3A_2 = arith.constant 0 : index
    %get3A_3 = arith.constant 0 : index
    %get3A_4 = vector.load %arg2[%get3A_2, %get3A_3] : memref<16x128xf32, #tpu.memory_space<vmem>>, vector<16x128xf32>
    %dot_general3A = arith.constant dense<0.000000e+00> : vector<2000x128xf32>
    %dot_general3A_5 = tpu.matmul %get3A_1, %get3A_4, %dot_general3A {dimension_numbers = #tpu.dot_dimension_numbers<[1], [0], [0], [1], [0, 0, 1, 1], [], []>, transpose_lhs_hint = false} : vector<2000x16xf32>, vector<16x128xf32>, vector<2000x128xf32> -> vector<2000x128xf32>
    %get3A_6 = arith.constant 0 : index
    %get3A_7 = arith.constant 0 : index
    %get3A_8 = vector.load %arg3[%get3A_6, %get3A_7] : memref<1x128xf32, #tpu.memory_space<vmem>>, vector<1x128xf32>
    %add3A = vector.broadcast %get3A_8 : vector<1x128xf32> to vector<2000x128xf32>
    %add3A_9 = arith.addf %dot_general3A_5, %add3A : vector<2000x128xf32>
    %swap3A = arith.constant 0 : index
    %swap3A_10 = arith.constant 0 : index
    %swap3A_11 = vector.load %arg6[%swap3A, %swap3A_10] : memref<2000x128xf32, #tpu.memory_space<vmem>>, vector<2000x128xf32>
    tpu.vector_store %arg6[%swap3A, %swap3A_10], %add3A_9 {strides = array<i32>} : memref<2000x128xf32, #tpu.memory_space<vmem>>, vector<2000x128xf32>,
    %get3A_12 = arith.constant 0 : index
    %get3A_13 = arith.constant 0 : index
    %get3A_14 = vector.load %arg4[%get3A_12, %get3A_13] : memref<16x16xf32, #tpu.memory_space<vmem>>, vector<16x16xf32>
    %dot_general3A_15 = arith.constant dense<0.000000e+00> : vector<2000x16xf32>
    %dot_general3A_16 = tpu.matmul %get3A_1, %get3A_14, %dot_general3A_15 {dimension_numbers = #tpu.dot_dimension_numbers<[1], [0], [0], [1], [0, 0, 1, 1], [], []>, transpose_lhs_hint = false} : vector<2000x16xf32>, vector<16x16xf32>, vector<2000x16xf32> -> vector<2000x16xf32>
    %get3A_17 = arith.constant 0 : index
    %get3A_18 = arith.constant 0 : index
    %get3A_19 = vector.load %arg5[%get3A_17, %get3A_18] : memref<1x16xf32, #tpu.memory_space<vmem>>, vector<1x16xf32>
    %add3A_20 = vector.broadcast %get3A_19 : vector<1x16xf32> to vector<2000x16xf32>
    %add3A_21 = arith.addf %dot_general3A_16, %add3A_20 : vector<2000x16xf32>
    %swap3A_22 = arith.constant 0 : index
    %swap3A_23 = arith.constant 0 : index
    %swap3A_24 = vector.load %arg7[%swap3A_22, %swap3A_23] : memref<2000x16xf32, #tpu.memory_space<vmem>>, vector<2000x16xf32>
    tpu.vector_store %arg7[%swap3A_22, %swap3A_23], %add3A_21 {strides = array<i32>} : memref<2000x16xf32, #tpu.memory_space<vmem>>, vector<2000x16xf32>,
    return
  }
  func.func @transform_0(%arg0: i32) -> (i32, i32) {
    %c0_i32 = arith.constant 0 : i32
    %c0_i32_0 = arith.constant 0 : i32
    return %arg0, %c0_i32 : i32, i32
  }
  func.func @transform_1(%arg0: i32) -> (i32, i32) {
    %c0_i32 = arith.constant 0 : i32
    %c0_i32_0 = arith.constant 0 : i32
    %c0_i32_1 = arith.constant 0 : i32
    return %c0_i32, %c0_i32_0 : i32, i32
  }
  func.func @transform_2(%arg0: i32) -> (i32, i32) {
    %c0_i32 = arith.constant 0 : i32
    %c0_i32_0 = arith.constant 0 : i32
    %c0_i32_1 = arith.constant 0 : i32
    return %c0_i32, %c0_i32_0 : i32, i32
  }
  func.func @transform_3(%arg0: i32) -> (i32, i32) {
    %c0_i32 = arith.constant 0 : i32
    %c0_i32_0 = arith.constant 0 : i32
    %c0_i32_1 = arith.constant 0 : i32
    return %c0_i32, %c0_i32_0 : i32, i32
  }
  func.func @transform_4(%arg0: i32) -> (i32, i32) {
    %c0_i32 = arith.constant 0 : i32
    %c0_i32_0 = arith.constant 0 : i32
    %c0_i32_1 = arith.constant 0 : i32
    return %c0_i32, %c0_i32_0 : i32, i32
  }
  func.func @transform_5(%arg0: i32) -> (i32, i32) {
    %c0_i32 = arith.constant 0 : i32
    %c0_i32_0 = arith.constant 0 : i32
    return %arg0, %c0_i32 : i32, i32
  }
  func.func @transform_6(%arg0: i32) -> (i32, i32) {
    %c0_i32 = arith.constant 0 : i32
    %c0_i32_0 = arith.constant 0 : i32
    return %arg0, %c0_i32 : i32, i32
  }
}

module attributes {stable_mosaic.version = 14 : i64} {
  func.func @_edge_post_body(%arg0: i32, %arg1: memref<2000x16xf32, #tpu.memory_space<vmem>>, %arg2: memref<2000x16xf32, #tpu.memory_space<vmem>>, %arg3: memref<2000x16xf32, #tpu.memory_space<vmem>>) attributes {dimension_semantics = [#tpu.dimension_semantics<arbitrary>], iteration_bounds = array<i64: 160>, scalar_prefetch = 0 : i64, scratch_operands = 0 : i64, tpu.core_type = #tpu.core_type<tc>, window_params = [{transform_indices = @transform_0, window_bounds = array<i64: 2000, 16>}, {transform_indices = @transform_1, window_bounds = array<i64: 2000, 16>}, {transform_indices = @transform_2, window_bounds = array<i64: 2000, 16>}]} {
    %get3A = arith.constant 0 : index
    %get3A_0 = arith.constant 0 : index
    %get3A_1 = vector.load %arg1[%get3A, %get3A_0] : memref<2000x16xf32, #tpu.memory_space<vmem>>, vector<2000x16xf32>
    %get3A_2 = arith.constant 0 : index
    %get3A_3 = arith.constant 0 : index
    %get3A_4 = vector.load %arg2[%get3A_2, %get3A_3] : memref<2000x16xf32, #tpu.memory_space<vmem>>, vector<2000x16xf32>
    %add3A = arith.addf %get3A_1, %get3A_4 : vector<2000x16xf32>
    %max3A = arith.constant 0.000000e+00 : f32
    %max3A_5 = vector.broadcast %max3A : f32 to vector<2000x16xf32>
    %max3A_6 = arith.maximumf %add3A, %max3A_5 : vector<2000x16xf32>
    %swap3A = arith.constant 0 : index
    %swap3A_7 = arith.constant 0 : index
    %swap3A_8 = vector.load %arg3[%swap3A, %swap3A_7] : memref<2000x16xf32, #tpu.memory_space<vmem>>, vector<2000x16xf32>
    tpu.vector_store %arg3[%swap3A, %swap3A_7], %max3A_6 {strides = array<i32>} : memref<2000x16xf32, #tpu.memory_space<vmem>>, vector<2000x16xf32>,
    return
  }
  func.func @transform_0(%arg0: i32) -> (i32, i32) {
    %c0_i32 = arith.constant 0 : i32
    %c0_i32_0 = arith.constant 0 : i32
    return %arg0, %c0_i32 : i32, i32
  }
  func.func @transform_1(%arg0: i32) -> (i32, i32) {
    %c0_i32 = arith.constant 0 : i32
    %c0_i32_0 = arith.constant 0 : i32
    return %arg0, %c0_i32 : i32, i32
  }
  func.func @transform_2(%arg0: i32) -> (i32, i32) {
    %c0_i32 = arith.constant 0 : i32
    %c0_i32_0 = arith.constant 0 : i32
    return %arg0, %c0_i32 : i32, i32
  }
}

module attributes {stable_mosaic.version = 14 : i64} {
  func.func @_node_post_body(%arg0: i32, %arg1: memref<1000x128xf32, #tpu.memory_space<vmem>>, %arg2: memref<2x1000x128xf32, #tpu.memory_space<vmem>>, %arg3: memref<2x1000x128xf32, #tpu.memory_space<vmem>>, %arg4: memref<128x128xf32, #tpu.memory_space<vmem>>, %arg5: memref<128x128xf32, #tpu.memory_space<vmem>>, %arg6: memref<1x128xf32, #tpu.memory_space<vmem>>, %arg7: memref<1000x128xf32, #tpu.memory_space<vmem>>) attributes {dimension_semantics = [#tpu.dimension_semantics<arbitrary>], iteration_bounds = array<i64: 10>, scalar_prefetch = 0 : i64, scratch_operands = 0 : i64, tpu.core_type = #tpu.core_type<tc>, window_params = [{transform_indices = @transform_0, window_bounds = array<i64: 1000, 128>}, {transform_indices = @transform_1, window_bounds = array<i64: 2, 1000, 128>}, {transform_indices = @transform_2, window_bounds = array<i64: 2, 1000, 128>}, {pipeline_mode = #tpu.pipeline_mode<synchronous>, transform_indices = @transform_3, window_bounds = array<i64: 128, 128>}, {pipeline_mode = #tpu.pipeline_mode<synchronous>, transform_indices = @transform_4, window_bounds = array<i64: 128, 128>}, {pipeline_mode = #tpu.pipeline_mode<synchronous>, transform_indices = @transform_5, window_bounds = array<i64: 1, 128>}, {transform_indices = @transform_6, window_bounds = array<i64: 1000, 128>}]} {
    %get3A = arith.constant 0 : index
    %get3A_0 = arith.constant 0 : index
    %get3A_1 = arith.constant 0 : index
    %get3A_2 = vector.load %arg2[%get3A, %get3A_0, %get3A_1] : memref<2x1000x128xf32, #tpu.memory_space<vmem>>, vector<1x1000x128xf32>
    %get3A_3 = vector.shape_cast %get3A_2 : vector<1x1000x128xf32> to vector<1000x128xf32>
    %get3A_4 = arith.constant 1 : index
    %get3A_5 = arith.constant 0 : index
    %get3A_6 = arith.constant 0 : index
    %get3A_7 = vector.load %arg2[%get3A_4, %get3A_5, %get3A_6] : memref<2x1000x128xf32, #tpu.memory_space<vmem>>, vector<1x1000x128xf32>
    %get3A_8 = vector.shape_cast %get3A_7 : vector<1x1000x128xf32> to vector<1000x128xf32>
    %add3A = arith.addf %get3A_3, %get3A_8 : vector<1000x128xf32>
    %get3A_9 = arith.constant 0 : index
    %get3A_10 = arith.constant 0 : index
    %get3A_11 = arith.constant 0 : index
    %get3A_12 = vector.load %arg3[%get3A_9, %get3A_10, %get3A_11] : memref<2x1000x128xf32, #tpu.memory_space<vmem>>, vector<1x1000x128xf32>
    %get3A_13 = vector.shape_cast %get3A_12 : vector<1x1000x128xf32> to vector<1000x128xf32>
    %slice3A = vector.extract_strided_slice %get3A_13 {offsets = [0, 0], sizes = [1000, 1], strides = [1, 1]} : vector<1000x128xf32> to vector<1000x1xf32>
    %get3A_14 = arith.constant 1 : index
    %get3A_15 = arith.constant 0 : index
    %get3A_16 = arith.constant 0 : index
    %get3A_17 = vector.load %arg3[%get3A_14, %get3A_15, %get3A_16] : memref<2x1000x128xf32, #tpu.memory_space<vmem>>, vector<1x1000x128xf32>
    %get3A_18 = vector.shape_cast %get3A_17 : vector<1x1000x128xf32> to vector<1000x128xf32>
    %slice3A_19 = vector.extract_strided_slice %get3A_18 {offsets = [0, 0], sizes = [1000, 1], strides = [1, 1]} : vector<1000x128xf32> to vector<1000x1xf32>
    %add3A_20 = arith.addf %slice3A, %slice3A_19 : vector<1000x1xf32>
    %div3A = vector.broadcast %add3A_20 : vector<1000x1xf32> to vector<1000x128xf32>
    %div3A_21 = arith.divf %add3A, %div3A : vector<1000x128xf32>
    %get3A_22 = arith.constant 0 : index
    %get3A_23 = arith.constant 0 : index
    %get3A_24 = vector.load %arg1[%get3A_22, %get3A_23] : memref<1000x128xf32, #tpu.memory_space<vmem>>, vector<1000x128xf32>
    %get3A_25 = arith.constant 0 : index
    %get3A_26 = arith.constant 0 : index
    %get3A_27 = vector.load %arg4[%get3A_25, %get3A_26] : memref<128x128xf32, #tpu.memory_space<vmem>>, vector<128x128xf32>
    %dot_general3A = arith.constant dense<0.000000e+00> : vector<1000x128xf32>
    %dot_general3A_28 = tpu.matmul %get3A_24, %get3A_27, %dot_general3A {dimension_numbers = #tpu.dot_dimension_numbers<[1], [0], [0], [1], [0, 0, 1, 1], [], []>, transpose_lhs_hint = false} : vector<1000x128xf32>, vector<128x128xf32>, vector<1000x128xf32> -> vector<1000x128xf32>
    %get3A_29 = arith.constant 0 : index
    %get3A_30 = arith.constant 0 : index
    %get3A_31 = vector.load %arg5[%get3A_29, %get3A_30] : memref<128x128xf32, #tpu.memory_space<vmem>>, vector<128x128xf32>
    %dot_general3A_32 = arith.constant dense<0.000000e+00> : vector<1000x128xf32>
    %dot_general3A_33 = tpu.matmul %div3A_21, %get3A_31, %dot_general3A_32 {dimension_numbers = #tpu.dot_dimension_numbers<[1], [0], [0], [1], [0, 0, 1, 1], [], []>, transpose_lhs_hint = false} : vector<1000x128xf32>, vector<128x128xf32>, vector<1000x128xf32> -> vector<1000x128xf32>
    %add3A_34 = arith.addf %dot_general3A_28, %dot_general3A_33 : vector<1000x128xf32>
    %get3A_35 = arith.constant 0 : index
    %get3A_36 = arith.constant 0 : index
    %get3A_37 = vector.load %arg6[%get3A_35, %get3A_36] : memref<1x128xf32, #tpu.memory_space<vmem>>, vector<1x128xf32>
    %add3A_38 = vector.broadcast %get3A_37 : vector<1x128xf32> to vector<1000x128xf32>
    %add3A_39 = arith.addf %add3A_34, %add3A_38 : vector<1000x128xf32>
    %max3A = arith.constant 0.000000e+00 : f32
    %max3A_40 = vector.broadcast %max3A : f32 to vector<1000x128xf32>
    %max3A_41 = arith.maximumf %add3A_39, %max3A_40 : vector<1000x128xf32>
    %swap3A = arith.constant 0 : index
    %swap3A_42 = arith.constant 0 : index
    %swap3A_43 = vector.load %arg7[%swap3A, %swap3A_42] : memref<1000x128xf32, #tpu.memory_space<vmem>>, vector<1000x128xf32>
    tpu.vector_store %arg7[%swap3A, %swap3A_42], %max3A_41 {strides = array<i32>} : memref<1000x128xf32, #tpu.memory_space<vmem>>, vector<1000x128xf32>,
    return
  }
  func.func @transform_0(%arg0: i32) -> (i32, i32) {
    %c0_i32 = arith.constant 0 : i32
    %c0_i32_0 = arith.constant 0 : i32
    return %arg0, %c0_i32 : i32, i32
  }
  func.func @transform_1(%arg0: i32) -> (i32, i32, i32) {
    %c0_i32 = arith.constant 0 : i32
    %c0_i32_0 = arith.constant 0 : i32
    %c0_i32_1 = arith.constant 0 : i32
    return %c0_i32, %arg0, %c0_i32_0 : i32, i32, i32
  }
  func.func @transform_2(%arg0: i32) -> (i32, i32, i32) {
    %c0_i32 = arith.constant 0 : i32
    %c0_i32_0 = arith.constant 0 : i32
    %c0_i32_1 = arith.constant 0 : i32
    return %c0_i32, %arg0, %c0_i32_0 : i32, i32, i32
  }
  func.func @transform_3(%arg0: i32) -> (i32, i32) {
    %c0_i32 = arith.constant 0 : i32
    %c0_i32_0 = arith.constant 0 : i32
    %c0_i32_1 = arith.constant 0 : i32
    return %c0_i32, %c0_i32_0 : i32, i32
  }
  func.func @transform_4(%arg0: i32) -> (i32, i32) {
    %c0_i32 = arith.constant 0 : i32
    %c0_i32_0 = arith.constant 0 : i32
    %c0_i32_1 = arith.constant 0 : i32
    return %c0_i32, %c0_i32_0 : i32, i32
  }
  func.func @transform_5(%arg0: i32) -> (i32, i32) {
    %c0_i32 = arith.constant 0 : i32
    %c0_i32_0 = arith.constant 0 : i32
    %c0_i32_1 = arith.constant 0 : i32
    return %c0_i32, %c0_i32_0 : i32, i32
  }
  func.func @transform_6(%arg0: i32) -> (i32, i32) {
    %c0_i32 = arith.constant 0 : i32
    %c0_i32_0 = arith.constant 0 : i32
    return %arg0, %c0_i32 : i32, i32
  }
}

</mosaic_0001>

<sc_bundles>
// kernel: kernel.7.cloned.1.call-start
scs
__scs_entry_jumppad:
0x0: {  	(pc) =	sbr.rel $0x88, $3  }
0x1: {  	(tag) =	ssettag $0x0;
	lr =	simm.s32 $0x1  }
0x2: {  	[smem:$0x3F98] =	sst lr;
	_ =	strace $0xD0000000  }
0x3: {  	_ = 	snop  }
0x4: {  	_ = 	snop  }
0x5: {  	_ = 	snop  }
0x6: {  	_ = 	snop  }
0x7: {  	_ = 	snop  }
__scs_overlays_trampoline_lowered:
0x8: {  	[smem:$0x3FA7] =	sst s0  }
0x9: {  	[smem:$0x3FA8] =	sst s1  }
0xa: {  	[smem:$0x3FA9] =	sst s2  }
0xb: {  	[smem:$0x3FAA] =	sst s3  }
0xc: {  	[smem:$0x3FAB] =	sst s4  }
0xd: {  	[smem:$0x3FAC] =	sst s5  }
0xe: {  	[smem:$0x3FAD] =	sst s6  }
0xf: {  	[smem:$0x3FAE] =	sst s7  }
0x10: {  	[smem:$0x3FAF] =	sst s8  }
0x11: {  	[smem:$0x3FB0] =	sst s9;
	s0 =	simm.s32 @!p0 $0x0  }
0x12: {  	s1 =	sld [smem:$0x3F96];
	s0 =	simm.s32 @p0 $0x1  }
0x13: {  	[smem:$0x3FB1] =	sst s0;
	s0 =	simm.s32 @!p1 $0x0  }
0x14: {  	s2 =	sld [smem:$0x3F95];
	s0 =	simm.s32 @p1 $0x1  }
0x15: {  	[smem:$0x3FB2] =	sst s0;
	s0 =	simm.s32 @!p2 $0x0  }
0x16: {  	s3 =	sld [smem:$0x3FDB];
	s0 =	simm.s32 @p2 $0x1  }
0x17: {  	s4 =	simm.s32 $0x1BF5;
	[smem:$0x3FB4] =	sst s0  }
0x18: {  	s0 =	sld [smem:$0x3F97];
	_ =	swait.ge [sflag:s4], $0x0  }
0x19: {  	s7 =	sld [smem:$0x3F98]  }
0x1a: {  	s8 =	sadd.s32 $0xFFFFE003, lr  }
0x1b: {  	s9 =	sadd.s32 $0xFFFFFEF7, lr;
	s5 =	simm.s32 $0xFFFFFFFF;
	p2 =	slt.u32 s8, $0xFFFFF086  }
0x1c: {  	p1 =	slt.u32 s9, $0xF7A;
	s5 =	simm.s32 @!p2 $0x0  }
0x1d: {  	s5 =	simm.s32 @p1 $0x1;
	p0 =	seq.s32 s7, s2  }
0x1e: {  	s7 =	smul.u32 @!p0 $0xF7A, s2;
	p2 =	seq.s32 @!p0 s5, $0x0  }
0x1f: {  	s9 =	smul.u32 $0xF7A, s1;
	s8 =	simm.s32 @!p0 $0x1BF5;
	p2 =	por !p2, p0  }
0x20: {  	[sflag:s8] =	ssyncset.s32 @!p0 $0xFFFFF086;
	s6 =	sadd.s32 @!p0 s3, s7;
	s7 =	simm.s32 @!p0 $0x108  }
0x21: {  	s3 =	sadd.s32 s3, s9;
	s6 =	sadd.s32 @!p0 $0x88, s6;
	s7 =	simm.s32 @p2 $0x1082  }
0x22: {  	[simem:s7], [sflag:s8] =	dma.local @!p0 [hbm:s6], $0xF7A  }
0x23: {  	s9 =	sor.u32 $0xD0000000, s2;
	s6 =	simm.s32 $0x108;
	_ =	swait.ge @!p0 [sflag:s8], $0x0  }
0x24: {  	s3 =	sadd.s32 $0x88, s3;
	s6 =	simm.s32 @!p1 $0x1082;
	[sflag:s4] =	ssyncset.s32 $0xFFFFF086  }
0x25: {  	[simem:s6], [sflag:s4] =	dma.local [hbm:s3], $0xF7A  }
0x26: {  	[smem:$0x3F98] =	sst s1;
	(tag) =	ssettag s2;
	_ =	strace s9  }
0x27: {  	s1 =	sld [smem:$0x3FA8]  }
0x28: {  	s2 =	sld [smem:$0x3FA9]  }
0x29: {  	s4 =	sld [smem:$0x3FAB]  }
0x2a: {  	p0 =	seq.s32 s5, $0x0;
	s5 =	sld [smem:$0x3FAC]  }
0x2b: {  	s6 =	sld [smem:$0x3FAD]  }
0x2c: {  	s7 =	sld [smem:$0x3FAE]  }
0x2d: {  	s3 =	simm.s32 $0x108;
	s8 =	sld [smem:$0x3FAF]  }
0x2e: {  	s3 =	simm.s32 @!p0 $0x1082;
	s9 =	sld [smem:$0x3FB0]  }
0x2f: {  	lr =	sadd.s32 s0, s3;
	s0 =	sld [smem:$0x3FA7]  }
0x30: {  	s3 =	sld [smem:$0x3FAA]  }
0x31: {  	[smem:$0x3FB3] =	sst s10  }
0x32: {  	s10 =	sld [smem:$0x3FB1];
	_ =	sdelay $0x3  }
0x33: {  	p0 =	seq.s32 s10, $0x1;
	s10 =	sld [smem:$0x3FB3];
	_ =	sdelay $0x3  }
0x34: {  	[smem:$0x3FB3] =	sst s10  }
0x35: {  	s10 =	sld [smem:$0x3FB2];
	_ =	sdelay $0x3  }
0x36: {  	p1 =	seq.s32 s10, $0x1;
	s10 =	sld [smem:$0x3FB3];
	_ =	sdelay $0x3  }
0x37: {  	[smem:$0x3FB3] =	sst s10  }
0x38: {  	s10 =	sld [smem:$0x3FB4]  }
0x39: {  	_ = 	snop;
	(pc) =	sbr.ind lr, $3  }
0x3a: {  	_ = 	snop  }
0x3b: {  	_ = 	snop  }
0x3c: {  	p2 =	seq.s32 s10, $0x1;
	s10 =	sld [smem:$0x3FB3]  }
0x3d: {  	_ =	shalt  }
0x3e: {  	_ =	shalt  }
0x3f: {  	_ =	shalt  }
0x40: {  	_ =	shalt  }
0x41: {  	_ =	shalt  }
0x42: {  	_ =	shalt  }
0x43: {  	_ =	shalt  }
0x44: {  	_ =	shalt  }
0x45: {  	_ =	shalt  }
0x46: {  	_ =	shalt  }
0x47: {  	_ =	shalt  }
0x48: {  	_ =	shalt  }
0x49: {  	_ =	shalt  }
0x4a: {  	_ =	shalt  }
0x4b: {  	_ =	shalt  }
0x4c: {  	_ =	shalt  }
0x4d: {  	_ =	shalt  }
0x4e: {  	_ =	shalt  }
0x4f: {  	_ =	shalt  }
0x50: {  	_ =	shalt  }
0x51: {  	_ =	shalt  }
0x52: {  	_ =	shalt  }
0x53: {  	_ =	shalt  }
0x54: {  	_ =	shalt  }
0x55: {  	_ =	shalt  }
0x56: {  	_ =	shalt  }
0x57: {  	_ =	shalt  }
0x58: {  	_ =	shalt  }
0x59: {  	_ =	shalt  }
0x5a: {  	_ =	shalt  }
0x5b: {  	_ =	shalt  }
0x5c: {  	_ =	shalt  }
0x5d: {  	_ =	shalt  }
0x5e: {  	_ =	shalt  }
0x5f: {  	_ =	shalt  }
0x60: {  	_ =	shalt  }
0x61: {  	_ =	shalt  }
0x62: {  	_ =	shalt  }
0x63: {  	_ =	shalt  }
0x64: {  	_ =	shalt  }
0x65: {  	_ =	shalt  }
0x66: {  	_ =	shalt  }
0x67: {  	_ =	shalt  }
0x68: {  	_ =	shalt  }
0x69: {  	_ =	shalt  }
0x6a: {  	_ =	shalt  }
0x6b: {  	_ =	shalt  }
0x6c: {  	_ =	shalt  }
0x6d: {  	_ =	shalt  }
0x6e: {  	_ =	shalt  }
0x6f: {  	_ =	shalt  }
0x70: {  	_ =	shalt  }
0x71: {  	_ =	shalt  }
0x72: {  	_ =	shalt  }
0x73: {  	_ =	shalt  }
0x74: {  	_ =	shalt  }
0x75: {  	_ =	shalt  }
0x76: {  	_ =	shalt  }
0x77: {  	_ =	shalt  }
0x78: {  	_ =	shalt  }
0x79: {  	_ =	shalt  }
0x7a: {  	_ =	shalt  }
0x7b: {  	_ =	shalt  }
0x7c: {  	_ =	shalt  }
0x7d: {  	_ =	shalt  }
0x7e: {  	_ =	shalt  }
0x7f: {  	_ =	shalt  }
0x80: {  	_ =	shalt  }
0x81: {  	_ =	shalt  }
0x82: {  	_ =	shalt  }
0x83: {  	_ =	shalt  }
0x84: {  	_ =	shalt  }
0x85: {  	_ =	shalt  }
0x86: {  	_ =	shalt  }
0x87: {  	_ =	shalt  }
.Lfunc_end0:
.L_simem_size_0:
called_computation_lowered:
.L_overlay_start_0:
0x88: {  	s2 =	sld [smem:$0x3FD9]  }
0x89: {  	s3 =	sld [smem:$0x3FFE];
	_ =	sdelay $0x1  }
0x8a: {  	s1 =	srdreg.scid  }
0x8b: {  	s0 =	sand.u32 $0x1, s1  }
0x8c: {  	s14 =	sshll.u32 s0, $0xA;
	s2 =	sadd.s32 s3, s2  }
0x8d: {  	s2 =	sadd.s32 s2, s14  }
0x8e: {  	[smem:$0x3FBF] =	sst s2  }
0x8f: {  	_ = 	snop  }
0x90: {  	s2 =	sld [smem:$0x3FD0];
	_ =	sdelay $0x2  }
0x91: {  	s15 =	simm.s32 $0xA;
	s4 =	simm.s32 $0x10  }
0x92: {  	[smem:s4], [sflag:s15] =	dma.local [hbm:s2], $0x1  }
0x93: {  	_ =	swait.eq [sflag:s15], $0x1  }
0x94: {  	[sflag:s15] =	ssyncset.done $0x0  }
0x95: {  	s16 =	sld [smem:$0x10];
	[sflag:s15] =	ssyncadd.s32 $0xFFFFFFFF  }
0x96: {  	s17 =	sld [smem:$0x11];
	(tm) =	ssettm $0x1  }
0x97: {  	s18 =	sld [smem:$0x3FFB];
	_ =	sdelay $0x3  }
0x98: {  	_ =	strace s18  }
0x99: {  	s4 =	sld [smem:$0x3FFC];
	_ =	sdelay $0x3  }
0x9a: {  	_ =	strace s4  }
0x9b: {  	s4 =	sld [smem:$0x3FFD];
	_ =	sdelay $0x3  }
0x9c: {  	_ =	strace s4  }
0x9d: {  	_ =	strace $0x8FFFFFFF  }
0x9e: {  	s19 =	sld [smem:$0x3FDB];
	_ =	sdelay $0x1  }
0x9f: {  	s5 =	simm.s32 $_scs_section_size  }
0xa0: {  	s6 =	simm.s32 $_size__tile_overlayer_lowered;
	s7 =	simm.s32 $_tile_overlayer_lowered  }
0xa1: {  	s22 =	simm.s32 $0x1BFF;
	s21 =	sshll.u32 s7, $0x1;
	s4 =	sadd.s32 s5, s19  }
0xa2: {  	s8 =	simm.s32 $0x0;
	s20 =	sshll.u32 s6, $0x1;
	s6 =	sadd.s32 s21, s4  }
0xa3: {  	[timem:s8], [sflag:s22] =	dma.local [hbm:s6], s20  }
0xa4: {  	_ =	swait.ge [sflag:s22], s20  }
0xa5: {  	s5 =	ssub.s32 $0x0, s20;
	[sflag:s22] =	ssyncset.done $0x0  }
0xa6: {  	[sflag:s22] =	ssyncadd.s32 s5;
	_ =	sdelay $0x1  }
0xa7: {  	s23 =	simm.s32 $0x1B8B  }
0xa8: {  	_ =	swait.ge [sflag:s23], $0x1  }
0xa9: {  	[sflag:s23] =	ssyncset.done $0x0  }
0xaa: {  	s25 =	simm.s32 $0x1B8E;
	s24 =	sld [smem:$0x3FFE];
	[sflag:s23] =	ssyncadd.s32 $0xFFFFFFFF  }
0xab: {  	s26 =	simm.s32 $execute0_lowered;
	[smem:$0x3FD2] =	sst s25  }
0xac: {  	s6 =	sshll.u32 s26, $0x1;
	_ =	strace $0x80000046;
	[dreg:$0x1] =	wrdreg $0xFFFFFFFF  }
0xad: {  	s28 =	simm.s32 $_size_execute0_lowered;
	s4 =	sadd.s32 s4, s6;
	[dreg:$0x0] =	wrdreg $0x0  }
0xae: {  	s6 =	sshll.u32 s28, $0x1;
	[dreg:$0x2] =	wrdreg s4  }
0xaf: {  	[dreg:$0x3] =	wrdreg s6  }
0xb0: {  	[dreg:$0x4] =	wrdreg $0xC0  }
0xb1: {  	_ =	task [dreg:s8], $0x5FFFF  }
0xb2: {  	[dreg:$0x1] =	wrdreg $0xFFFFFFFF  }
0xb3: {  	[dreg:$0x0] =	wrdreg $0x60  }
0xb4: {  	[dreg:$0x2] =	wrdreg s17  }
0xb5: {  	[dreg:$0x3] =	wrdreg s24  }
0xb6: {  	[dreg:$0x4] =	wrdreg s16  }
0xb7: {  	[dreg:$0x5] =	wrdreg $0xC4000  }
0xb8: {  	[dreg:$0x6] =	wrdreg $0x9  }
0xb9: {  	_ =	task.clear_ibuf [dreg:s8], $0x7FFFF;
	_ =	strace $0x90000046  }
0xba: {  	s29 =	simm.s32 $0x9;
	_ =	strace $0x80000048  }
0xbb: {  	_ =	swait.ge [sflag:s29], $0x1  }
0xbc: {  	[sflag:s29] =	ssyncadd.s32 $0xFFFFFFFF  }
0xbd: {  	_ =	strace $0x90000048  }
0xbe: {  	_ =	sfence  }
0xbf: {  	s30 =	sld [smem:$0x0];
	_ =	sdelay $0x2  }
0xc0: {  	s31 =	sshll.u32 s1, $0xD;
	s1 =	sshrl.u32 s1, $0x2  }
0xc1: {  	s3 =	sand.u32 $0x4000, s31;
	s1 =	sadd.s32 s1, s30  }
0xc2: {  	s0 =	sor.u32 s3, s0;
	s1 =	sshll.u32 s1, $0x11  }
0xc3: {  	s0 =	sor.u32 s1, s0  }
0xc4: {  	s0 =	sadd.s32 $0x8F2B, s0  }
0xc5: {  	[sflag:s0] =	ssyncadd.remote.s32 $0x1  }
0xc6: {  	_ =	sfence.sel $0xFFFF  }
0xc7: {  	[dreg:$0x0] =	wrdreg $0xFFFFFFFF;
	(pc) =	sbr.abs _section_cstart, $3  }
0xc8: {  	[dreg:$0x1] =	wrdreg $0xFFFFFFFF  }
0xc9: {  	_ =	task.clear_ibuf [dreg:s8], $0x2FFFF;
	_ =	strace $0x9FFFFFFF  }
0xca: {  	(tm) =	ssettm $0x7FFFFFFF  }
0xcb: {  	_ =	shalt  }
tec
execute0_lowered:
.L_overlay_start_1:
0x0: {  	(tag) =	ssettag $0x1  }
0x1: {  	s1 =	rddreg [dreg:$0x0]  }
0x2: {  	s0 =	rddreg [dreg:$0x1]  }
0x3: {  	s3 =	rddreg [dreg:$0x3]  }
0x4: {  	s4 =	simm.s32 $0x0;
	s2 =	srdreg.scid;
	s28 =	simm.s32 $0x800  }
0x5: {  	s14 =	stileid.u32;
	s13 =	sadd.s32 $0x548A00, s0;
	s15 =	sadd.s32 $0x4E4A00, s0  }
0x6: {  	[smem:$0x7FF] =	sst s4;
	s16 =	sadd.s32 $0x516A00, s0;
	s22 =	sadd.s32 $0x2A00, s0  }
0x7: {  	s5 =	sadd.s32 $0x5200, s0;
	s2 =	sand.u32 $0x1, s2;
	s30 =	sshll.u32 s14, $0x1  }
0x8: {  	s6 =	sadd.s32 $0x5600, s0;
	s7 =	smul.u32 $0x4E000, s14;
	s8 =	sadd.s32 $0x53800, s0  }
0x9: {  	s0 =	sadd.s32 $0xF0CA00, s0;
	s11 =	sshll.u32 s14, $0x6;
	s12 =	smul.u32 $0x13800, s14  }
0xa: {  	s20 =	smul.u32 $0x19000, s14;
	_ =	strace $0x80000047;
	[dreg:$0x9] =	wrdreg s5  }
0xb: {  	p0 =	sne.s32 s14, $0xF;
	s5 =	sor.u32 s2, s30;
	[dreg:$0xb] =	wrdreg s0  }
0xc: {  	s9 =	ssub.s32 $0x2, s2;
	s10 =	smul.u32 $0x138800, s2;
	[dreg:$0x6] =	wrdreg s15  }
0xd: {  	s29 =	sor.u32 $0x1C08, s11;
	s2 =	smul.u32 $0xC800, s2;
	[dreg:$0x5] =	wrdreg s13  }
0xe: {  	s11 =	sadd.s32 $0x138000, s3;
	[dreg:$0x7] =	wrdreg s16;
	s17 =	smul.u32 $0xC800, s5  }
0xf: {  	[dreg:$0x8] =	wrdreg s22;
	s31 =	sshrl.u32 s9, $0x1;
	s30 =	smul.u32 $0x27100, s5  }
0x10: {  	s7 =	sshrl.u32 s7, $0x2;
	[dreg:$0xe] =	wrdreg s11;
	s5 =	smul.u32 $0x2710, s5  }
0x11: {  	[dreg:$0xd] =	wrdreg s29;
	s0 =	ssub.s32 s9, s31;
	s24 =	sadd.s32 s7, s3  }
0x12: {  	s19 =	sadd.s32 s12, s10;
	s10 =	sshrl.u32 s10, $0x3;
	s2 =	sadd.s32 s2, s20  }
0x13: {  	s12 =	simm.s32 $0x8800;
	s20 =	simm.s32 $0xB00;
	[dreg:$0xa] =	wrdreg s17  }
0x14: {  	s18 =	sshrl.u32 s17, $0x3;
	s9 =	sshrl.u32 s19, $0x3;
	[dreg:$0x15] =	wrdreg s5  }
0x15: {  	s10 =	sadd.s32 $0x27000, s10;
	s31 =	sadd.s32 s13, s30;
	[dreg:$0xc] =	wrdreg s24  }
0x16: {  	s2 =	sshrl.u32 s2, $0x3;
	s0 =	smax.u32 s0, $0x1;
	[dreg:$0x16] =	wrdreg s31  }
0x17: {  	s17 =	simm.s32 $0x980;
	s21 =	sadd.s32 s6, s9;
	[dreg:$0x17] =	wrdreg s0  }
0x18: {  	s19 =	simm.s32 $0xA80;
	s6 =	sadd.s32 s6, s10;
	[dreg:$0xf] =	wrdreg s21  }
0x19: {  	s5 =	simm.s32 $0x0;
	s23 =	sadd.s32 s8, s9;
	[dreg:$0x10] =	wrdreg s6  }
0x1a: {  	s25 =	sadd.s32 s8, s10;
	s26 =	sadd.s32 s15, s18;
	[dreg:$0x11] =	wrdreg s23  }
0x1b: {  	s7 =	sadd.s32 s16, s18;
	s10 =	simm.s32 $0x28;
	[dreg:$0x12] =	wrdreg s25  }
0x1c: {  	s15 =	simm.s32 $0x900;
	s18 =	simm.s32 $0xA00;
	[dreg:$0x13] =	wrdreg s26  }
0x1d: {  	v2 =	vlaneseq.u32;
	s8 =	simm.s32 $0x5;
	[dreg:$0x14] =	wrdreg s7;
	s25 =	sadd.s32 s2, s16  }
0x1e: {  	vm0 =	vmmov $0xffff;
	v1 =	vshrl.u32 v2, $0x3;
	s26 =	simm.s32 $0x8;
	s16 =	simm.s32 $0x3800;
	s6 =	simm.s32 $0x880  }
0x1f: {  	v0 =	vand.u32 $0x7, v2;
	v2 =	vor.u32 $0x8, v2;
	v1 =	vmul.u32 $0x8, v1;
	s21 =	simm.s32 $0xB80;
	s23 =	simm.s32 $0xC00;
	s7 =	simm.s32 $0xC80  }
.LBB2_1:
0x20: {  	[dreg:$0x18] =	wrdreg s5;
	s0 =	sshrl.u32 s24, $0x3  }
0x21: {  	[dreg:$0x19] =	wrdreg s0  }
0x22: {  	[spmem:s0], [sflag:s29] =	dma.local [hbm:s22], $0x2700  }
0x23: {  	_ =	swait.ge [sflag:s26], $0x2700  }
0x24: {  	s0 =	rddreg [dreg:$0xe]  }
0x25: {  	[sflag:s26] =	ssyncset.done $0x0;
	s0 =	sshrl.u32 @!p0 s0, $0x3  }
0x26: {  	[sflag:s26] =	ssyncadd.s32 $0xFFFFD900;
	[dreg:$0x1a] =	wrdreg s0  }
0x27: {  	[spmem:s0], [sflag:s29] =	dma.local @!p0 [hbm:s22], $0x100  }
0x28: {  	s0 =	simm.s32 @!p0 $0x8  }
0x29: {  	_ =	swait.ge @!p0 [sflag:s0], $0x100  }
0x2a: {  	[sflag:s0] =	ssyncset.done @!p0 $0x0  }
0x2b: {  	[sflag:s0] =	ssyncadd.s32 @!p0 $0xFFFFFF00  }
0x2c: {  	[bflag:$0x0] =	sbarrier.arrive $0xFFFF  }
0x2d: {  	s9 =	rddreg [dreg:$0x13]  }
0x2e: {  	[tilespmem:s4], [sflag:$0x8] =	stream.linear.gather [hbm4b:s9+s4], $0x500, $0x38;
	[tilespmem:$0x1FC80] =	vst v63  }
0x2f: {  	_ =	swait.ge [sflag:s26], $0x500  }
0x30: {  	[sflag:s26] =	ssyncset.done $0x0  }
0x31: {  	s11 =	rddreg [dreg:$0x14];
	[sflag:s26] =	ssyncadd.s32 $0xFFFFFB00  }
0x32: {  	[tilespmem:s28], [sflag:$0x8] =	stream.linear.gather [hbm4b:s11+s4], $0x500, $0x38;
	[tilespmem:$0x1FC80] =	vst v63  }
0x33: {  	_ =	swait.ge [sflag:s26], $0x500  }
0x34: {  	[sflag:s26] =	ssyncset.done $0x0  }
0x35: {  	[sflag:s26] =	ssyncadd.s32 $0xFFFFFB00  }
0x36: {  	v3 =	vld [tilespmem:$0x0];
	_ =	sdelay $0x4  }
0x37: {  	v4 =	vshll.u32 v3, $0x1  }
0x38: {  	v3 =	vand.u32 $0x7, v3;
	v4 =	vand.u32 $0xFFFFFFF0, v4  }
0x39: {  	v3 =	vor.u32 v3, v4  }
0x3a: {  	v4 =	vperm.xlane v3, v0;
	_ =	sdelay $0x1  }
0x3b: {  	v3 =	vperm.xlane v3, v2;
	v4 =	vadd.s32 v1, v4;
	_ =	sdelay $0x1  }
0x3c: {  	v3 =	vadd.s32 v1, v3;
	_ =	sdelay $0x1  }
0x3d: {  	s13 =	simm.s32 $0x1000  }
0x3e: {  	[tilespmem:s13], [sflag:$0x1] =	stream.indirect_vreg.gather [hbm4b:s1+s4], $0x80, v4, vm0, $0xb8;
	[tilespmem:$0x1FC80] =	vst v63  }
0x3f: {  	s14 =	simm.s32 $0x1800  }
0x40: {  	[tilespmem:s14], [sflag:$0x1] =	stream.indirect_vreg.gather [hbm4b:s1+s4], $0x80, v3, vm0, $0xb8;
	[tilespmem:$0x1FC80] =	vst v63  }
0x41: {  	v3 =	vld [tilespmem:$0x10];
	_ =	sdelay $0x4  }
0x42: {  	v62 =	vshll.u32 v3, $0x1  }
0x43: {  	v3 =	vand.u32 $0x7, v3;
	v4 =	vand.u32 $0xFFFFFFF0, v62  }
0x44: {  	v3 =	vor.u32 v3, v4  }
0x45: {  	v4 =	vperm.xlane v3, v0;
	_ =	sdelay $0x1  }
0x46: {  	v3 =	vperm.xlane v3, v2;
	v4 =	vadd.s32 v1, v4;
	_ =	sdelay $0x1  }
0x47: {  	v3 =	vadd.s32 v1, v3;
	_ =	sdelay $0x1  }
0x48: {  	s22 =	simm.s32 $0x2000  }
0x49: {  	[tilespmem:s22], [sflag:$0x1] =	stream.indirect_vreg.gather [hbm4b:s1+s4], $0x80, v4, vm0, $0xb8;
	[tilespmem:$0x1FC80] =	vst v63  }
0x4a: {  	s24 =	simm.s32 $0x2800  }
0x4b: {  	[tilespmem:s24], [sflag:$0x1] =	stream.indirect_vreg.gather [hbm4b:s1+s4], $0x80, v3, vm0, $0xb8;
	[tilespmem:$0x1FC80] =	vst v63  }
0x4c: {  	v3 =	vld.msk [tilespmem:$0x20], $0xff;
	_ =	sdelay $0x4  }
0x4d: {  	v63 =	vshll.u32 v3, $0x1  }
0x4e: {  	v3 =	vand.u32 $0x7, v3;
	v4 =	vand.u32 $0xFFFFFFF0, v63  }
0x4f: {  	v3 =	vor.u32 v3, v4  }
0x50: {  	v3 =	vperm.xlane v3, v0;
	_ =	sdelay $0x1  }
0x51: {  	v3 =	vadd.s32 v1, v3;
	_ =	sdelay $0x3  }
0x52: {  	s29 =	simm.s32 $0x3000  }
0x53: {  	[tilespmem:s29], [sflag:$0x1] =	stream.indirect_vreg.gather [hbm4b:s1+s4], $0x80, v3, vm0, $0xb8;
	[tilespmem:$0x1FC80] =	vst v63  }
.Ltmp0:
0x54: {  	_ = 	snop;
	(pc) =	sbr.rel .LBB2_2-.Ltmp0, $4  }
0x55: {  	s2 =	simm.s32 $0x4C00;
	s30 =	rddreg [dreg:$0x2]  }
0x56: {  	[tilespmem:s2], [sflag:$0x1] =	stream.indirect.gather [hbm4b:s30+s10], $0x80, s28, s10, $0xb8;
	[tilespmem:$0x1FC80] =	vst v63  }
0x57: {  	s11 =	simm.s32 $0x0;
	s31 =	rddreg [dreg:$0x16]  }
0x58: {  	[tilespmem:s16], [sflag:$0x2] =	stream.linear.gather [hbm4b:s31+s4], $0x1400, $0x38;
	[tilespmem:$0x1FC80] =	vst v63  }
.LBB2_8:
0x59: {  	s11 =	sadd.s32 $0x1, s11  }
0x5a: {  	p1 =	sne.s32 s11, $0x7D  }
.Ltmp1:
0x5b: {  	_ = 	snop;
	(pc) =	sbr.rel @!p1 .LBB2_9-.Ltmp1, $1  }
0x5c: {  	_ =	sdelay $0x3  }
.LBB2_2:
0x5d: {  	s0 =	sshllo.u32 s11, $0x1  }
0x5e: {  	s2 =	smul.u32 $0xCD, s0;
	_ =	sdelay $0x1  }
0x5f: {  	s2 =	sshrl.u32 s2, $0xB  }
0x60: {  	s2 =	sand.u32 $0x1F, s2  }
0x61: {  	p1 =	seq.s32 s11, $0x0;
	s2 =	smul.u32 $0xA, s2  }
0x62: {  	s5 =	simm.s32 @!p1 $0x6  }
0x63: {  	_ =	swait.ge @!p1 [sflag:s5], $0x1400;
	s2 =	ssub.s32 s0, s2  }
0x64: {  	[sflag:s5] =	ssyncset.done @!p1 $0x0;
	s2 =	sand.u32 $0xFF, s2  }
0x65: {  	[sflag:s5] =	ssyncadd.s32 @!p1 $0xFFFFEC00;
	s14 =	sshll.u32 s2, $0x7  }
0x66: {  	v3 =	vld [tilespmem:s14+$0x0];
	_ =	sdelay $0x4  }
0x67: {  	v4 =	vshll.u32 v3, $0x1  }
0x68: {  	v3 =	vand.u32 $0x7, v3;
	v4 =	vand.u32 $0xFFFFFFF0, v4  }
0x69: {  	v3 =	vor.u32 v3, v4  }
0x6a: {  	v4 =	vperm.xlane v3, v0;
	_ =	sdelay $0x1  }
0x6b: {  	v3 =	vperm.xlane v3, v2;
	v4 =	vadd.s32 v1, v4;
	_ =	sdelay $0x1  }
0x6c: {  	v3 =	vadd.s32 v1, v3;
	_ =	sdelay $0x1  }
0x6d: {  	s31 =	simm.s32 $0x0;
	s13 =	simm.s32 $0x6000  }
0x6e: {  	[tilespmem:s13], [sflag:$0x3] =	stream.indirect_vreg.gather [hbm4b:s1+s31], $0x80, v4, vm0, $0xb8;
	[tilespmem:$0x1FC80] =	vst v63  }
0x6f: {  	s22 =	simm.s32 $0x6800  }
0x70: {  	[tilespmem:s22], [sflag:$0x3] =	stream.indirect_vreg.gather [hbm4b:s1+s31], $0x80, v3, vm0, $0xb8;
	[tilespmem:$0x1FC80] =	vst v63  }
0x71: {  	v3 =	vld [tilespmem:s14+$0x10];
	_ =	sdelay $0x4  }
0x72: {  	v4 =	vshll.u32 v3, $0x1  }
0x73: {  	v3 =	vand.u32 $0x7, v3;
	v4 =	vand.u32 $0xFFFFFFF0, v4  }
0x74: {  	v3 =	vor.u32 v3, v4  }
0x75: {  	v4 =	vperm.xlane v3, v0;
	_ =	sdelay $0x1  }
0x76: {  	v3 =	vperm.xlane v3, v2;
	v4 =	vadd.s32 v1, v4;
	_ =	sdelay $0x1  }
0x77: {  	v3 =	vadd.s32 v1, v3;
	_ =	sdelay $0x1  }
0x78: {  	s24 =	simm.s32 $0x7000  }
0x79: {  	[tilespmem:s24], [sflag:$0x3] =	stream.indirect_vreg.gather [hbm4b:s1+s31], $0x80, v4, vm0, $0xb8;
	[tilespmem:$0x1FC80] =	vst v63  }
0x7a: {  	s30 =	simm.s32 $0x7800;
	s5 =	sor.u32 $0x20, s14  }
0x7b: {  	[tilespmem:s30], [sflag:$0x3] =	stream.indirect_vreg.gather [hbm4b:s1+s31], $0x80, v3, vm0, $0xb8;
	[tilespmem:$0x1FC80] =	vst v63  }
0x7c: {  	v3 =	vld.msk [tilespmem:s5+$0x0], $0xff;
	_ =	sdelay $0x4  }
0x7d: {  	v4 =	vshll.u32 v3, $0x1  }
0x7e: {  	v3 =	vand.u32 $0x7, v3;
	v4 =	vand.u32 $0xFFFFFFF0, v4  }
0x7f: {  	v3 =	vor.u32 v3, v4  }
0x80: {  	v3 =	vperm.xlane v3, v0;
	_ =	sdelay $0x1  }
0x81: {  	v3 =	vadd.s32 v1, v3;
	_ =	sdelay $0x3  }
0x82: {  	s9 =	simm.s32 $0x8000;
	s0 =	smul.u32 $0x28, s0  }
0x83: {  	[tilespmem:s9], [sflag:$0x3] =	stream.indirect_vreg.gather [hbm4b:s1+s31], $0x80, v3, vm0, $0xb8;
	[tilespmem:$0x1FC80] =	vst v63  }
0x84: {  	s13 =	sor.u32 $0x800, s14;
	s5 =	rddreg [dreg:$0x2];
	s9 =	simm.s32 $0x9C00  }
0x85: {  	[tilespmem:s9], [sflag:$0x3] =	stream.indirect.gather [hbm4b:s5+s10], $0x80, s13, s10, $0xb8;
	[tilespmem:$0x1FC80] =	vst v63  }
0x86: {  	s9 =	rddreg [dreg:$0x15]  }
0x87: {  	s0 =	sadd.s32 s9, s0  }
0x88: {  	s24 =	rddreg [dreg:$0x5];
	s22 =	sshll.u32 s0, $0x4  }
0x89: {  	s30 =	simm.s32 $0x1;
	[dreg:$0x1b] =	wrdreg s22;
	s0 =	sadd.s32 s24, s22  }
0x8a: {  	[tilespmem:s12], [sflag:$0x4] =	stream.linear.gather [hbm4b:s0+s31], $0x1400, $0x38;
	[tilespmem:$0x1FC80] =	vst v63  }
0x8b: {  	_ =	swait.ge [sflag:s30], $0x2800  }
0x8c: {  	[sflag:s30] =	ssyncset.done $0x0  }
0x8d: {  	[sflag:s30] =	ssyncadd.s32 $0xFFFFD800  }
0x8e: {  	_ =	swait.ge [sflag:s30], $0x1400  }
0x8f: {  	[sflag:s30] =	ssyncset.done $0x0  }
0x90: {  	s2 =	simm.s32 $0x2;
	[sflag:s30] =	ssyncadd.s32 $0xFFFFEC00  }
0x91: {  	_ =	swait.ge [sflag:s2], $0x1400  }
0x92: {  	s29 =	simm.s32 $0x3880;
	s5 =	sand.u32 $0x3800, s31;
	[sflag:s2] =	ssyncset.done $0x0  }
0x93: {  	s12 =	sand.u32 $0x300, s31;
	s0 =	sadd.s32 $0x1000, s5;
	[sflag:s2] =	ssyncadd.s32 $0xFFFFEC00  }
0x94: {  	s2 =	sor.u32 s12, s0;
	v3 =	vld [tilespmem:s29+$0xFFFFFF80]  }
0x95: {  	v4 =	vld [tilespmem:s2+$0x0];
	_ =	sdelay $0x4  }
0x96: {  	v3 =	vadd.f32 v4, v3;
	_ =	sdelay $0x1  }
0x97: {  	v3 =	vmax.f32 v3, $0.0e+00  }
0x98: {  	[tilespmem:s29+$0xFFFFFF80] =	vst v3;
	v3 =	vld [tilespmem:s29+$0xFFFFFF90]  }
0x99: {  	v4 =	vld [tilespmem:s2+$0x10];
	_ =	sdelay $0x4  }
0x9a: {  	v3 =	vadd.f32 v4, v3;
	_ =	sdelay $0x1  }
0x9b: {  	v3 =	vmax.f32 v3, $0.0e+00  }
0x9c: {  	[tilespmem:s29+$0xFFFFFF90] =	vst v3;
	v3 =	vld [tilespmem:s29+$0xFFFFFFA0]  }
0x9d: {  	v4 =	vld [tilespmem:s2+$0x20];
	_ =	sdelay $0x4  }
0x9e: {  	v3 =	vadd.f32 v4, v3;
	_ =	sdelay $0x1  }
0x9f: {  	v3 =	vmax.f32 v3, $0.0e+00  }
0xa0: {  	[tilespmem:s29+$0xFFFFFFA0] =	vst v3;
	v3 =	vld [tilespmem:s29+$0xFFFFFFB0]  }
0xa1: {  	v4 =	vld [tilespmem:s2+$0x30];
	_ =	sdelay $0x4  }
0xa2: {  	v3 =	vadd.f32 v4, v3;
	_ =	sdelay $0x1  }
0xa3: {  	v3 =	vmax.f32 v3, $0.0e+00  }
0xa4: {  	[tilespmem:s29+$0xFFFFFFB0] =	vst v3;
	v3 =	vld [tilespmem:s29+$0xFFFFFFC0]  }
0xa5: {  	v4 =	vld [tilespmem:s2+$0x40];
	_ =	sdelay $0x4  }
0xa6: {  	v3 =	vadd.f32 v4, v3;
	_ =	sdelay $0x1  }
0xa7: {  	v3 =	vmax.f32 v3, $0.0e+00  }
0xa8: {  	[tilespmem:s29+$0xFFFFFFC0] =	vst v3;
	v3 =	vld [tilespmem:s29+$0xFFFFFFD0]  }
0xa9: {  	v4 =	vld [tilespmem:s2+$0x50];
	_ =	sdelay $0x4  }
0xaa: {  	v3 =	vadd.f32 v4, v3;
	_ =	sdelay $0x1  }
0xab: {  	v3 =	vmax.f32 v3, $0.0e+00  }
0xac: {  	[tilespmem:s29+$0xFFFFFFD0] =	vst v3;
	v3 =	vld [tilespmem:s29+$0xFFFFFFE0]  }
0xad: {  	v4 =	vld [tilespmem:s2+$0x60];
	_ =	sdelay $0x4  }
0xae: {  	v3 =	vadd.f32 v4, v3;
	_ =	sdelay $0x1  }
0xaf: {  	v3 =	vmax.f32 v3, $0.0e+00  }
0xb0: {  	[tilespmem:s29+$0xFFFFFFE0] =	vst v3;
	v3 =	vld [tilespmem:s29+$0xFFFFFFF0]  }
0xb1: {  	v4 =	vld [tilespmem:s2+$0x70];
	_ =	sdelay $0x4  }
0xb2: {  	v3 =	vadd.f32 v4, v3  }
0xb3: {  	s13 =	simm.s32 $0x80  }
0xb4: {  	s2 =	sand.u32 $0x380, s13;
	v3 =	vmax.f32 v3, $0.0e+00  }
0xb5: {  	s0 =	sor.u32 s2, s0;
	[tilespmem:s29+$0xFFFFFFF0] =	vst v3;
	v3 =	vld [tilespmem:s29+$0x0]  }
0xb6: {  	v4 =	vld [tilespmem:s0+$0x0];
	_ =	sdelay $0x4  }
0xb7: {  	v3 =	vadd.f32 v4, v3;
	_ =	sdelay $0x1  }
0xb8: {  	v3 =	vmax.f32 v3, $0.0e+00  }
0xb9: {  	[tilespmem:s29+$0x0] =	vst v3;
	v3 =	vld [tilespmem:s29+$0x10]  }
0xba: {  	v4 =	vld [tilespmem:s0+$0x10];
	_ =	sdelay $0x4  }
0xbb: {  	v3 =	vadd.f32 v4, v3;
	_ =	sdelay $0x1  }
0xbc: {  	v3 =	vmax.f32 v3, $0.0e+00  }
0xbd: {  	[tilespmem:s29+$0x10] =	vst v3;
	v3 =	vld [tilespmem:s29+$0x20]  }
0xbe: {  	v4 =	vld [tilespmem:s0+$0x20];
	_ =	sdelay $0x4  }
0xbf: {  	v3 =	vadd.f32 v4, v3;
	_ =	sdelay $0x1  }
0xc0: {  	v3 =	vmax.f32 v3, $0.0e+00  }
0xc1: {  	[tilespmem:s29+$0x20] =	vst v3;
	v3 =	vld [tilespmem:s29+$0x30]  }
0xc2: {  	v4 =	vld [tilespmem:s0+$0x30];
	_ =	sdelay $0x4  }
0xc3: {  	v3 =	vadd.f32 v4, v3;
	_ =	sdelay $0x1  }
0xc4: {  	v3 =	vmax.f32 v3, $0.0e+00  }
0xc5: {  	[tilespmem:s29+$0x30] =	vst v3;
	v3 =	vld [tilespmem:s29+$0x40]  }
0xc6: {  	v4 =	vld [tilespmem:s0+$0x40];
	_ =	sdelay $0x4  }
0xc7: {  	v3 =	vadd.f32 v4, v3;
	_ =	sdelay $0x1  }
0xc8: {  	v3 =	vmax.f32 v3, $0.0e+00  }
0xc9: {  	[tilespmem:s29+$0x40] =	vst v3;
	v3 =	vld [tilespmem:s29+$0x50]  }
0xca: {  	v4 =	vld [tilespmem:s0+$0x50];
	_ =	sdelay $0x4  }
0xcb: {  	v3 =	vadd.f32 v4, v3;
	_ =	sdelay $0x1  }
0xcc: {  	v3 =	vmax.f32 v3, $0.0e+00  }
0xcd: {  	[tilespmem:s29+$0x50] =	vst v3;
	v3 =	vld [tilespmem:s29+$0x60]  }
0xce: {  	v4 =	vld [tilespmem:s0+$0x60];
	_ =	sdelay $0x4  }
0xcf: {  	v3 =	vadd.f32 v4, v3;
	_ =	sdelay $0x1  }
0xd0: {  	s22 =	smul.u32 $0x19A, s11;
	v3 =	vmax.f32 v3, $0.0e+00  }
0xd1: {  	[tilespmem:s29+$0x60] =	vst v3;
	v3 =	vld [tilespmem:s29+$0x70]  }
0xd2: {  	s2 =	sshrl.u32 s22, $0xB;
	v4 =	vld [tilespmem:s0+$0x70]  }
0xd3: {  	s30 =	smul.u32 $0x50, s11;
	s2 =	sand.u32 $0x1F, s2  }
0xd4: {  	s24 =	smul.u32 $0xA, s2  }
0xd5: {  	s2 =	sshll.u32 s11, $0x1  }
0xd6: {  	s5 =	simm.s32 $0x200;
	s9 =	sadd.s32 s9, s30;
	s0 =	ssub.s32 s2, s24  }
0xd7: {  	s12 =	simm.s32 $0x0;
	s13 =	simm.s32 $0x3980;
	s0 =	sand.u32 $0xFE, s0;
	v3 =	vadd.f32 v4, v3  }
.LBB2_3:
0xd8: {  	s22 =	sand.u32 $0x3800, s5;
	s12 =	sadd.s32 $0x2, s12;
	s31 =	sadd.s32 $0x100, s31  }
0xd9: {  	s24 =	sand.u32 $0x300, s31;
	s30 =	sadd.s32 $0x1000, s22;
	p2 =	slt.u32 s12, $0x26;
	v3 =	vmax.f32 v3, $0.0e+00  }
0xda: {  	v4 =	vld [tilespmem:s13+$0xFFFFFF80];
	s22 =	sor.u32 s24, s30;
	[tilespmem:s29+$0x70] =	vst v3;
	s29 =	smov.u32 s13  }
0xdb: {  	v3 =	vld [tilespmem:s22+$0x0];
	_ =	sdelay $0x4  }
0xdc: {  	v3 =	vadd.f32 v3, v4;
	_ =	sdelay $0x1  }
0xdd: {  	v3 =	vmax.f32 v3, $0.0e+00  }
0xde: {  	[tilespmem:s13+$0xFFFFFF80] =	vst v3;
	v3 =	vld [tilespmem:s13+$0xFFFFFF90]  }
0xdf: {  	v4 =	vld [tilespmem:s22+$0x10];
	_ =	sdelay $0x4  }
0xe0: {  	v3 =	vadd.f32 v4, v3;
	_ =	sdelay $0x1  }
0xe1: {  	v3 =	vmax.f32 v3, $0.0e+00  }
0xe2: {  	[tilespmem:s13+$0xFFFFFF90] =	vst v3;
	v3 =	vld [tilespmem:s13+$0xFFFFFFA0]  }
0xe3: {  	v4 =	vld [tilespmem:s22+$0x20];
	_ =	sdelay $0x4  }
0xe4: {  	v3 =	vadd.f32 v4, v3;
	_ =	sdelay $0x1  }
0xe5: {  	v3 =	vmax.f32 v3, $0.0e+00  }
0xe6: {  	[tilespmem:s13+$0xFFFFFFA0] =	vst v3;
	v3 =	vld [tilespmem:s13+$0xFFFFFFB0]  }
0xe7: {  	v4 =	vld [tilespmem:s22+$0x30];
	_ =	sdelay $0x4  }
0xe8: {  	v3 =	vadd.f32 v4, v3;
	_ =	sdelay $0x1  }
0xe9: {  	v3 =	vmax.f32 v3, $0.0e+00  }
0xea: {  	[tilespmem:s13+$0xFFFFFFB0] =	vst v3;
	v3 =	vld [tilespmem:s13+$0xFFFFFFC0]  }
0xeb: {  	v4 =	vld [tilespmem:s22+$0x40];
	_ =	sdelay $0x4  }
0xec: {  	v3 =	vadd.f32 v4, v3;
	_ =	sdelay $0x1  }
0xed: {  	v3 =	vmax.f32 v3, $0.0e+00  }
0xee: {  	[tilespmem:s13+$0xFFFFFFC0] =	vst v3;
	v3 =	vld [tilespmem:s13+$0xFFFFFFD0]  }
0xef: {  	v4 =	vld [tilespmem:s22+$0x50];
	_ =	sdelay $0x4  }
0xf0: {  	v3 =	vadd.f32 v4, v3;
	_ =	sdelay $0x1  }
0xf1: {  	v3 =	vmax.f32 v3, $0.0e+00  }
0xf2: {  	[tilespmem:s13+$0xFFFFFFD0] =	vst v3;
	v3 =	vld [tilespmem:s13+$0xFFFFFFE0]  }
0xf3: {  	v4 =	vld [tilespmem:s22+$0x60];
	_ =	sdelay $0x4  }
0xf4: {  	v3 =	vadd.f32 v4, v3;
	_ =	sdelay $0x1  }
0xf5: {  	v3 =	vmax.f32 v3, $0.0e+00  }
0xf6: {  	[tilespmem:s13+$0xFFFFFFE0] =	vst v3;
	v3 =	vld [tilespmem:s13+$0xFFFFFFF0]  }
0xf7: {  	v4 =	vld [tilespmem:s22+$0x70];
	_ =	sdelay $0x4  }
0xf8: {  	v3 =	vadd.f32 v4, v3  }
0xf9: {  	s22 =	sadd.s32 $0x80, s31  }
0xfa: {  	s22 =	sand.u32 $0x380, s22;
	v3 =	vmax.f32 v3, $0.0e+00  }
0xfb: {  	s22 =	sor.u32 s22, s30;
	[tilespmem:s13+$0xFFFFFFF0] =	vst v3;
	v3 =	vld [tilespmem:s13+$0x0]  }
0xfc: {  	v4 =	vld [tilespmem:s22+$0x0];
	_ =	sdelay $0x4  }
0xfd: {  	v3 =	vadd.f32 v4, v3;
	_ =	sdelay $0x1  }
0xfe: {  	v3 =	vmax.f32 v3, $0.0e+00  }
0xff: {  	[tilespmem:s13+$0x0] =	vst v3;
	v3 =	vld [tilespmem:s13+$0x10]  }
0x100: {  	v4 =	vld [tilespmem:s22+$0x10];
	_ =	sdelay $0x4  }
0x101: {  	v3 =	vadd.f32 v4, v3;
	_ =	sdelay $0x1  }
0x102: {  	v3 =	vmax.f32 v3, $0.0e+00  }
0x103: {  	[tilespmem:s13+$0x10] =	vst v3;
	v3 =	vld [tilespmem:s13+$0x20]  }
0x104: {  	v4 =	vld [tilespmem:s22+$0x20];
	_ =	sdelay $0x4  }
0x105: {  	v3 =	vadd.f32 v4, v3;
	_ =	sdelay $0x1  }
0x106: {  	v3 =	vmax.f32 v3, $0.0e+00  }
0x107: {  	[tilespmem:s13+$0x20] =	vst v3;
	v3 =	vld [tilespmem:s13+$0x30]  }
0x108: {  	v4 =	vld [tilespmem:s22+$0x30];
	_ =	sdelay $0x4  }
0x109: {  	v3 =	vadd.f32 v4, v3;
	_ =	sdelay $0x1  }
0x10a: {  	v3 =	vmax.f32 v3, $0.0e+00  }
0x10b: {  	[tilespmem:s13+$0x30] =	vst v3;
	v3 =	vld [tilespmem:s13+$0x40]  }
0x10c: {  	v4 =	vld [tilespmem:s22+$0x40];
	_ =	sdelay $0x4  }
0x10d: {  	v3 =	vadd.f32 v4, v3;
	_ =	sdelay $0x1  }
0x10e: {  	v3 =	vmax.f32 v3, $0.0e+00  }
0x10f: {  	[tilespmem:s13+$0x40] =	vst v3;
	v3 =	vld [tilespmem:s13+$0x50]  }
0x110: {  	v4 =	vld [tilespmem:s22+$0x50];
	_ =	sdelay $0x4  }
0x111: {  	v3 =	vadd.f32 v4, v3;
	_ =	sdelay $0x1  }
0x112: {  	v3 =	vmax.f32 v3, $0.0e+00  }
0x113: {  	[tilespmem:s13+$0x50] =	vst v3;
	v3 =	vld [tilespmem:s13+$0x60]  }
0x114: {  	v4 =	vld [tilespmem:s22+$0x60];
	_ =	sdelay $0x4  }
0x115: {  	v3 =	vadd.f32 v4, v3;
	_ =	sdelay $0x1  }
0x116: {  	v3 =	vmax.f32 v3, $0.0e+00  }
0x117: {  	[tilespmem:s13+$0x60] =	vst v3;
	v3 =	vld [tilespmem:s13+$0x70]  }
0x118: {  	v4 =	vld [tilespmem:s22+$0x70]  }
.Ltmp2:
0x119: {  	(pc) =	sbr.rel @p2 .LBB2_3-.Ltmp2, $2  }
0x11a: {  	_ =	sdelay $0x2  }
0x11b: {  	s5 =	sadd.s32 $0x200, s5;
	s13 =	sadd.s32 $0x100, s13;
	v3 =	vadd.f32 v4, v3  }
0x11c: {  	_ = 	snop  }
0x11d: {  	s0 =	sshll.u32 s0, $0x7;
	v3 =	vmax.f32 v3, $0.0e+00  }
0x11e: {  	s0 =	sadd.s32 $0x800, s0;
	[tilespmem:s29+$0x70] =	vst v3  }
0x11f: {  	[spmem:s3] =	stream.indirect.scatter.add.f32 [tilespmem:s16], [sflag:$0x6], $0x80, s0, s10, $0xb8;
	[tilespmem:$0x1FC80] =	vst v63  }
0x120: {  	s0 =	simm.s32 @!p1 $0x7  }
0x121: {  	_ =	swait.ge @!p1 [sflag:s0], $0x1400  }
0x122: {  	[sflag:s0] =	ssyncset.done @!p1 $0x0  }
0x123: {  	[sflag:s0] =	ssyncadd.s32 @!p1 $0xFFFFEC00  }
0x124: {  	v3 =	vld [tilespmem:$0x1400]  }
0x125: {  	v4 =	vld [tilespmem:$0x4C00]  }
0x126: {  	v5 =	vld [tilespmem:$0x1480]  }
0x127: {  	v6 =	vld [tilespmem:$0x4C80]  }
0x128: {  	v7 =	vld [tilespmem:$0x1500]  }
0x129: {  	v8 =	vld [tilespmem:$0x4D00]  }
0x12a: {  	v9 =	vld [tilespmem:$0x1580]  }
0x12b: {  	v10 =	vld [tilespmem:$0x4D80]  }
0x12c: {  	v11 =	vld [tilespmem:$0x1600]  }
0x12d: {  	v12 =	vld [tilespmem:$0x4E00]  }
0x12e: {  	v13 =	vld [tilespmem:$0x1680]  }
0x12f: {  	v14 =	vld [tilespmem:$0x4E80]  }
0x130: {  	v15 =	vld [tilespmem:$0x1700]  }
0x131: {  	v16 =	vld [tilespmem:$0x4F00]  }
0x132: {  	v17 =	vld [tilespmem:$0x1780]  }
0x133: {  	v18 =	vld [tilespmem:$0x4F80]  }
0x134: {  	v19 =	vld [tilespmem:$0x1C00]  }
0x135: {  	v20 =	vld [tilespmem:$0x5000]  }
0x136: {  	v21 =	vld [tilespmem:$0x1C80]  }
0x137: {  	v22 =	vld [tilespmem:$0x5080]  }
0x138: {  	v23 =	vld [tilespmem:$0x1D00]  }
0x139: {  	v24 =	vld [tilespmem:$0x5100]  }
0x13a: {  	v25 =	vld [tilespmem:$0x1D80]  }
0x13b: {  	v26 =	vld [tilespmem:$0x5180]  }
0x13c: {  	v27 =	vld [tilespmem:$0x1E00]  }
0x13d: {  	v28 =	vld [tilespmem:$0x5200]  }
0x13e: {  	v29 =	vld [tilespmem:$0x1E80]  }
0x13f: {  	v30 =	vld [tilespmem:$0x5280]  }
0x140: {  	v31 =	vld [tilespmem:$0x1F00]  }
0x141: {  	v32 =	vld [tilespmem:$0x5300]  }
0x142: {  	v33 =	vld [tilespmem:$0x1F80]  }
0x143: {  	v34 =	vld [tilespmem:$0x5380]  }
0x144: {  	v35 =	vld [tilespmem:$0x2400]  }
0x145: {  	v36 =	vld [tilespmem:$0x5400]  }
0x146: {  	v37 =	vld [tilespmem:$0x2480]  }
0x147: {  	v38 =	vld [tilespmem:$0x5480]  }
0x148: {  	v39 =	vld [tilespmem:$0x2500]  }
0x149: {  	v40 =	vld [tilespmem:$0x5500]  }
0x14a: {  	v41 =	vld [tilespmem:$0x2580]  }
0x14b: {  	v42 =	vld [tilespmem:$0x5580]  }
0x14c: {  	v43 =	vld [tilespmem:$0x2600]  }
0x14d: {  	v44 =	vld [tilespmem:$0x5600]  }
0x14e: {  	v45 =	vld [tilespmem:$0x2680]  }
0x14f: {  	v46 =	vld [tilespmem:$0x5680]  }
0x150: {  	v47 =	vld [tilespmem:$0x2700]  }
0x151: {  	v53 =	vld [tilespmem:$0x2780];
	v3 =	vadd.f32 v4, v3  }
0x152: {  	v54 =	vld [tilespmem:$0x5780];
	v5 =	vadd.f32 v6, v5  }
0x153: {  	v55 =	vld [tilespmem:$0x2C00];
	[tilespmem:$0xB000] =	vst v3;
	v3 =	vadd.f32 v8, v7  }
0x154: {  	v56 =	vld [tilespmem:$0x5800];
	[tilespmem:$0xB080] =	vst v5;
	v5 =	vadd.f32 v10, v9  }
0x155: {  	v57 =	vld [tilespmem:$0x2C80];
	[tilespmem:$0xB100] =	vst v3;
	v3 =	vadd.f32 v12, v11  }
0x156: {  	v58 =	vld [tilespmem:$0x5880];
	[tilespmem:$0xB180] =	vst v5;
	v5 =	vadd.f32 v14, v13  }
0x157: {  	v59 =	vld [tilespmem:$0x2D00];
	[tilespmem:$0xB200] =	vst v3;
	v3 =	vadd.f32 v16, v15  }
0x158: {  	v60 =	vld [tilespmem:$0x5900];
	[tilespmem:$0xB280] =	vst v5;
	v5 =	vadd.f32 v18, v17  }
0x159: {  	v61 =	vld [tilespmem:$0x2D80];
	[tilespmem:$0xB300] =	vst v3;
	v3 =	vadd.f32 v20, v19  }
0x15a: {  	v62 =	vld [tilespmem:$0x5980];
	[tilespmem:$0xB380] =	vst v5;
	v5 =	vadd.f32 v22, v21  }
0x15b: {  	v63 =	vld [tilespmem:$0x2E00];
	[tilespmem:$0xB400] =	vst v3;
	v3 =	vadd.f32 v24, v23  }
0x15c: {  	v48 =	vld [tilespmem:$0x2F80];
	[tilespmem:$0xB480] =	vst v5;
	v5 =	vadd.f32 v26, v25  }
0x15d: {  	v49 =	vld [tilespmem:$0x5B80];
	[tilespmem:$0xB500] =	vst v3;
	v3 =	vadd.f32 v28, v27  }
0x15e: {  	v50 =	vld [tilespmem:$0x3400];
	[tilespmem:$0xB580] =	vst v5;
	v5 =	vadd.f32 v30, v29  }
0x15f: {  	v51 =	vld [tilespmem:$0x5C00];
	[tilespmem:$0xB600] =	vst v3;
	v3 =	vadd.f32 v32, v31  }
0x160: {  	v52 =	vld [tilespmem:$0x3480];
	[tilespmem:$0xB680] =	vst v5;
	v5 =	vadd.f32 v34, v33  }
0x161: {  	v4 =	vld [tilespmem:$0x5700];
	[tilespmem:$0xB700] =	vst v3;
	v3 =	vadd.f32 v36, v35  }
0x162: {  	v28 =	vld [tilespmem:$0x5A00];
	[tilespmem:$0xB780] =	vst v5;
	v5 =	vadd.f32 v38, v37  }
0x163: {  	v30 =	vld [tilespmem:$0x2E80];
	[tilespmem:$0xB800] =	vst v3;
	v3 =	vadd.f32 v40, v39  }
0x164: {  	v32 =	vld [tilespmem:$0x5A80];
	[tilespmem:$0xB880] =	vst v5;
	v5 =	vadd.f32 v42, v41  }
0x165: {  	v34 =	vld [tilespmem:$0x2F00];
	[tilespmem:$0xB900] =	vst v3;
	v3 =	vadd.f32 v44, v43  }
0x166: {  	v36 =	vld [tilespmem:$0x5B00];
	[tilespmem:$0xB980] =	vst v5;
	v5 =	vadd.f32 v46, v45  }
0x167: {  	[tilespmem:$0xBA00] =	vst v3;
	v3 =	vadd.f32 v4, v47;
	v4 =	vld [tilespmem:$0x5C80]  }
0x168: {  	[tilespmem:$0xBA80] =	vst v5;
	v5 =	vadd.f32 v54, v53;
	v53 =	vld [tilespmem:$0x3500]  }
0x169: {  	v54 =	vld [tilespmem:$0x5D00];
	[tilespmem:$0xBB00] =	vst v3;
	v3 =	vadd.f32 v56, v55  }
0x16a: {  	[tilespmem:$0xBB80] =	vst v5;
	v5 =	vadd.f32 v58, v57;
	v55 =	vld [tilespmem:$0x3580]  }
0x16b: {  	v56 =	vld [tilespmem:$0x5D80];
	[tilespmem:$0xBC00] =	vst v3;
	v3 =	vadd.f32 v60, v59  }
0x16c: {  	v57 =	vld [tilespmem:$0x3600];
	[tilespmem:$0xBC80] =	vst v5;
	v5 =	vadd.f32 v62, v61  }
0x16d: {  	v58 =	vld [tilespmem:$0x5E00];
	[tilespmem:$0xBD00] =	vst v3;
	v3 =	vadd.f32 v28, v63  }
0x16e: {  	v59 =	vld [tilespmem:$0x3680];
	[tilespmem:$0xBD80] =	vst v5;
	v5 =	vadd.f32 v32, v30  }
0x16f: {  	v60 =	vld [tilespmem:$0x5E80];
	[tilespmem:$0xBE00] =	vst v3;
	v3 =	vadd.f32 v36, v34  }
0x170: {  	v61 =	vld [tilespmem:$0x3700];
	[tilespmem:$0xBE80] =	vst v5;
	v5 =	vadd.f32 v49, v48  }
0x171: {  	v4 =	vadd.f32 v4, v52;
	v63 =	vld [tilespmem:$0x5F80];
	[tilespmem:$0xBF00] =	vst v3  }
0x172: {  	v3 =	vadd.f32 v51, v50;
	[tilespmem:$0xBF80] =	vst v5;
	v5 =	vld [tilespmem:$0x3780]  }
0x173: {  	v62 =	vld [tilespmem:$0x5F00];
	[tilespmem:$0xC080] =	vst v4;
	v4 =	vadd.f32 v56, v55  }
0x174: {  	s2 =	sadd.s32 $0x2, s2;
	[tilespmem:$0xC000] =	vst v3;
	v3 =	vadd.f32 v54, v53  }
0x175: {  	s22 =	smulhi.u32 $0x66666667, s2;
	[tilespmem:$0xC180] =	vst v4;
	v4 =	vadd.f32 v60, v59  }
0x176: {  	[tilespmem:$0xC100] =	vst v3;
	v3 =	vadd.f32 v58, v57  }
0x177: {  	s5 =	sshll.u32 s9, $0x4;
	s9 =	sshrl.u32 s22, $0x2;
	[tilespmem:$0xC280] =	vst v4;
	v4 =	vadd.f32 v63, v5  }
0x178: {  	s30 =	smul.u32 $0xA, s9;
	s24 =	rddreg [dreg:$0xb];
	[tilespmem:$0xC200] =	vst v3;
	v3 =	vadd.f32 v62, v61  }
0x179: {  	s12 =	simm.s32 $0xB000;
	s0 =	sadd.s32 s24, s5;
	[tilespmem:$0xC380] =	vst v4  }
0x17a: {  	p1 =	seq.s32 s11, $0x7C;
	s31 =	ssub.s32 s2, s30;
	s5 =	simm.s32 $0x6;
	[tilespmem:$0xC300] =	vst v3  }
0x17b: {  	[hbm4b:s0+s4] =	stream.linear.scatter [tilespmem:s12], [sflag:$0x7], $0x1400, $0x38;
	[tilespmem:$0x1FC80] =	vst v63  }
0x17c: {  	p2 =	seq.s32 @!p1 s31, $0x0;
	_ =	swait.ge [sflag:s5], $0x1400  }
0x17d: {  	p2 =	por p2, p1;
	[sflag:s5] =	ssyncset.done $0x0  }
0x17e: {  	s0 =	sshll.u32 @!p2 s31, $0x7;
	[sflag:s5] =	ssyncadd.s32 $0xFFFFEC00  }
0x17f: {  	v3 =	vld @!p2 [tilespmem:s0+$0x0];
	_ =	sdelay $0x4  }
0x180: {  	v4 =	vshll.u32 @!p2 v3, $0x1  }
0x181: {  	v5 =	vlaneseq.u32 @!p2;
	v3 =	vand.u32 @!p2 $0x7, v3;
	v4 =	vand.u32 @!p2 $0xFFFFFFF0, v4  }
0x182: {  	v6 =	vshrl.u32 @!p2 v5, $0x3;
	v3 =	vor.u32 @!p2 v3, v4;
	v4 =	vand.u32 @!p2 $0x7, v5  }
0x183: {  	v6 =	vmul.u32 @!p2 $0x8, v6;
	v7 =	vperm.xlane @!p2 v3, v4  }
0x184: {  	v5 =	vor.u32 @!p2 $0x8, v5  }
0x185: {  	v3 =	vperm.xlane @!p2 v3, v5;
	v7 =	vadd.s32 @!p2 v6, v7;
	_ =	sdelay $0x1  }
0x186: {  	v3 =	vadd.s32 @!p2 v6, v3;
	_ =	sdelay $0x1  }
0x187: {  	vm1 =	vmmov @!p2 $0xffff;
	s12 =	simm.s32 @!p2 $0x1000;
	s5 =	simm.s32 @!p2 $0x0  }
0x188: {  	[tilespmem:s12], [sflag:$0x1] =	stream.indirect_vreg.gather @!p2 [hbm4b:s1+s5], $0x80, v7, vm1, $0xb8;
	[tilespmem:$0x1FC80] =	vst v63  }
0x189: {  	s12 =	simm.s32 @!p2 $0x1800  }
0x18a: {  	[tilespmem:s12], [sflag:$0x1] =	stream.indirect_vreg.gather @!p2 [hbm4b:s1+s5], $0x80, v3, vm1, $0xb8;
	[tilespmem:$0x1FC80] =	vst v63  }
0x18b: {  	v3 =	vld @!p2 [tilespmem:s0+$0x10];
	_ =	sdelay $0x4  }
0x18c: {  	v7 =	vshll.u32 @!p2 v3, $0x1  }
0x18d: {  	v3 =	vand.u32 @!p2 $0x7, v3;
	v7 =	vand.u32 @!p2 $0xFFFFFFF0, v7  }
0x18e: {  	v3 =	vor.u32 @!p2 v3, v7  }
0x18f: {  	v7 =	vperm.xlane @!p2 v3, v4;
	_ =	sdelay $0x1  }
0x190: {  	v3 =	vperm.xlane @!p2 v3, v5;
	v7 =	vadd.s32 @!p2 v6, v7;
	_ =	sdelay $0x1  }
0x191: {  	v3 =	vadd.s32 @!p2 v6, v3;
	_ =	sdelay $0x1  }
0x192: {  	s12 =	simm.s32 @!p2 $0x2000  }
0x193: {  	[tilespmem:s12], [sflag:$0x1] =	stream.indirect_vreg.gather @!p2 [hbm4b:s1+s5], $0x80, v7, vm1, $0xb8;
	[tilespmem:$0x1FC80] =	vst v63  }
0x194: {  	s12 =	simm.s32 @!p2 $0x2800  }
0x195: {  	[tilespmem:s12], [sflag:$0x1] =	stream.indirect_vreg.gather @!p2 [hbm4b:s1+s5], $0x80, v3, vm1, $0xb8;
	[tilespmem:$0x1FC80] =	vst v63  }
0x196: {  	s12 =	sor.u32 @!p2 $0x20, s0  }
0x197: {  	v3 =	vld.msk @!p2 [tilespmem:s12+$0x0], $0xff;
	_ =	sdelay $0x4  }
0x198: {  	v5 =	vshll.u32 @!p2 v3, $0x1  }
0x199: {  	v3 =	vand.u32 @!p2 $0x7, v3;
	v5 =	vand.u32 @!p2 $0xFFFFFFF0, v5  }
0x19a: {  	v3 =	vor.u32 @!p2 v3, v5  }
0x19b: {  	v3 =	vperm.xlane @!p2 v3, v4;
	_ =	sdelay $0x1  }
0x19c: {  	v3 =	vadd.s32 @!p2 v6, v3;
	_ =	sdelay $0x3  }
0x19d: {  	s13 =	simm.s32 @!p2 $0x4C00;
	s22 =	smul.u32 @!p2 $0x28, s2;
	s12 =	simm.s32 @!p2 $0x3000  }
0x19e: {  	[tilespmem:s12], [sflag:$0x1] =	stream.indirect_vreg.gather @!p2 [hbm4b:s1+s5], $0x80, v3, vm1, $0xb8;
	[tilespmem:$0x1FC80] =	vst v63  }
0x19f: {  	s24 =	rddreg [dreg:$0x2];
	s0 =	sadd.s32 @!p2 $0x800, s0;
	s12 =	simm.s32 @!p2 $0x28  }
0x1a0: {  	[tilespmem:s13], [sflag:$0x1] =	stream.indirect.gather @!p2 [hbm4b:s24+s12], $0x80, s0, s12, $0xb8;
	[tilespmem:$0x1FC80] =	vst v63  }
0x1a1: {  	s0 =	rddreg [dreg:$0x15]  }
0x1a2: {  	s0 =	sadd.s32 @!p2 s0, s22  }
0x1a3: {  	s12 =	rddreg [dreg:$0x5];
	s0 =	sshll.u32 @!p2 s0, $0x4  }
0x1a4: {  	s0 =	sadd.s32 @!p2 s12, s0;
	s12 =	simm.s32 @!p2 $0x3800  }
0x1a5: {  	[tilespmem:s12], [sflag:$0x2] =	stream.linear.gather @!p2 [hbm4b:s0+s5], $0x1400, $0x38;
	[tilespmem:$0x1FC80] =	vst v63  }
0x1a6: {  	s12 =	simm.s32 $0x3  }
0x1a7: {  	_ =	swait.ge [sflag:s12], $0x2800  }
0x1a8: {  	[sflag:s12] =	ssyncset.done $0x0  }
0x1a9: {  	[sflag:s12] =	ssyncadd.s32 $0xFFFFD800  }
0x1aa: {  	_ =	swait.ge [sflag:s12], $0x1400  }
0x1ab: {  	[sflag:s12] =	ssyncset.done $0x0  }
0x1ac: {  	s13 =	simm.s32 $0x4;
	[sflag:s12] =	ssyncadd.s32 $0xFFFFEC00  }
0x1ad: {  	s29 =	simm.s32 $0x0;
	_ =	swait.ge [sflag:s13], $0x1400  }
0x1ae: {  	s24 =	sand.u32 $0x300, s29;
	s22 =	sand.u32 $0x3800, s29;
	[sflag:s13] =	ssyncset.done $0x0  }
0x1af: {  	s0 =	simm.s32 $0x8880;
	s5 =	sadd.s32 $0x6000, s22;
	[sflag:s13] =	ssyncadd.s32 $0xFFFFEC00  }
0x1b0: {  	s12 =	sor.u32 s24, s5;
	v3 =	vld [tilespmem:s0+$0xFFFFFF80]  }
0x1b1: {  	v4 =	vld [tilespmem:s12+$0x0];
	_ =	sdelay $0x4  }
0x1b2: {  	v3 =	vadd.f32 v4, v3;
	_ =	sdelay $0x1  }
0x1b3: {  	v3 =	vmax.f32 v3, $0.0e+00  }
0x1b4: {  	[tilespmem:s0+$0xFFFFFF80] =	vst v3;
	v3 =	vld [tilespmem:s0+$0xFFFFFF90]  }
0x1b5: {  	v4 =	vld [tilespmem:s12+$0x10];
	_ =	sdelay $0x4  }
0x1b6: {  	v3 =	vadd.f32 v4, v3;
	_ =	sdelay $0x1  }
0x1b7: {  	v3 =	vmax.f32 v3, $0.0e+00  }
0x1b8: {  	[tilespmem:s0+$0xFFFFFF90] =	vst v3;
	v3 =	vld [tilespmem:s0+$0xFFFFFFA0]  }
0x1b9: {  	v4 =	vld [tilespmem:s12+$0x20];
	_ =	sdelay $0x4  }
0x1ba: {  	v3 =	vadd.f32 v4, v3;
	_ =	sdelay $0x1  }
0x1bb: {  	v3 =	vmax.f32 v3, $0.0e+00  }
0x1bc: {  	[tilespmem:s0+$0xFFFFFFA0] =	vst v3;
	v3 =	vld [tilespmem:s0+$0xFFFFFFB0]  }
0x1bd: {  	v4 =	vld [tilespmem:s12+$0x30];
	_ =	sdelay $0x4  }
0x1be: {  	v3 =	vadd.f32 v4, v3;
	_ =	sdelay $0x1  }
0x1bf: {  	v3 =	vmax.f32 v3, $0.0e+00  }
0x1c0: {  	[tilespmem:s0+$0xFFFFFFB0] =	vst v3;
	v3 =	vld [tilespmem:s0+$0xFFFFFFC0]  }
0x1c1: {  	v4 =	vld [tilespmem:s12+$0x40];
	_ =	sdelay $0x4  }
0x1c2: {  	v3 =	vadd.f32 v4, v3;
	_ =	sdelay $0x1  }
0x1c3: {  	v3 =	vmax.f32 v3, $0.0e+00  }
0x1c4: {  	[tilespmem:s0+$0xFFFFFFC0] =	vst v3;
	v3 =	vld [tilespmem:s0+$0xFFFFFFD0]  }
0x1c5: {  	v4 =	vld [tilespmem:s12+$0x50];
	_ =	sdelay $0x4  }
0x1c6: {  	v3 =	vadd.f32 v4, v3;
	_ =	sdelay $0x1  }
0x1c7: {  	v3 =	vmax.f32 v3, $0.0e+00  }
0x1c8: {  	[tilespmem:s0+$0xFFFFFFD0] =	vst v3;
	v3 =	vld [tilespmem:s0+$0xFFFFFFE0]  }
0x1c9: {  	v4 =	vld [tilespmem:s12+$0x60];
	_ =	sdelay $0x4  }
0x1ca: {  	v3 =	vadd.f32 v4, v3;
	_ =	sdelay $0x1  }
0x1cb: {  	v3 =	vmax.f32 v3, $0.0e+00  }
0x1cc: {  	[tilespmem:s0+$0xFFFFFFE0] =	vst v3;
	v3 =	vld [tilespmem:s0+$0xFFFFFFF0]  }
0x1cd: {  	v4 =	vld [tilespmem:s12+$0x70];
	_ =	sdelay $0x4  }
0x1ce: {  	v3 =	vadd.f32 v4, v3  }
0x1cf: {  	s30 =	simm.s32 $0x80  }
0x1d0: {  	s12 =	sand.u32 $0x380, s30;
	v3 =	vmax.f32 v3, $0.0e+00  }
0x1d1: {  	s5 =	sor.u32 s12, s5;
	[tilespmem:s0+$0xFFFFFFF0] =	vst v3;
	v3 =	vld [tilespmem:s0+$0x0]  }
0x1d2: {  	v4 =	vld [tilespmem:s5+$0x0];
	_ =	sdelay $0x4  }
0x1d3: {  	v3 =	vadd.f32 v4, v3;
	_ =	sdelay $0x1  }
0x1d4: {  	v3 =	vmax.f32 v3, $0.0e+00  }
0x1d5: {  	[tilespmem:s0+$0x0] =	vst v3;
	v3 =	vld [tilespmem:s0+$0x10]  }
0x1d6: {  	v4 =	vld [tilespmem:s5+$0x10];
	_ =	sdelay $0x4  }
0x1d7: {  	v3 =	vadd.f32 v4, v3;
	_ =	sdelay $0x1  }
0x1d8: {  	v3 =	vmax.f32 v3, $0.0e+00  }
0x1d9: {  	[tilespmem:s0+$0x10] =	vst v3;
	v3 =	vld [tilespmem:s0+$0x20]  }
0x1da: {  	v4 =	vld [tilespmem:s5+$0x20];
	_ =	sdelay $0x4  }
0x1db: {  	v3 =	vadd.f32 v4, v3;
	_ =	sdelay $0x1  }
0x1dc: {  	v3 =	vmax.f32 v3, $0.0e+00  }
0x1dd: {  	[tilespmem:s0+$0x20] =	vst v3;
	v3 =	vld [tilespmem:s0+$0x30]  }
0x1de: {  	v4 =	vld [tilespmem:s5+$0x30];
	_ =	sdelay $0x4  }
0x1df: {  	v3 =	vadd.f32 v4, v3;
	_ =	sdelay $0x1  }
0x1e0: {  	v3 =	vmax.f32 v3, $0.0e+00  }
0x1e1: {  	[tilespmem:s0+$0x30] =	vst v3;
	v3 =	vld [tilespmem:s0+$0x40]  }
0x1e2: {  	v4 =	vld [tilespmem:s5+$0x40];
	_ =	sdelay $0x4  }
0x1e3: {  	v3 =	vadd.f32 v4, v3;
	_ =	sdelay $0x1  }
0x1e4: {  	v3 =	vmax.f32 v3, $0.0e+00  }
0x1e5: {  	[tilespmem:s0+$0x40] =	vst v3;
	v3 =	vld [tilespmem:s0+$0x50]  }
0x1e6: {  	v4 =	vld [tilespmem:s5+$0x50];
	_ =	sdelay $0x4  }
0x1e7: {  	v3 =	vadd.f32 v4, v3;
	_ =	sdelay $0x1  }
0x1e8: {  	v3 =	vmax.f32 v3, $0.0e+00  }
0x1e9: {  	[tilespmem:s0+$0x50] =	vst v3;
	v3 =	vld [tilespmem:s0+$0x60]  }
0x1ea: {  	v4 =	vld [tilespmem:s5+$0x60];
	_ =	sdelay $0x4  }
0x1eb: {  	v3 =	vadd.f32 v4, v3;
	_ =	sdelay $0x1  }
0x1ec: {  	v3 =	vmax.f32 v3, $0.0e+00  }
0x1ed: {  	[tilespmem:s0+$0x60] =	vst v3;
	v3 =	vld [tilespmem:s0+$0x70]  }
0x1ee: {  	v4 =	vld [tilespmem:s5+$0x70];
	_ =	sdelay $0x4  }
0x1ef: {  	s13 =	simm.s32 $0x8980;
	s12 =	simm.s32 $0x0;
	s5 =	simm.s32 $0x200;
	v3 =	vadd.f32 v4, v3  }
.LBB2_5:
0x1f0: {  	s22 =	sand.u32 $0x3800, s5;
	s12 =	sadd.s32 $0x2, s12;
	s29 =	sadd.s32 $0x100, s29  }
0x1f1: {  	s24 =	sand.u32 $0x300, s29;
	s30 =	sadd.s32 $0x6000, s22;
	p2 =	slt.u32 s12, $0x26;
	v3 =	vmax.f32 v3, $0.0e+00  }
0x1f2: {  	v4 =	vld [tilespmem:s13+$0xFFFFFF80];
	s22 =	sor.u32 s24, s30;
	[tilespmem:s0+$0x70] =	vst v3;
	s0 =	smov.u32 s13  }
0x1f3: {  	v3 =	vld [tilespmem:s22+$0x0];
	_ =	sdelay $0x4  }
0x1f4: {  	v3 =	vadd.f32 v3, v4;
	_ =	sdelay $0x1  }
0x1f5: {  	v3 =	vmax.f32 v3, $0.0e+00  }
0x1f6: {  	[tilespmem:s13+$0xFFFFFF80] =	vst v3;
	v3 =	vld [tilespmem:s13+$0xFFFFFF90]  }
0x1f7: {  	v4 =	vld [tilespmem:s22+$0x10];
	_ =	sdelay $0x4  }
0x1f8: {  	v3 =	vadd.f32 v4, v3;
	_ =	sdelay $0x1  }
0x1f9: {  	v3 =	vmax.f32 v3, $0.0e+00  }
0x1fa: {  	[tilespmem:s13+$0xFFFFFF90] =	vst v3;
	v3 =	vld [tilespmem:s13+$0xFFFFFFA0]  }
0x1fb: {  	v4 =	vld [tilespmem:s22+$0x20];
	_ =	sdelay $0x4  }
0x1fc: {  	v3 =	vadd.f32 v4, v3;
	_ =	sdelay $0x1  }
0x1fd: {  	v3 =	vmax.f32 v3, $0.0e+00  }
0x1fe: {  	[tilespmem:s13+$0xFFFFFFA0] =	vst v3;
	v3 =	vld [tilespmem:s13+$0xFFFFFFB0]  }
0x1ff: {  	v4 =	vld [tilespmem:s22+$0x30];
	_ =	sdelay $0x4  }
0x200: {  	v3 =	vadd.f32 v4, v3;
	_ =	sdelay $0x1  }
0x201: {  	v3 =	vmax.f32 v3, $0.0e+00  }
0x202: {  	[tilespmem:s13+$0xFFFFFFB0] =	vst v3;
	v3 =	vld [tilespmem:s13+$0xFFFFFFC0]  }
0x203: {  	v4 =	vld [tilespmem:s22+$0x40];
	_ =	sdelay $0x4  }
0x204: {  	v3 =	vadd.f32 v4, v3;
	_ =	sdelay $0x1  }
0x205: {  	v3 =	vmax.f32 v3, $0.0e+00  }
0x206: {  	[tilespmem:s13+$0xFFFFFFC0] =	vst v3;
	v3 =	vld [tilespmem:s13+$0xFFFFFFD0]  }
0x207: {  	v4 =	vld [tilespmem:s22+$0x50];
	_ =	sdelay $0x4  }
0x208: {  	v3 =	vadd.f32 v4, v3;
	_ =	sdelay $0x1  }
0x209: {  	v3 =	vmax.f32 v3, $0.0e+00  }
0x20a: {  	[tilespmem:s13+$0xFFFFFFD0] =	vst v3;
	v3 =	vld [tilespmem:s13+$0xFFFFFFE0]  }
0x20b: {  	v4 =	vld [tilespmem:s22+$0x60];
	_ =	sdelay $0x4  }
0x20c: {  	v3 =	vadd.f32 v4, v3;
	_ =	sdelay $0x1  }
0x20d: {  	v3 =	vmax.f32 v3, $0.0e+00  }
0x20e: {  	[tilespmem:s13+$0xFFFFFFE0] =	vst v3;
	v3 =	vld [tilespmem:s13+$0xFFFFFFF0]  }
0x20f: {  	v4 =	vld [tilespmem:s22+$0x70];
	_ =	sdelay $0x4  }
0x210: {  	v3 =	vadd.f32 v4, v3  }
0x211: {  	s22 =	sadd.s32 $0x80, s29  }
0x212: {  	s22 =	sand.u32 $0x380, s22;
	v3 =	vmax.f32 v3, $0.0e+00  }
0x213: {  	s22 =	sor.u32 s22, s30;
	[tilespmem:s13+$0xFFFFFFF0] =	vst v3;
	v3 =	vld [tilespmem:s13+$0x0]  }
0x214: {  	v4 =	vld [tilespmem:s22+$0x0];
	_ =	sdelay $0x4  }
0x215: {  	v3 =	vadd.f32 v4, v3;
	_ =	sdelay $0x1  }
0x216: {  	v3 =	vmax.f32 v3, $0.0e+00  }
0x217: {  	[tilespmem:s13+$0x0] =	vst v3;
	v3 =	vld [tilespmem:s13+$0x10]  }
0x218: {  	v4 =	vld [tilespmem:s22+$0x10];
	_ =	sdelay $0x4  }
0x219: {  	v3 =	vadd.f32 v4, v3;
	_ =	sdelay $0x1  }
0x21a: {  	v3 =	vmax.f32 v3, $0.0e+00  }
0x21b: {  	[tilespmem:s13+$0x10] =	vst v3;
	v3 =	vld [tilespmem:s13+$0x20]  }
0x21c: {  	v4 =	vld [tilespmem:s22+$0x20];
	_ =	sdelay $0x4  }
0x21d: {  	v3 =	vadd.f32 v4, v3;
	_ =	sdelay $0x1  }
0x21e: {  	v3 =	vmax.f32 v3, $0.0e+00  }
0x21f: {  	[tilespmem:s13+$0x20] =	vst v3;
	v3 =	vld [tilespmem:s13+$0x30]  }
0x220: {  	v4 =	vld [tilespmem:s22+$0x30];
	_ =	sdelay $0x4  }
0x221: {  	v3 =	vadd.f32 v4, v3;
	_ =	sdelay $0x1  }
0x222: {  	v3 =	vmax.f32 v3, $0.0e+00  }
0x223: {  	[tilespmem:s13+$0x30] =	vst v3;
	v3 =	vld [tilespmem:s13+$0x40]  }
0x224: {  	v4 =	vld [tilespmem:s22+$0x40];
	_ =	sdelay $0x4  }
0x225: {  	v3 =	vadd.f32 v4, v3;
	_ =	sdelay $0x1  }
0x226: {  	v3 =	vmax.f32 v3, $0.0e+00  }
0x227: {  	[tilespmem:s13+$0x40] =	vst v3;
	v3 =	vld [tilespmem:s13+$0x50]  }
0x228: {  	v4 =	vld [tilespmem:s22+$0x50];
	_ =	sdelay $0x4  }
0x229: {  	v3 =	vadd.f32 v4, v3;
	_ =	sdelay $0x1  }
0x22a: {  	v3 =	vmax.f32 v3, $0.0e+00  }
0x22b: {  	[tilespmem:s13+$0x50] =	vst v3;
	v3 =	vld [tilespmem:s13+$0x60]  }
0x22c: {  	v4 =	vld [tilespmem:s22+$0x60];
	_ =	sdelay $0x4  }
0x22d: {  	v3 =	vadd.f32 v4, v3;
	_ =	sdelay $0x1  }
0x22e: {  	v3 =	vmax.f32 v3, $0.0e+00  }
0x22f: {  	[tilespmem:s13+$0x60] =	vst v3;
	v3 =	vld [tilespmem:s13+$0x70]  }
0x230: {  	v4 =	vld [tilespmem:s22+$0x70]  }
.Ltmp3:
0x231: {  	(pc) =	sbr.rel @p2 .LBB2_5-.Ltmp3, $2  }
0x232: {  	_ =	sdelay $0x2  }
0x233: {  	s5 =	sadd.s32 $0x200, s5;
	s13 =	sadd.s32 $0x100, s13;
	v3 =	vadd.f32 v4, v3  }
0x234: {  	_ = 	snop  }
0x235: {  	v3 =	vmax.f32 v3, $0.0e+00  }
0x236: {  	s22 =	sadd.s32 $0x800, s14;
	s12 =	simm.s32 $0x8800;
	s24 =	simm.s32 $0x7;
	[tilespmem:s0+$0x70] =	vst v3  }
0x237: {  	[spmem:s3] =	stream.indirect.scatter.add.f32 [tilespmem:s12], [sflag:$0x6], $0x80, s22, s10, $0xb8;
	[tilespmem:$0x1FC80] =	vst v63  }
0x238: {  	_ =	swait.ge [sflag:s24], $0x1400  }
0x239: {  	[sflag:s24] =	ssyncset.done $0x0  }
0x23a: {  	[sflag:s24] =	ssyncadd.s32 $0xFFFFEC00  }
0x23b: {  	v3 =	vld [tilespmem:$0x6400]  }
0x23c: {  	v4 =	vld [tilespmem:$0x9C00]  }
0x23d: {  	v5 =	vld [tilespmem:$0x6480]  }
0x23e: {  	v6 =	vld [tilespmem:$0x9C80]  }
0x23f: {  	v7 =	vld [tilespmem:$0x6500]  }
0x240: {  	v8 =	vld [tilespmem:$0x9D00]  }
0x241: {  	v9 =	vld [tilespmem:$0x6580]  }
0x242: {  	v10 =	vld [tilespmem:$0x9D80]  }
0x243: {  	v11 =	vld [tilespmem:$0x6600]  }
0x244: {  	v12 =	vld [tilespmem:$0x9E00]  }
0x245: {  	v13 =	vld [tilespmem:$0x6680]  }
0x246: {  	v14 =	vld [tilespmem:$0x9E80]  }
0x247: {  	v15 =	vld [tilespmem:$0x6700]  }
0x248: {  	v16 =	vld [tilespmem:$0x9F00]  }
0x249: {  	v17 =	vld [tilespmem:$0x6780]  }
0x24a: {  	v18 =	vld [tilespmem:$0x9F80]  }
0x24b: {  	v19 =	vld [tilespmem:$0x6C00]  }
0x24c: {  	v20 =	vld [tilespmem:$0xA000]  }
0x24d: {  	v21 =	vld [tilespmem:$0x6C80]  }
0x24e: {  	v22 =	vld [tilespmem:$0xA080]  }
0x24f: {  	v23 =	vld [tilespmem:$0x6D00]  }
0x250: {  	v24 =	vld [tilespmem:$0xA100]  }
0x251: {  	v25 =	vld [tilespmem:$0x6D80]  }
0x252: {  	v26 =	vld [tilespmem:$0xA180]  }
0x253: {  	v27 =	vld [tilespmem:$0x6E00]  }
0x254: {  	v28 =	vld [tilespmem:$0xA200]  }
0x255: {  	v29 =	vld [tilespmem:$0x6E80]  }
0x256: {  	v30 =	vld [tilespmem:$0xA280]  }
0x257: {  	v31 =	vld [tilespmem:$0x6F00]  }
0x258: {  	v32 =	vld [tilespmem:$0xA300]  }
0x259: {  	v33 =	vld [tilespmem:$0x6F80]  }
0x25a: {  	v34 =	vld [tilespmem:$0xA380]  }
0x25b: {  	v35 =	vld [tilespmem:$0x7400]  }
0x25c: {  	v36 =	vld [tilespmem:$0xA400]  }
0x25d: {  	v37 =	vld [tilespmem:$0x7480]  }
0x25e: {  	v38 =	vld [tilespmem:$0xA480]  }
0x25f: {  	v39 =	vld [tilespmem:$0x7500]  }
0x260: {  	v40 =	vld [tilespmem:$0xA500]  }
0x261: {  	v41 =	vld [tilespmem:$0x7580]  }
0x262: {  	v42 =	vld [tilespmem:$0xA580]  }
0x263: {  	v43 =	vld [tilespmem:$0x7600]  }
0x264: {  	v44 =	vld [tilespmem:$0xA600]  }
0x265: {  	v45 =	vld [tilespmem:$0x7680]  }
0x266: {  	v46 =	vld [tilespmem:$0xA680]  }
0x267: {  	v47 =	vld [tilespmem:$0x7700]  }
0x268: {  	v48 =	vld [tilespmem:$0x7780];
	v3 =	vadd.f32 v4, v3  }
0x269: {  	v49 =	vld [tilespmem:$0xA780];
	v5 =	vadd.f32 v6, v5  }
0x26a: {  	v51 =	vld [tilespmem:$0x7C00];
	v50 =	vadd.f32 v10, v9;
	[tilespmem:$0xB000] =	vst v3  }
0x26b: {  	v52 =	vld [tilespmem:$0xA800];
	v3 =	vadd.f32 v8, v7;
	[tilespmem:$0xB080] =	vst v5  }
0x26c: {  	v54 =	vld [tilespmem:$0x7C80];
	v53 =	vadd.f32 v14, v13;
	[tilespmem:$0xB180] =	vst v50  }
0x26d: {  	v55 =	vld [tilespmem:$0xA880];
	[tilespmem:$0xB100] =	vst v3;
	v3 =	vadd.f32 v12, v11  }
0x26e: {  	v57 =	vld [tilespmem:$0x7D00];
	v56 =	vadd.f32 v18, v17;
	[tilespmem:$0xB280] =	vst v53  }
0x26f: {  	v58 =	vld [tilespmem:$0xA900];
	[tilespmem:$0xB200] =	vst v3;
	v3 =	vadd.f32 v16, v15  }
0x270: {  	v60 =	vld [tilespmem:$0x7D80];
	v59 =	vadd.f32 v22, v21;
	[tilespmem:$0xB380] =	vst v56  }
0x271: {  	v61 =	vld [tilespmem:$0xA980];
	[tilespmem:$0xB300] =	vst v3;
	v3 =	vadd.f32 v20, v19  }
0x272: {  	v63 =	vld [tilespmem:$0x7E00];
	v62 =	vadd.f32 v26, v25;
	[tilespmem:$0xB480] =	vst v59  }
0x273: {  	v4 =	vld [tilespmem:$0xA700];
	[tilespmem:$0xB400] =	vst v3;
	v3 =	vadd.f32 v24, v23  }
0x274: {  	v29 =	vadd.f32 v30, v29;
	v30 =	vld [tilespmem:$0x7E80];
	[tilespmem:$0xB580] =	vst v62  }
0x275: {  	v59 =	vld [tilespmem:$0x8780];
	[tilespmem:$0xB500] =	vst v3;
	v3 =	vadd.f32 v28, v27  }
0x276: {  	[tilespmem:$0xB680] =	vst v29;
	v50 =	vadd.f32 v61, v60;
	v60 =	vld [tilespmem:$0xAF80]  }
0x277: {  	v28 =	vld [tilespmem:$0xAA00];
	[tilespmem:$0xB600] =	vst v3;
	v3 =	vadd.f32 v32, v31  }
0x278: {  	[tilespmem:$0xBD80] =	vst v50;
	v31 =	vld [tilespmem:$0xAA80];
	v32 =	vadd.f32 v34, v33  }
0x279: {  	v33 =	vld [tilespmem:$0x7F00];
	[tilespmem:$0xB700] =	vst v3;
	v3 =	vadd.f32 v36, v35  }
0x27a: {  	v34 =	vld [tilespmem:$0xAB00];
	[tilespmem:$0xB780] =	vst v32;
	v35 =	vadd.f32 v38, v37  }
0x27b: {  	v36 =	vld [tilespmem:$0x7F80];
	[tilespmem:$0xB800] =	vst v3;
	v3 =	vadd.f32 v40, v39  }
0x27c: {  	v37 =	vld [tilespmem:$0xAB80];
	v38 =	vadd.f32 v42, v41;
	[tilespmem:$0xB880] =	vst v35  }
0x27d: {  	v42 =	vld [tilespmem:$0x8480];
	[tilespmem:$0xB900] =	vst v3;
	v3 =	vadd.f32 v44, v43  }
0x27e: {  	v41 =	vadd.f32 v46, v45;
	v45 =	vld [tilespmem:$0x8500];
	[tilespmem:$0xB980] =	vst v38  }
0x27f: {  	v46 =	vld [tilespmem:$0xAD00];
	[tilespmem:$0xBA00] =	vst v3;
	v3 =	vadd.f32 v4, v47  }
0x280: {  	v39 =	vld [tilespmem:$0x8400];
	[tilespmem:$0xBA80] =	vst v41;
	v53 =	vadd.f32 v31, v30  }
0x281: {  	v40 =	vld [tilespmem:$0xAC00];
	[tilespmem:$0xBB00] =	vst v3;
	v3 =	vadd.f32 v52, v51  }
0x282: {  	v43 =	vld [tilespmem:$0xAC80];
	v44 =	vadd.f32 v49, v48;
	[tilespmem:$0xBE80] =	vst v53  }
0x283: {  	v48 =	vld [tilespmem:$0x8580];
	[tilespmem:$0xBC00] =	vst v3;
	v3 =	vadd.f32 v58, v57  }
0x284: {  	v49 =	vld [tilespmem:$0xAD80];
	v56 =	vadd.f32 v37, v36;
	[tilespmem:$0xBB80] =	vst v44  }
0x285: {  	v47 =	vadd.f32 v55, v54;
	v54 =	vld [tilespmem:$0x8680];
	[tilespmem:$0xBD00] =	vst v3;
	v3 =	vadd.f32 v28, v63  }
0x286: {  	v55 =	vld [tilespmem:$0xAE80];
	[tilespmem:$0xBF80] =	vst v56  }
0x287: {  	v51 =	vld [tilespmem:$0x8600];
	[tilespmem:$0xBE00] =	vst v3;
	v3 =	vadd.f32 v34, v33  }
0x288: {  	[tilespmem:$0xBC80] =	vst v47;
	v52 =	vld [tilespmem:$0xAE00];
	v4 =	vadd.f32 v43, v42  }
0x289: {  	v57 =	vld [tilespmem:$0x8700];
	[tilespmem:$0xBF00] =	vst v3;
	v3 =	vadd.f32 v40, v39  }
0x28a: {  	v61 =	vadd.f32 v49, v48;
	v58 =	vld [tilespmem:$0xAF00];
	[tilespmem:$0xC080] =	vst v4  }
0x28b: {  	[tilespmem:$0xC000] =	vst v3;
	v3 =	vadd.f32 v46, v45  }
0x28c: {  	p2 =	sne.s32 @!p1 s31, $0x0;
	[tilespmem:$0xC180] =	vst v61;
	v62 =	vadd.f32 v55, v54  }
0x28d: {  	p1 =	por p1, p2;
	[tilespmem:$0xC100] =	vst v3;
	v3 =	vadd.f32 v52, v51  }
.Ltmp4:
0x28e: {  	v63 =	vadd.f32 v60, v59;
	[tilespmem:$0xC280] =	vst v62;
	(pc) =	sbr.rel @p1 .LBB2_8-.Ltmp4, $4  }
0x28f: {  	s29 =	rddreg [dreg:$0xb];
	[tilespmem:$0xC200] =	vst v3;
	v3 =	vadd.f32 v58, v57  }
0x290: {  	s5 =	rddreg [dreg:$0x1b];
	[tilespmem:$0xC380] =	vst v63  }
0x291: {  	s30 =	simm.s32 $0xB000;
	s0 =	sadd.s32 s29, s5;
	[tilespmem:$0xC300] =	vst v3  }
0x292: {  	[hbm4b:s0+s4] =	stream.linear.scatter [tilespmem:s30], [sflag:$0x7], $0x1400, $0x38;
	[tilespmem:$0x1FC80] =	vst v63  }
0x293: {  	s0 =	sshll.u32 s9, $0xB;
	s5 =	rddreg [dreg:$0xa]  }
0x294: {  	s0 =	sadd.s32 s5, s0  }
0x295: {  	s29 =	rddreg [dreg:$0x6];
	s0 =	sshrl.u32 s0, $0x3  }
0x296: {  	s5 =	sadd.s32 s29, s0  }
0x297: {  	[tilespmem:s4], [sflag:$0x8] =	stream.linear.gather [hbm4b:s5+s4], $0x500, $0x38;
	[tilespmem:$0x1FC80] =	vst v63  }
0x298: {  	_ =	swait.ge [sflag:s26], $0x500  }
0x299: {  	[sflag:s26] =	ssyncset.done $0x0;
	s30 =	rddreg [dreg:$0x7]  }
0x29a: {  	[sflag:s26] =	ssyncadd.s32 $0xFFFFFB00;
	s0 =	sadd.s32 s30, s0  }
0x29b: {  	[tilespmem:s28], [sflag:$0x8] =	stream.linear.gather [hbm4b:s0+s4], $0x500, $0x38;
	[tilespmem:$0x1FC80] =	vst v63  }
0x29c: {  	_ =	swait.ge [sflag:s26], $0x500  }
0x29d: {  	[sflag:s26] =	ssyncset.done $0x0  }
0x29e: {  	[sflag:s26] =	ssyncadd.s32 $0xFFFFFB00  }
0x29f: {  	v3 =	vld [tilespmem:$0x0];
	_ =	sdelay $0x4  }
0x2a0: {  	v4 =	vshll.u32 v3, $0x1  }
0x2a1: {  	v3 =	vand.u32 $0x7, v3;
	v4 =	vand.u32 $0xFFFFFFF0, v4  }
0x2a2: {  	v3 =	vor.u32 v3, v4  }
0x2a3: {  	v4 =	vperm.xlane v3, v0;
	_ =	sdelay $0x1  }
0x2a4: {  	v3 =	vperm.xlane v3, v2;
	v4 =	vadd.s32 v1, v4;
	_ =	sdelay $0x1  }
0x2a5: {  	v3 =	vadd.s32 v1, v3;
	_ =	sdelay $0x1  }
0x2a6: {  	s31 =	simm.s32 $0x1000  }
0x2a7: {  	[tilespmem:s31], [sflag:$0x1] =	stream.indirect_vreg.gather [hbm4b:s1+s4], $0x80, v4, vm0, $0xb8;
	[tilespmem:$0x1FC80] =	vst v63  }
0x2a8: {  	s5 =	simm.s32 $0x1800  }
0x2a9: {  	[tilespmem:s5], [sflag:$0x1] =	stream.indirect_vreg.gather [hbm4b:s1+s4], $0x80, v3, vm0, $0xb8;
	[tilespmem:$0x1FC80] =	vst v63  }
0x2aa: {  	v3 =	vld [tilespmem:$0x10];
	_ =	sdelay $0x4  }
0x2ab: {  	v62 =	vshll.u32 v3, $0x1  }
0x2ac: {  	v3 =	vand.u32 $0x7, v3;
	v4 =	vand.u32 $0xFFFFFFF0, v62  }
0x2ad: {  	v3 =	vor.u32 v3, v4  }
0x2ae: {  	v4 =	vperm.xlane v3, v0;
	_ =	sdelay $0x1  }
0x2af: {  	v3 =	vperm.xlane v3, v2;
	v4 =	vadd.s32 v1, v4;
	_ =	sdelay $0x1  }
0x2b0: {  	v3 =	vadd.s32 v1, v3;
	_ =	sdelay $0x1  }
0x2b1: {  	s9 =	simm.s32 $0x2000  }
0x2b2: {  	[tilespmem:s9], [sflag:$0x1] =	stream.indirect_vreg.gather [hbm4b:s1+s4], $0x80, v4, vm0, $0xb8;
	[tilespmem:$0x1FC80] =	vst v63  }
0x2b3: {  	s13 =	simm.s32 $0x2800  }
0x2b4: {  	[tilespmem:s13], [sflag:$0x1] =	stream.indirect_vreg.gather [hbm4b:s1+s4], $0x80, v3, vm0, $0xb8;
	[tilespmem:$0x1FC80] =	vst v63  }
0x2b5: {  	v3 =	vld.msk [tilespmem:$0x20], $0xff;
	_ =	sdelay $0x4  }
0x2b6: {  	v63 =	vshll.u32 v3, $0x1  }
0x2b7: {  	v3 =	vand.u32 $0x7, v3;
	v4 =	vand.u32 $0xFFFFFFF0, v63  }
0x2b8: {  	v3 =	vor.u32 v3, v4  }
0x2b9: {  	v3 =	vperm.xlane v3, v0;
	_ =	sdelay $0x1  }
0x2ba: {  	v3 =	vadd.s32 v1, v3;
	_ =	sdelay $0x3  }
0x2bb: {  	s14 =	simm.s32 $0x3000;
	s22 =	smul.u32 $0x28, s2;
	s30 =	rddreg [dreg:$0x15]  }
0x2bc: {  	[tilespmem:s14], [sflag:$0x1] =	stream.indirect_vreg.gather [hbm4b:s1+s4], $0x80, v3, vm0, $0xb8;
	[tilespmem:$0x1FC80] =	vst v63  }
.Ltmp5:
0x2bd: {  	s0 =	sadd.s32 s30, s22;
	s24 =	rddreg [dreg:$0x2];
	(pc) =	sbr.rel .LBB2_8-.Ltmp5, $4  }
0x2be: {  	s29 =	simm.s32 $0x4C00;
	s0 =	sshll.u32 s0, $0x4;
	s31 =	rddreg [dreg:$0x5]  }
0x2bf: {  	[tilespmem:s29], [sflag:$0x1] =	stream.indirect.gather [hbm4b:s24+s10], $0x80, s28, s10, $0xb8;
	[tilespmem:$0x1FC80] =	vst v63  }
0x2c0: {  	s0 =	sadd.s32 s31, s0  }
0x2c1: {  	[tilespmem:s16], [sflag:$0x2] =	stream.linear.gather [hbm4b:s0+s4], $0x1400, $0x38;
	[tilespmem:$0x1FC80] =	vst v63  }
.LBB2_9:
0x2c2: {  	s0 =	simm.s32 $0x6  }
0x2c3: {  	_ =	swait.ge [sflag:s0], $0x1400  }
0x2c4: {  	[sflag:s0] =	ssyncset.done $0x0  }
0x2c5: {  	s11 =	simm.s32 $0x7;
	[sflag:s0] =	ssyncadd.s32 $0xFFFFEC00  }
0x2c6: {  	_ =	swait.ge [sflag:s11], $0x1400  }
0x2c7: {  	[sflag:s11] =	ssyncset.done $0x0  }
0x2c8: {  	[sflag:s11] =	ssyncadd.s32 $0xFFFFEC00  }
0x2c9: {  	[bflag:$0x0] =	sbarrier.arrive $0xFFFF  }
0x2ca: {  	s29 =	rddreg [dreg:$0xd]  }
0x2cb: {  	s13 =	rddreg [dreg:$0xf]  }
0x2cc: {  	s11 =	rddreg [dreg:$0x19]  }
0x2cd: {  	[hbm:s13], [sflag:s29] =	dma.local [spmem:s11], $0x2700  }
0x2ce: {  	_ =	swait.ge [sflag:s26], $0x2700  }
0x2cf: {  	[sflag:s26] =	ssyncset.done $0x0  }
0x2d0: {  	[sflag:s26] =	ssyncadd.s32 $0xFFFFD900  }
0x2d1: {  	[bflag:$0x0] =	sbarrier.arrive @p0 $0xFFFF  }
0x2d2: {  	s24 =	rddreg [dreg:$0xc]  }
0x2d3: {  	s22 =	rddreg [dreg:$0x8];
	s0 =	sshrl.u32 @p0 s24, $0x3  }
0x2d4: {  	[spmem:s0], [sflag:s29] =	dma.local @p0 [hbm:s22], $0x2700  }
0x2d5: {  	s0 =	simm.s32 @p0 $0x8  }
0x2d6: {  	_ =	swait.ge @p0 [sflag:s0], $0x2700  }
0x2d7: {  	[sflag:s0] =	ssyncset.done @p0 $0x0;
	s13 =	rddreg [dreg:$0x1a]  }
0x2d8: {  	[sflag:s0] =	ssyncadd.s32 @p0 $0xFFFFD900;
	s0 =	rddreg [dreg:$0x10]  }
0x2d9: {  	[hbm:s0], [sflag:s29] =	dma.local @!p0 [spmem:s13], $0x100  }
0x2da: {  	s0 =	simm.s32 @!p0 $0x8  }
0x2db: {  	_ =	swait.ge @!p0 [sflag:s0], $0x100  }
0x2dc: {  	[sflag:s0] =	ssyncset.done @!p0 $0x0  }
0x2dd: {  	[sflag:s0] =	ssyncadd.s32 @!p0 $0xFFFFFF00  }
0x2de: {  	s2 =	sshrl.u32 @!p0 s24, $0x3;
	[bflag:$0x0] =	sbarrier.arrive @!p0 $0xFFFF  }
0x2df: {  	[spmem:s2], [sflag:s29] =	dma.local @!p0 [hbm:s22], $0x2700  }
0x2e0: {  	_ =	swait.ge @!p0 [sflag:s0], $0x2700  }
0x2e1: {  	[sflag:s0] =	ssyncset.done @!p0 $0x0  }
0x2e2: {  	[sflag:s0] =	ssyncadd.s32 @!p0 $0xFFFFD900  }
0x2e3: {  	[spmem:s13], [sflag:s29] =	dma.local @!p0 [hbm:s22], $0x100  }
0x2e4: {  	_ =	swait.ge @!p0 [sflag:s0], $0x100  }
0x2e5: {  	[sflag:s0] =	ssyncset.done @!p0 $0x0  }
0x2e6: {  	s14 =	simm.s32 $0x0;
	s30 =	rddreg [dreg:$0x9];
	[sflag:s0] =	ssyncadd.s32 @!p0 $0xFFFFFF00  }
0x2e7: {  	[tilespmem:s16], [sflag:$0x8] =	stream.linear.gather [hbm4b:s30+s14], $0x1400, $0x38;
	[tilespmem:$0x1FC80] =	vst v63  }
0x2e8: {  	_ =	swait.ge [sflag:s26], $0x1400  }
0x2e9: {  	[sflag:s26] =	ssyncset.done $0x0  }
0x2ea: {  	[sflag:s26] =	ssyncadd.s32 $0xFFFFEC00  }
0x2eb: {  	s31 =	sadd.s32 $0x0, s25;
	[bflag:$0x0] =	sbarrier.arrive $0xFFFF  }
0x2ec: {  	[tilespmem:s28], [sflag:$0x8] =	stream.linear.gather [hbm4b:s31+s4], $0x500, $0x38;
	[tilespmem:$0x1FC80] =	vst v63  }
0x2ed: {  	_ =	swait.ge [sflag:s26], $0x500  }
0x2ee: {  	[sflag:s26] =	ssyncset.done $0x0  }
0x2ef: {  	[sflag:s26] =	ssyncadd.s32 $0xFFFFFB00  }
0x2f0: {  	[spmem:s3] =	stream.indirect.scatter.add.f32 [tilespmem:s16], [sflag:$0x5], $0x80, s28, s10, $0xb8;
	[tilespmem:$0x1FC80] =	vst v63  }
0x2f1: {  	_ = 	snop  }
0x2f2: {  	[spmem:s3] =	stream.indirect.scatter.add.f32 [tilespmem:s16], [sflag:$0x5], $0x80, s6, s10, $0xb8;
	[tilespmem:$0x1FC80] =	vst v63  }
0x2f3: {  	_ = 	snop  }
0x2f4: {  	[spmem:s3] =	stream.indirect.scatter.add.f32 [tilespmem:s16], [sflag:$0x5], $0x80, s15, s10, $0xb8;
	[tilespmem:$0x1FC80] =	vst v63  }
0x2f5: {  	_ = 	snop  }
0x2f6: {  	[spmem:s3] =	stream.indirect.scatter.add.f32 [tilespmem:s16], [sflag:$0x5], $0x80, s17, s10, $0xb8;
	[tilespmem:$0x1FC80] =	vst v63  }
0x2f7: {  	_ = 	snop  }
0x2f8: {  	[spmem:s3] =	stream.indirect.scatter.add.f32 [tilespmem:s16], [sflag:$0x5], $0x80, s18, s10, $0xb8;
	[tilespmem:$0x1FC80] =	vst v63  }
0x2f9: {  	_ = 	snop  }
0x2fa: {  	[spmem:s3] =	stream.indirect.scatter.add.f32 [tilespmem:s16], [sflag:$0x5], $0x80, s19, s10, $0xb8;
	[tilespmem:$0x1FC80] =	vst v63  }
0x2fb: {  	_ = 	snop  }
0x2fc: {  	[spmem:s3] =	stream.indirect.scatter.add.f32 [tilespmem:s16], [sflag:$0x5], $0x80, s20, s10, $0xb8;
	[tilespmem:$0x1FC80] =	vst v63  }
0x2fd: {  	_ = 	snop  }
0x2fe: {  	[spmem:s3] =	stream.indirect.scatter.add.f32 [tilespmem:s16], [sflag:$0x5], $0x80, s21, s10, $0xb8;
	[tilespmem:$0x1FC80] =	vst v63  }
0x2ff: {  	_ = 	snop  }
0x300: {  	[spmem:s3] =	stream.indirect.scatter.add.f32 [tilespmem:s16], [sflag:$0x5], $0x80, s23, s10, $0xb8;
	[tilespmem:$0x1FC80] =	vst v63  }
0x301: {  	_ = 	snop  }
0x302: {  	[spmem:s3] =	stream.indirect.scatter.add.f32 [tilespmem:s16], [sflag:$0x5], $0x80, s7, s10, $0xb8;
	[tilespmem:$0x1FC80] =	vst v63  }
0x303: {  	_ =	swait.ge [sflag:s8], $0x1400  }
0x304: {  	[sflag:s8] =	ssyncset.done $0x0  }
0x305: {  	[sflag:s8] =	ssyncadd.s32 $0xFFFFEC00  }
0x306: {  	_ =	swait.ge [sflag:s8], $0x1400  }
0x307: {  	[sflag:s8] =	ssyncset.done $0x0  }
0x308: {  	[sflag:s8] =	ssyncadd.s32 $0xFFFFEC00  }
0x309: {  	_ =	swait.ge [sflag:s8], $0x1400  }
0x30a: {  	[sflag:s8] =	ssyncset.done $0x0  }
0x30b: {  	[sflag:s8] =	ssyncadd.s32 $0xFFFFEC00  }
0x30c: {  	_ =	swait.ge [sflag:s8], $0x1400  }
0x30d: {  	[sflag:s8] =	ssyncset.done $0x0  }
0x30e: {  	[sflag:s8] =	ssyncadd.s32 $0xFFFFEC00  }
0x30f: {  	_ =	swait.ge [sflag:s8], $0x1400  }
0x310: {  	[sflag:s8] =	ssyncset.done $0x0  }
0x311: {  	[sflag:s8] =	ssyncadd.s32 $0xFFFFEC00  }
0x312: {  	_ =	swait.ge [sflag:s8], $0x1400  }
0x313: {  	[sflag:s8] =	ssyncset.done $0x0  }
0x314: {  	[sflag:s8] =	ssyncadd.s32 $0xFFFFEC00  }
0x315: {  	_ =	swait.ge [sflag:s8], $0x1400  }
0x316: {  	[sflag:s8] =	ssyncset.done $0x0  }
0x317: {  	[sflag:s8] =	ssyncadd.s32 $0xFFFFEC00  }
0x318: {  	_ =	swait.ge [sflag:s8], $0x1400  }
0x319: {  	[sflag:s8] =	ssyncset.done $0x0  }
0x31a: {  	[sflag:s8] =	ssyncadd.s32 $0xFFFFEC00  }
0x31b: {  	_ =	swait.ge [sflag:s8], $0x1400  }
0x31c: {  	[sflag:s8] =	ssyncset.done $0x0  }
0x31d: {  	[sflag:s8] =	ssyncadd.s32 $0xFFFFEC00  }
0x31e: {  	_ =	swait.ge [sflag:s8], $0x1400  }
0x31f: {  	s5 =	simm.s32 $0x200;
	s0 =	simm.s32 $0x100;
	[sflag:s8] =	ssyncset.done $0x0  }
.LBB2_10:
0x320: {  	s9 =	sadd.s32 s0, s25  }
0x321: {  	[sflag:s8] =	ssyncadd.s32 $0xFFFFEC00;
	s0 =	smov.u32 s5;
	s2 =	sadd.s32 $0x100, s5  }
0x322: {  	[tilespmem:s28], [sflag:$0x8] =	stream.linear.gather [hbm4b:s9+s4], $0x500, $0x38;
	[tilespmem:$0x1FC80] =	vst v63  }
0x323: {  	p1 =	sne.s32 s5, $0x1800;
	_ =	swait.ge [sflag:s26], $0x500  }
0x324: {  	[sflag:s26] =	ssyncset.done $0x0  }
0x325: {  	[sflag:s26] =	ssyncadd.s32 $0xFFFFFB00  }
0x326: {  	[spmem:s3] =	stream.indirect.scatter.add.f32 [tilespmem:s16], [sflag:$0x5], $0x80, s28, s10, $0xb8;
	[tilespmem:$0x1FC80] =	vst v63  }
0x327: {  	_ = 	snop  }
0x328: {  	[spmem:s3] =	stream.indirect.scatter.add.f32 [tilespmem:s16], [sflag:$0x5], $0x80, s6, s10, $0xb8;
	[tilespmem:$0x1FC80] =	vst v63  }
0x329: {  	_ = 	snop  }
0x32a: {  	[spmem:s3] =	stream.indirect.scatter.add.f32 [tilespmem:s16], [sflag:$0x5], $0x80, s15, s10, $0xb8;
	[tilespmem:$0x1FC80] =	vst v63  }
0x32b: {  	_ = 	snop  }
0x32c: {  	[spmem:s3] =	stream.indirect.scatter.add.f32 [tilespmem:s16], [sflag:$0x5], $0x80, s17, s10, $0xb8;
	[tilespmem:$0x1FC80] =	vst v63  }
0x32d: {  	_ = 	snop  }
0x32e: {  	[spmem:s3] =	stream.indirect.scatter.add.f32 [tilespmem:s16], [sflag:$0x5], $0x80, s18, s10, $0xb8;
	[tilespmem:$0x1FC80] =	vst v63  }
0x32f: {  	_ = 	snop  }
0x330: {  	[spmem:s3] =	stream.indirect.scatter.add.f32 [tilespmem:s16], [sflag:$0x5], $0x80, s19, s10, $0xb8;
	[tilespmem:$0x1FC80] =	vst v63  }
0x331: {  	_ = 	snop  }
0x332: {  	[spmem:s3] =	stream.indirect.scatter.add.f32 [tilespmem:s16], [sflag:$0x5], $0x80, s20, s10, $0xb8;
	[tilespmem:$0x1FC80] =	vst v63  }
0x333: {  	_ = 	snop  }
0x334: {  	[spmem:s3] =	stream.indirect.scatter.add.f32 [tilespmem:s16], [sflag:$0x5], $0x80, s21, s10, $0xb8;
	[tilespmem:$0x1FC80] =	vst v63  }
0x335: {  	_ = 	snop  }
0x336: {  	[spmem:s3] =	stream.indirect.scatter.add.f32 [tilespmem:s16], [sflag:$0x5], $0x80, s23, s10, $0xb8;
	[tilespmem:$0x1FC80] =	vst v63  }
0x337: {  	_ = 	snop  }
0x338: {  	[spmem:s3] =	stream.indirect.scatter.add.f32 [tilespmem:s16], [sflag:$0x5], $0x80, s7, s10, $0xb8;
	[tilespmem:$0x1FC80] =	vst v63  }
0x339: {  	_ =	swait.ge [sflag:s8], $0x1400  }
0x33a: {  	[sflag:s8] =	ssyncset.done $0x0  }
0x33b: {  	[sflag:s8] =	ssyncadd.s32 $0xFFFFEC00  }
0x33c: {  	_ =	swait.ge [sflag:s8], $0x1400  }
0x33d: {  	[sflag:s8] =	ssyncset.done $0x0  }
0x33e: {  	[sflag:s8] =	ssyncadd.s32 $0xFFFFEC00  }
0x33f: {  	_ =	swait.ge [sflag:s8], $0x1400  }
0x340: {  	[sflag:s8] =	ssyncset.done $0x0  }
0x341: {  	[sflag:s8] =	ssyncadd.s32 $0xFFFFEC00  }
0x342: {  	_ =	swait.ge [sflag:s8], $0x1400  }
0x343: {  	[sflag:s8] =	ssyncset.done $0x0  }
0x344: {  	[sflag:s8] =	ssyncadd.s32 $0xFFFFEC00  }
0x345: {  	_ =	swait.ge [sflag:s8], $0x1400  }
0x346: {  	[sflag:s8] =	ssyncset.done $0x0  }
0x347: {  	[sflag:s8] =	ssyncadd.s32 $0xFFFFEC00  }
0x348: {  	_ =	swait.ge [sflag:s8], $0x1400  }
0x349: {  	[sflag:s8] =	ssyncset.done $0x0  }
0x34a: {  	[sflag:s8] =	ssyncadd.s32 $0xFFFFEC00  }
0x34b: {  	_ =	swait.ge [sflag:s8], $0x1400  }
0x34c: {  	[sflag:s8] =	ssyncset.done $0x0  }
0x34d: {  	[sflag:s8] =	ssyncadd.s32 $0xFFFFEC00  }
0x34e: {  	_ =	swait.ge [sflag:s8], $0x1400  }
0x34f: {  	[sflag:s8] =	ssyncset.done $0x0  }
0x350: {  	[sflag:s8] =	ssyncadd.s32 $0xFFFFEC00  }
.Ltmp6:
0x351: {  	_ =	swait.ge [sflag:s8], $0x1400;
	(pc) =	sbr.rel @p1 .LBB2_10-.Ltmp6, $4  }
0x352: {  	[sflag:s8] =	ssyncset.done $0x0  }
0x353: {  	[sflag:s8] =	ssyncadd.s32 $0xFFFFEC00  }
0x354: {  	_ =	swait.ge [sflag:s8], $0x1400  }
0x355: {  	s5 =	smov.u32 s2;
	[sflag:s8] =	ssyncset.done $0x0  }
0x356: {  	s0 =	sadd.s32 s0, s25;
	[sflag:s8] =	ssyncadd.s32 $0xFFFFEC00  }
0x357: {  	[tilespmem:s28], [sflag:$0x8] =	stream.linear.gather [hbm4b:s0+s4], $0x500, $0x38;
	[tilespmem:$0x1FC80] =	vst v63  }
0x358: {  	_ =	swait.ge [sflag:s26], $0x500  }
0x359: {  	[sflag:s26] =	ssyncset.done $0x0  }
0x35a: {  	[sflag:s26] =	ssyncadd.s32 $0xFFFFFB00  }
0x35b: {  	[spmem:s3] =	stream.indirect.scatter.add.f32 [tilespmem:s16], [sflag:$0x5], $0x80, s28, s10, $0xb8;
	[tilespmem:$0x1FC80] =	vst v63  }
0x35c: {  	_ = 	snop  }
0x35d: {  	[spmem:s3] =	stream.indirect.scatter.add.f32 [tilespmem:s16], [sflag:$0x5], $0x80, s6, s10, $0xb8;
	[tilespmem:$0x1FC80] =	vst v63  }
0x35e: {  	_ = 	snop  }
0x35f: {  	[spmem:s3] =	stream.indirect.scatter.add.f32 [tilespmem:s16], [sflag:$0x5], $0x80, s15, s10, $0xb8;
	[tilespmem:$0x1FC80] =	vst v63  }
0x360: {  	_ = 	snop  }
0x361: {  	[spmem:s3] =	stream.indirect.scatter.add.f32 [tilespmem:s16], [sflag:$0x5], $0x80, s17, s10, $0xb8;
	[tilespmem:$0x1FC80] =	vst v63  }
0x362: {  	_ = 	snop  }
0x363: {  	[spmem:s3] =	stream.indirect.scatter.add.f32 [tilespmem:s16], [sflag:$0x5], $0x80, s18, s10, $0xb8;
	[tilespmem:$0x1FC80] =	vst v63  }
0x364: {  	_ = 	snop  }
0x365: {  	[spmem:s3] =	stream.indirect.scatter.add.f32 [tilespmem:s16], [sflag:$0x5], $0x80, s19, s10, $0xb8;
	[tilespmem:$0x1FC80] =	vst v63  }
0x366: {  	_ = 	snop  }
0x367: {  	[spmem:s3] =	stream.indirect.scatter.add.f32 [tilespmem:s16], [sflag:$0x5], $0x80, s20, s10, $0xb8;
	[tilespmem:$0x1FC80] =	vst v63  }
0x368: {  	_ = 	snop  }
0x369: {  	[spmem:s3] =	stream.indirect.scatter.add.f32 [tilespmem:s16], [sflag:$0x5], $0x80, s21, s10, $0xb8;
	[tilespmem:$0x1FC80] =	vst v63  }
0x36a: {  	_ = 	snop  }
0x36b: {  	[spmem:s3] =	stream.indirect.scatter.add.f32 [tilespmem:s16], [sflag:$0x5], $0x80, s23, s10, $0xb8;
	[tilespmem:$0x1FC80] =	vst v63  }
0x36c: {  	_ = 	snop  }
0x36d: {  	[spmem:s3] =	stream.indirect.scatter.add.f32 [tilespmem:s16], [sflag:$0x5], $0x80, s7, s10, $0xb8;
	[tilespmem:$0x1FC80] =	vst v63  }
0x36e: {  	_ =	swait.ge [sflag:s8], $0x1400  }
0x36f: {  	[sflag:s8] =	ssyncset.done $0x0  }
0x370: {  	[sflag:s8] =	ssyncadd.s32 $0xFFFFEC00  }
0x371: {  	_ =	swait.ge [sflag:s8], $0x1400  }
0x372: {  	[sflag:s8] =	ssyncset.done $0x0  }
0x373: {  	[sflag:s8] =	ssyncadd.s32 $0xFFFFEC00  }
0x374: {  	_ =	swait.ge [sflag:s8], $0x1400  }
0x375: {  	[sflag:s8] =	ssyncset.done $0x0  }
0x376: {  	[sflag:s8] =	ssyncadd.s32 $0xFFFFEC00  }
0x377: {  	_ =	swait.ge [sflag:s8], $0x1400  }
0x378: {  	[sflag:s8] =	ssyncset.done $0x0  }
0x379: {  	[sflag:s8] =	ssyncadd.s32 $0xFFFFEC00  }
0x37a: {  	_ =	swait.ge [sflag:s8], $0x1400  }
0x37b: {  	[sflag:s8] =	ssyncset.done $0x0  }
0x37c: {  	[sflag:s8] =	ssyncadd.s32 $0xFFFFEC00  }
0x37d: {  	_ =	swait.ge [sflag:s8], $0x1400  }
0x37e: {  	[sflag:s8] =	ssyncset.done $0x0  }
0x37f: {  	[sflag:s8] =	ssyncadd.s32 $0xFFFFEC00  }
0x380: {  	_ =	swait.ge [sflag:s8], $0x1400  }
0x381: {  	[sflag:s8] =	ssyncset.done $0x0  }
0x382: {  	[sflag:s8] =	ssyncadd.s32 $0xFFFFEC00  }
0x383: {  	_ =	swait.ge [sflag:s8], $0x1400  }
0x384: {  	[sflag:s8] =	ssyncset.done $0x0  }
0x385: {  	[sflag:s8] =	ssyncadd.s32 $0xFFFFEC00  }
0x386: {  	_ =	swait.ge [sflag:s8], $0x1400  }
0x387: {  	[sflag:s8] =	ssyncset.done $0x0  }
0x388: {  	[sflag:s8] =	ssyncadd.s32 $0xFFFFEC00  }
0x389: {  	_ =	swait.ge [sflag:s8], $0x1400  }
0x38a: {  	[sflag:s8] =	ssyncset.done $0x0  }
0x38b: {  	[sflag:s8] =	ssyncadd.s32 $0xFFFFEC00  }
0x38c: {  	[bflag:$0x0] =	sbarrier.arrive $0xFFFF  }
0x38d: {  	s31 =	rddreg [dreg:$0x11]  }
0x38e: {  	[hbm:s31], [sflag:s29] =	dma.local [spmem:s11], $0x2700  }
0x38f: {  	_ =	swait.ge [sflag:s26], $0x2700  }
0x390: {  	[sflag:s26] =	ssyncset.done $0x0  }
0x391: {  	s0 =	rddreg [dreg:$0x12];
	[sflag:s26] =	ssyncadd.s32 $0xFFFFD900  }
0x392: {  	[hbm:s0], [sflag:s29] =	dma.local @!p0 [spmem:s13], $0x100  }
0x393: {  	s0 =	simm.s32 @!p0 $0x8  }
0x394: {  	_ =	swait.ge @!p0 [sflag:s0], $0x100  }
0x395: {  	s5 =	rddreg [dreg:$0x18]  }
0x396: {  	s2 =	rddreg [dreg:$0x17];
	s5 =	sadd.s32 $0x1, s5  }
0x397: {  	p1 =	sne.s32 s5, s2  }
.Ltmp7:
0x398: {  	_ = 	snop;
	(pc) =	sbr.rel @p1 .LBB2_1-.Ltmp7, $3  }
0x399: {  	_ =	sdelay $0x1  }
0x39a: {  	[sflag:s0] =	ssyncset.done @!p0 $0x0  }
0x39b: {  	[sflag:s0] =	ssyncadd.s32 @!p0 $0xFFFFFF00  }
0x39c: {  	_ =	sfence.sel $0x180000  }
0x39d: {  	[bflag:$0x0] =	sbarrier.arrive $0xFFFF  }
0x39e: {  	_ =	strace $0x90000047  }
0x39f: {  	s0 =	stileid.u32;
	[bflag:$0x2] =	sbarrier.arrive $0xFFFF  }
0x3a0: {  	p0 =	sne.s32 s0, $0x0;
	s0 =	rddreg [dreg:$0x4]  }
0x3a1: {  	s0 =	sadd.s32 @!p0 $0x100000, s0  }
0x3a2: {  	[sflag:s0] =	ssyncadd.tile.s32 @!p0 $0x1;
	_ =	shalt  }
.Lfunc_end2:
_tile_overlayer_lowered:
.L_overlay_start_2:
0x3a3: {  	(tag) =	ssettag $0x2  }
0x3a4: {  	s0 =	rddreg [dreg:$0x0];
	s2 =	stileid.u32  }
0x3a5: {  	s1 =	rddreg [dreg:$0x1];
	p0 =	sne.s32 s2, $0x0  }
0x3a6: {  	s3 =	rddreg [dreg:$0x2];
	[bflag:$0x3] =	sbarrier.arrive $0xFFFF;
	s2 =	simm.s32 @!p0 $0x1C08  }
0x3a7: {  	[timem:s3], [sflag:s2] =	dma.local @!p0 [hbm:s0], s1  }
0x3a8: {  	s0 =	simm.s32 @!p0 $0x8  }
0x3a9: {  	_ =	swait.ge @!p0 [sflag:s0], s1  }
0x3aa: {  	s1 =	ssub.s32 @!p0 $0x0, s1;
	[sflag:s0] =	ssyncset.done @!p0 $0x0  }
0x3ab: {  	[sflag:s0] =	ssyncadd.s32 @!p0 s1  }
0x3ac: {  	[bflag:$0x3] =	sbarrier.arrive $0xFFFF  }
0x3ad: {  	_ =	shalt  }

</sc_bundles>
